<compile_context>
chip_gen: v7x
topology: tpu7x:2x2x1
jax: 0.10.2.dev20260603
libtpu: 0.0.44.dev20260713+nightly
codegen_flags: <defaults>
</compile_context>

<pallas_src>
import jax
import jax.numpy as jnp
from jax import lax
from jax.experimental import pallas as pl
from jax.experimental.pallas import tpu as pltpu
from jax.experimental.pallas import tpu_sc as plsc

N = 10000
NP = 10240
E = 320000
D_IN = 128
HID = 16
D_OUT = 64
PR = NP // 8

NC = 2
NS = 16
NW = NC * NS
CH = 128
NCHUNK = E // CH
CPW = NCHUNK // NW
NTAIL = NCHUNK - NW * CPW
RPT = NP // NS
K = 6
ROUNDS = CPW // K


def _sc_segment_sum(with_count):
    out_type = [jax.ShapeDtypeStruct((NC, NP, HID), jnp.float32)]
    scratch = [
        pltpu.VMEM((CPW, CH), jnp.int32),
        pltpu.VMEM((CPW, CH), jnp.int32),
        pltpu.VMEM((CH,), jnp.int32),
        pltpu.VMEM((CH,), jnp.int32),
        pltpu.VMEM_SHARED((NP, HID), jnp.float32),
    ]
    scratch += [pltpu.VMEM((CH, HID), jnp.float32)] * K
    scratch += [pltpu.SemaphoreType.DMA] * (2 * K)
    scratch.append(pltpu.VMEM((CH, HID), jnp.float32))
    if with_count:
        out_type.append(jax.ShapeDtypeStruct((NC, NP, HID), jnp.float32))
        scratch.append(pltpu.VMEM((CH, HID), jnp.float32))
        scratch.append(pltpu.VMEM_SHARED((NP, HID), jnp.float32))
        scratch += [pltpu.SemaphoreType.DMA] * K

    mesh = plsc.VectorSubcoreMesh(core_axis_name="c", subcore_axis_name="s")

    def body(table, ei3, *rest):
        if with_count:
            (acc_out, cnt_out, src_v, dst_v, tsrc_v, tdst_v,
             acc_sh, *rest2) = rest
            rows = rest2[:K]
            gsem = rest2[K:2 * K]
            ssem = rest2[2 * K:3 * K]
            zero_v = rest2[3 * K]
            ones_v = rest2[3 * K + 1]
            cnt_sh = rest2[3 * K + 2]
            csem = rest2[3 * K + 3:]
        else:
            (acc_out, src_v, dst_v, tsrc_v, tdst_v, acc_sh, *rest2) = rest
            rows = rest2[:K]
            gsem = rest2[K:2 * K]
            ssem = rest2[2 * K:3 * K]
            zero_v = rest2[3 * K]
        c = lax.axis_index("c")
        s = lax.axis_index("s")
        w = s * NC + c

        def fill(i, _):
            zero_v[i] = jnp.zeros((HID,), jnp.float32)
            if with_count:
                ones_v[i] = jnp.ones((HID,), jnp.float32)
            return 0
        lax.fori_loop(0, CH, fill, 0)
        for k in range(RPT // CH):
            pltpu.sync_copy(zero_v, acc_sh.at[pl.ds(s * RPT + k * CH, CH)])
            if with_count:
                pltpu.sync_copy(zero_v,
                                cnt_sh.at[pl.ds(s * RPT + k * CH, CH)])
        pltpu.sync_copy(ei3.at[0, pl.ds(w * CPW, CPW)], src_v)
        pltpu.sync_copy(ei3.at[1, pl.ds(w * CPW, CPW)], dst_v)
        plsc.subcore_barrier()

        def round_body(t, carry):
            for b in range(K):
                j = t * K + b

                @pl.when(t > 0)
                def _drain(b=b, j=j):
                    pltpu.make_async_copy(
                        rows[b], acc_sh.at[dst_v.at[j]], ssem[b]).wait()
                    if with_count:
                        pltpu.make_async_copy(
                            ones_v, cnt_sh.at[dst_v.at[j]], csem[b]).wait()

                pltpu.async_copy(table.at[src_v.at[j]], rows[b], gsem[b])
            for b in range(K):
                j = t * K + b
                pltpu.make_async_copy(
                    table.at[src_v.at[j]], rows[b], gsem[b]).wait()
                pltpu.async_copy(rows[b], acc_sh.at[dst_v.at[j]], ssem[b],
                                 add=True)
                if with_count:
                    pltpu.async_copy(ones_v, cnt_sh.at[dst_v.at[j]], csem[b],
                                     add=True)
            return carry

        lax.fori_loop(0, ROUNDS, round_body, 0)
        for b in range(K):
            pltpu.make_async_copy(rows[b], acc_sh.at[dst_v.at[b]],
                                  ssem[b]).wait()
            if with_count:
                pltpu.make_async_copy(ones_v, cnt_sh.at[dst_v.at[b]],
                                      csem[b]).wait()

        @pl.when(w < NTAIL)
        def _tail():
            r = NW * CPW + w
            pltpu.sync_copy(ei3.at[0, r], tsrc_v)
            pltpu.sync_copy(ei3.at[1, r], tdst_v)
            pltpu.sync_copy(table.at[tsrc_v], rows[0])
            pltpu.sync_copy(rows[0], acc_sh.at[tdst_v], add=True)
            if with_count:
                pltpu.sync_copy(ones_v, cnt_sh.at[tdst_v], add=True)

        plsc.subcore_barrier()
        pltpu.sync_copy(acc_sh.at[pl.ds(s * RPT, RPT)],
                        acc_out.at[c, pl.ds(s * RPT, RPT)])
        if with_count:
            pltpu.sync_copy(cnt_sh.at[pl.ds(s * RPT, RPT)],
                            cnt_out.at[c, pl.ds(s * RPT, RPT)])

    return pl.kernel(body, out_type=tuple(out_type), mesh=mesh,
                     scratch_types=scratch,
                     compiler_params=pltpu.CompilerParams(
                         use_tc_tiling_on_sc=False))


_sc_pass_count = _sc_segment_sum(with_count=True)
_sc_pass = _sc_segment_sum(with_count=False)


def _proj_body(x_ref, w_ref, ei_ref, xp_ref, xr_ref, eo_ref):
    e = ei_ref[...]
    q = jnp.right_shift(e * 6554, 23)
    eo_ref[...] = 8 * (e - q * PR) + q
    r = jnp.dot(x_ref[...], w_ref[...], preferred_element_type=jnp.float32)
    nlast = N - 7 * PR
    for m in range(8):
        lo = m * PR
        if m < 7:
            xp_ref[:, HID * m:HID * (m + 1)] = r[lo:lo + PR, :HID]
            xr_ref[:, HID * m:HID * (m + 1)] = r[lo:lo + PR, HID:]
        else:
            z = jnp.zeros((PR - nlast, HID), jnp.float32)
            xp_ref[:, HID * m:HID * (m + 1)] = jnp.concatenate(
                [r[lo:, :HID], z], axis=0)
            xr_ref[:, HID * m:HID * (m + 1)] = jnp.concatenate(
                [r[lo:, HID:], z], axis=0)


def _seg_mask():
    i = lax.broadcasted_iota(jnp.int32, (128, 128), 0) // HID
    j = lax.broadcasted_iota(jnp.int32, (128, 128), 1) // HID
    return (i == j).astype(jnp.float32)


def _layer1_body(acc, cnt, xr, b, o_ref):
    mean = (acc[0] + acc[1]) / jnp.maximum(cnt[0] + cnt[1], 1.0)
    o1 = mean + jnp.tile(b[...], (1, 8)) + xr[...]
    nrm2 = jnp.dot(o1 * o1, _seg_mask(), preferred_element_type=jnp.float32)
    o_ref[...] = jnp.maximum(o1 / jnp.maximum(jnp.sqrt(nrm2), 1e-12), 0.0)


def _layer2_body(acc, cnt, h, w_ref, b, o_ref):
    mean2 = (acc[0] + acc[1]) / jnp.maximum(cnt[0] + cnt[1], 1.0)
    hh = h[...]
    ones64 = jnp.ones((D_OUT, D_OUT), jnp.float32)
    for m in range(8):
        cm = jnp.concatenate([mean2[:, HID * m:HID * (m + 1)],
                              hh[:, HID * m:HID * (m + 1)]], axis=1)
        z = jnp.dot(cm, w_ref[...], preferred_element_type=jnp.float32) + b[...]
        nrm2 = jnp.dot(z * z, ones64, preferred_element_type=jnp.float32)
        z = z / jnp.maximum(jnp.sqrt(nrm2), 1e-12)
        se = jnp.dot(jnp.exp(z - 1.0), ones64,
                     preferred_element_type=jnp.float32)
        out = z - (jnp.log(se) + 1.0)
        if m < 7:
            o_ref[m * PR:(m + 1) * PR] = out
        else:
            o_ref[7 * PR:N] = out[:N - 7 * PR]


_f32 = jnp.float32


def kernel(x, edge_index, W1l, b1l, W1r, W2l, b2l, W2r):
    wcat1 = jnp.concatenate([W1l.T, W1r.T], axis=1)
    xpp, xrp, eo = pl.pallas_call(
        _proj_body,
        out_shape=[jax.ShapeDtypeStruct((PR, 128), _f32),
                   jax.ShapeDtypeStruct((PR, 128), _f32),
                   jax.ShapeDtypeStruct((2 * E // 128, 128), jnp.int32)],
    )(x, wcat1, edge_index.reshape(2 * E // 128, 128))
    xp_lin = xpp.reshape(NP, HID)
    ei3 = eo.reshape(2, NCHUNK, CH)

    acc1, cnt = _sc_pass_count(xp_lin, ei3)
    accp = acc1.reshape(NC, PR, 128)
    cntp = cnt.reshape(NC, PR, 128)

    hp = pl.pallas_call(
        _layer1_body,
        out_shape=jax.ShapeDtypeStruct((PR, 128), _f32),
    )(accp, cntp, xrp, b1l.reshape(1, HID))

    h_lin = hp.reshape(NP, HID)

    acc2, = _sc_pass(h_lin, ei3)
    acc2p = acc2.reshape(NC, PR, 128)

    wcat2 = jnp.concatenate([W2l.T, W2r.T], axis=0)
    return pl.pallas_call(
        _layer2_body,
        out_shape=jax.ShapeDtypeStruct((N, D_OUT), _f32),
    )(acc2p, cntp, hp, wcat2, b2l.reshape(1, D_OUT))

# --- scband reference (transcript-rebuilt; emitter-appended) ---
"""Pipeline reference for scband-graph-sage-87368224735830 (READ-ONLY COPY).

The authoritative reference and input builder live on the scoring server;
editing this copy changes nothing except your own understanding.
"""

import jax, jax.numpy as jnp
import numpy as np

N = 10000
E = 320000
D_IN = 128
HID = 16
D_OUT = 64


def setup_inputs(seed: int = 0) -> dict:
    key = jax.random.key(seed)
    ks = jax.random.split(key, 8)
    x = jax.random.normal(ks[0], (N, D_IN), dtype=jnp.float32)
    edge_index = jax.random.randint(ks[1], (2, E), 0, N, dtype=jnp.int32)
    # SAGEConv params: lin_l (applied to aggregated neighbors, has bias), lin_r (applied to root, no bias)
    W1l = jax.random.normal(ks[2], (HID, D_IN), dtype=jnp.float32) * (1.0 / np.sqrt(D_IN))
    b1l = jnp.zeros((HID,), dtype=jnp.float32)
    W1r = jax.random.normal(ks[3], (HID, D_IN), dtype=jnp.float32) * (1.0 / np.sqrt(D_IN))
    W2l = jax.random.normal(ks[4], (D_OUT, HID), dtype=jnp.float32) * (1.0 / np.sqrt(HID))
    b2l = jnp.zeros((D_OUT,), dtype=jnp.float32)
    W2r = jax.random.normal(ks[5], (D_OUT, HID), dtype=jnp.float32) * (1.0 / np.sqrt(HID))
    return {"x": x, "edge_index": edge_index, "W1l": W1l, "b1l": b1l, "W1r": W1r, "W2l": W2l, "b2l": b2l, "W2r": W2r}


def sage_conv(x, src, dst, Wl, bl, Wr):
    # mean aggregation of neighbor messages (src -> dst)
    msg = x[src]
    summed = jax.ops.segment_sum(msg, dst, num_segments=N)
    cnt = jax.ops.segment_sum(jnp.ones((src.shape[0],), dtype=x.dtype), dst, num_segments=N)
    mean = summed / jnp.clip(cnt, 1.0)[:, None]
    out = mean @ Wl.T + bl + x @ Wr.T
    # normalize=True -> l2 normalize per node
    norm = jnp.linalg.norm(out, axis=-1, keepdims=True)
    return out / jnp.maximum(norm, 1e-12)


def reference(x, edge_index, W1l, b1l, W1r, W2l, b2l, W2r):
    src = edge_index[0]
    dst = edge_index[1]
    h = jax.nn.relu(sage_conv(x, src, dst, W1l, b1l, W1r))
    # dropout p=0.5 is identity in eval mode
    h = sage_conv(h, src, dst, W2l, b2l, W2r)
    return jax.nn.log_softmax(h, axis=1)

if __name__ == "__main__":
    import jax
    _d = setup_inputs()
    print(jax.jit(kernel)(*tuple(_d.values())))

</pallas_src>

<mosaic_0001>
#map = affine_map<(d0, d1) -> (0, 0)>
#map1 = affine_map<(d0, d1) -> (0, 0, 0)>
module attributes {stable_mosaic.version = 14 : i64} {
  func.func @body(%arg0: i32, %arg1: i32, %arg2: memref<10240x16xf32, #tpu.memory_space<hbm>>, %arg3: memref<2x2500x128xi32, #tpu.memory_space<hbm>>, %arg4: memref<2x10240x16xf32, #tpu.memory_space<hbm>>, %arg5: memref<78x128xi32, #tpu.memory_space<vmem>>, %arg6: memref<78x128xi32, #tpu.memory_space<vmem>>, %arg7: memref<128xi32, #tpu.memory_space<vmem>>, %arg8: memref<128xi32, #tpu.memory_space<vmem>>, %arg9: memref<10240x16xf32, #tpu.memory_space<vmem_shared>>, %arg10: memref<128x16xf32, #tpu.memory_space<vmem>>, %arg11: memref<128x16xf32, #tpu.memory_space<vmem>>, %arg12: memref<128x16xf32, #tpu.memory_space<vmem>>, %arg13: memref<128x16xf32, #tpu.memory_space<vmem>>, %arg14: memref<128x16xf32, #tpu.memory_space<vmem>>, %arg15: memref<128x16xf32, #tpu.memory_space<vmem>>, %arg16: memref<!tpu.dma_semaphore, #tpu.memory_space<semaphore_mem>>, %arg17: memref<!tpu.dma_semaphore, #tpu.memory_space<semaphore_mem>>, %arg18: memref<!tpu.dma_semaphore, #tpu.memory_space<semaphore_mem>>, %arg19: memref<!tpu.dma_semaphore, #tpu.memory_space<semaphore_mem>>, %arg20: memref<!tpu.dma_semaphore, #tpu.memory_space<semaphore_mem>>, %arg21: memref<!tpu.dma_semaphore, #tpu.memory_space<semaphore_mem>>, %arg22: memref<!tpu.dma_semaphore, #tpu.memory_space<semaphore_mem>>, %arg23: memref<!tpu.dma_semaphore, #tpu.memory_space<semaphore_mem>>, %arg24: memref<!tpu.dma_semaphore, #tpu.memory_space<semaphore_mem>>, %arg25: memref<!tpu.dma_semaphore, #tpu.memory_space<semaphore_mem>>, %arg26: memref<!tpu.dma_semaphore, #tpu.memory_space<semaphore_mem>>, %arg27: memref<!tpu.dma_semaphore, #tpu.memory_space<semaphore_mem>>, %arg28: memref<128x16xf32, #tpu.memory_space<vmem>>) attributes {dimension_semantics = [#tpu.dimension_semantics<core_parallel>, #tpu.dimension_semantics<subcore_parallel>], iteration_bounds = array<i64: 2, 16>, scalar_prefetch = 0 : i64, scratch_operands = 24 : i64, tpu.core_type = #tpu.core_type<sc_vector_subcore>, window_params = [{transform_indices = #map}, {transform_indices = #map1}, {transform_indices = #map1}]} {
    %mul3A = arith.constant 2 : i32
    %mul3A_0 = arith.muli %arg1, %mul3A : i32
    %add3A = arith.addi %mul3A_0, %arg0 : i32
    %scan3A = arith.constant 0 : i32
    %scan3A_1 = arith.constant 0 : i32
    %scan3A_2 = arith.constant 128 : i32
    %scan3A_3 = arith.addi %scan3A_1, %scan3A_2 : i32
    %scan3A_4 = arith.constant 1 : i32
    %scan3A_5 = scf.for %scan3A_86 = %scan3A_1 to %scan3A_3 step %scan3A_4 iter_args(%scan3A_87 = %scan3A) -> (i32)  : i32 {
      %broadcast_in_dim3A = arith.constant 0.000000e+00 : f32
      %broadcast_in_dim3A_88 = vector.broadcast %broadcast_in_dim3A : f32 to vector<16xf32>
      %swap3A = arith.index_cast %scan3A_86 : i32 to index
      %swap3A_89 = arith.constant 0 : index
      %swap3A_90 = tpu.vector_load %arg28[%swap3A, %swap3A_89] {strides = array<i32>} : memref<128x16xf32, #tpu.memory_space<vmem>>, vector<1x16xf32>,
      %swap3A_91 = vector.shape_cast %swap3A_90 : vector<1x16xf32> to vector<16xf32>
      %swap3A_92 = vector.shape_cast %broadcast_in_dim3A_88 : vector<16xf32> to vector<1x16xf32>
      tpu.vector_store %arg28[%swap3A, %swap3A_89], %swap3A_92 {strides = array<i32>} : memref<128x16xf32, #tpu.memory_space<vmem>>, vector<1x16xf32>,
      %scan3A_93 = arith.constant 0 : i32
      scf.yield %scan3A_93 : i32
    }
    %scan3A_6 = arith.constant 128 : i32
    %mul3A_7 = arith.constant 640 : i32
    %mul3A_8 = arith.muli %arg1, %mul3A_7 : i32
    %add3A_9 = arith.constant 0 : i32
    %add3A_10 = arith.addi %mul3A_8, %add3A_9 : i32
    "tpu.region"() ({
      %run_scoped3A_86 = tpu.sem_alloc : memref<!tpu.dma_semaphore, #tpu.memory_space<semaphore_mem>>
      %dma_start3A = arith.constant 0 : i32
      %dma_start3A_87 = tpu.memref_slice %arg9[%add3A_10, %dma_start3A] : memref<10240x16xf32, #tpu.memory_space<vmem_shared>> -> memref<128x16xf32, #tpu.memory_space<vmem_shared>>
      %dma_start3A_88 = arith.constant 0 : i32
      %dma_start3A_89 = tpu.memref_slice %arg9[%add3A_10, %dma_start3A_88] : memref<10240x16xf32, #tpu.memory_space<vmem_shared>> -> memref<128x16xf32, #tpu.memory_space<vmem_shared>>
      tpu.enqueue_dma source(%arg28 : memref<128x16xf32, #tpu.memory_space<vmem>>) target(%dma_start3A_89 : memref<128x16xf32, #tpu.memory_space<vmem_shared>>) target_semaphore(%run_scoped3A_86 : memref<!tpu.dma_semaphore, #tpu.memory_space<semaphore_mem>>)
      %dma_wait3A_90 = arith.constant 0 : i32
      %dma_wait3A_91 = tpu.memref_slice %arg9[%add3A_10, %dma_wait3A_90] : memref<10240x16xf32, #tpu.memory_space<vmem_shared>> -> memref<128x16xf32, #tpu.memory_space<vmem_shared>>
      %dma_wait3A_92 = arith.constant 0 : i32
      %dma_wait3A_93 = tpu.memref_slice %arg9[%add3A_10, %dma_wait3A_92] : memref<10240x16xf32, #tpu.memory_space<vmem_shared>> -> memref<128x16xf32, #tpu.memory_space<vmem_shared>>
      tpu.wait_dma2 semaphore(%run_scoped3A_86 : memref<!tpu.dma_semaphore, #tpu.memory_space<semaphore_mem>>) src(%arg28 : memref<128x16xf32, #tpu.memory_space<vmem>>) dst(%dma_wait3A_93 : memref<128x16xf32, #tpu.memory_space<vmem_shared>>)
      tpu.yield
    }) : () -> ()
    %mul3A_11 = arith.constant 640 : i32
    %mul3A_12 = arith.muli %arg1, %mul3A_11 : i32
    %add3A_13 = arith.constant 128 : i32
    %add3A_14 = arith.addi %mul3A_12, %add3A_13 : i32
    "tpu.region"() ({
      %run_scoped3A_86 = tpu.sem_alloc : memref<!tpu.dma_semaphore, #tpu.memory_space<semaphore_mem>>
      %dma_start3A = arith.constant 0 : i32
      %dma_start3A_87 = tpu.memref_slice %arg9[%add3A_14, %dma_start3A] : memref<10240x16xf32, #tpu.memory_space<vmem_shared>> -> memref<128x16xf32, #tpu.memory_space<vmem_shared>>
      %dma_start3A_88 = arith.constant 0 : i32
      %dma_start3A_89 = tpu.memref_slice %arg9[%add3A_14, %dma_start3A_88] : memref<10240x16xf32, #tpu.memory_space<vmem_shared>> -> memref<128x16xf32, #tpu.memory_space<vmem_shared>>
      tpu.enqueue_dma source(%arg28 : memref<128x16xf32, #tpu.memory_space<vmem>>) target(%dma_start3A_89 : memref<128x16xf32, #tpu.memory_space<vmem_shared>>) target_semaphore(%run_scoped3A_86 : memref<!tpu.dma_semaphore, #tpu.memory_space<semaphore_mem>>)
      %dma_wait3A_90 = arith.constant 0 : i32
      %dma_wait3A_91 = tpu.memref_slice %arg9[%add3A_14, %dma_wait3A_90] : memref<10240x16xf32, #tpu.memory_space<vmem_shared>> -> memref<128x16xf32, #tpu.memory_space<vmem_shared>>
      %dma_wait3A_92 = arith.constant 0 : i32
      %dma_wait3A_93 = tpu.memref_slice %arg9[%add3A_14, %dma_wait3A_92] : memref<10240x16xf32, #tpu.memory_space<vmem_shared>> -> memref<128x16xf32, #tpu.memory_space<vmem_shared>>
      tpu.wait_dma2 semaphore(%run_scoped3A_86 : memref<!tpu.dma_semaphore, #tpu.memory_space<semaphore_mem>>) src(%arg28 : memref<128x16xf32, #tpu.memory_space<vmem>>) dst(%dma_wait3A_93 : memref<128x16xf32, #tpu.memory_space<vmem_shared>>)
      tpu.yield
    }) : () -> ()
    %mul3A_15 = arith.constant 640 : i32
    %mul3A_16 = arith.muli %arg1, %mul3A_15 : i32
    %add3A_17 = arith.constant 256 : i32
    %add3A_18 = arith.addi %mul3A_16, %add3A_17 : i32
    "tpu.region"() ({
      %run_scoped3A_86 = tpu.sem_alloc : memref<!tpu.dma_semaphore, #tpu.memory_space<semaphore_mem>>
      %dma_start3A = arith.constant 0 : i32
      %dma_start3A_87 = tpu.memref_slice %arg9[%add3A_18, %dma_start3A] : memref<10240x16xf32, #tpu.memory_space<vmem_shared>> -> memref<128x16xf32, #tpu.memory_space<vmem_shared>>
      %dma_start3A_88 = arith.constant 0 : i32
      %dma_start3A_89 = tpu.memref_slice %arg9[%add3A_18, %dma_start3A_88] : memref<10240x16xf32, #tpu.memory_space<vmem_shared>> -> memref<128x16xf32, #tpu.memory_space<vmem_shared>>
      tpu.enqueue_dma source(%arg28 : memref<128x16xf32, #tpu.memory_space<vmem>>) target(%dma_start3A_89 : memref<128x16xf32, #tpu.memory_space<vmem_shared>>) target_semaphore(%run_scoped3A_86 : memref<!tpu.dma_semaphore, #tpu.memory_space<semaphore_mem>>)
      %dma_wait3A_90 = arith.constant 0 : i32
      %dma_wait3A_91 = tpu.memref_slice %arg9[%add3A_18, %dma_wait3A_90] : memref<10240x16xf32, #tpu.memory_space<vmem_shared>> -> memref<128x16xf32, #tpu.memory_space<vmem_shared>>
      %dma_wait3A_92 = arith.constant 0 : i32
      %dma_wait3A_93 = tpu.memref_slice %arg9[%add3A_18, %dma_wait3A_92] : memref<10240x16xf32, #tpu.memory_space<vmem_shared>> -> memref<128x16xf32, #tpu.memory_space<vmem_shared>>
      tpu.wait_dma2 semaphore(%run_scoped3A_86 : memref<!tpu.dma_semaphore, #tpu.memory_space<semaphore_mem>>) src(%arg28 : memref<128x16xf32, #tpu.memory_space<vmem>>) dst(%dma_wait3A_93 : memref<128x16xf32, #tpu.memory_space<vmem_shared>>)
      tpu.yield
    }) : () -> ()
    %mul3A_19 = arith.constant 640 : i32
    %mul3A_20 = arith.muli %arg1, %mul3A_19 : i32
    %add3A_21 = arith.constant 384 : i32
    %add3A_22 = arith.addi %mul3A_20, %add3A_21 : i32
    "tpu.region"() ({
      %run_scoped3A_86 = tpu.sem_alloc : memref<!tpu.dma_semaphore, #tpu.memory_space<semaphore_mem>>
      %dma_start3A = arith.constant 0 : i32
      %dma_start3A_87 = tpu.memref_slice %arg9[%add3A_22, %dma_start3A] : memref<10240x16xf32, #tpu.memory_space<vmem_shared>> -> memref<128x16xf32, #tpu.memory_space<vmem_shared>>
      %dma_start3A_88 = arith.constant 0 : i32
      %dma_start3A_89 = tpu.memref_slice %arg9[%add3A_22, %dma_start3A_88] : memref<10240x16xf32, #tpu.memory_space<vmem_shared>> -> memref<128x16xf32, #tpu.memory_space<vmem_shared>>
      tpu.enqueue_dma source(%arg28 : memref<128x16xf32, #tpu.memory_space<vmem>>) target(%dma_start3A_89 : memref<128x16xf32, #tpu.memory_space<vmem_shared>>) target_semaphore(%run_scoped3A_86 : memref<!tpu.dma_semaphore, #tpu.memory_space<semaphore_mem>>)
      %dma_wait3A_90 = arith.constant 0 : i32
      %dma_wait3A_91 = tpu.memref_slice %arg9[%add3A_22, %dma_wait3A_90] : memref<10240x16xf32, #tpu.memory_space<vmem_shared>> -> memref<128x16xf32, #tpu.memory_space<vmem_shared>>
      %dma_wait3A_92 = arith.constant 0 : i32
      %dma_wait3A_93 = tpu.memref_slice %arg9[%add3A_22, %dma_wait3A_92] : memref<10240x16xf32, #tpu.memory_space<vmem_shared>> -> memref<128x16xf32, #tpu.memory_space<vmem_shared>>
      tpu.wait_dma2 semaphore(%run_scoped3A_86 : memref<!tpu.dma_semaphore, #tpu.memory_space<semaphore_mem>>) src(%arg28 : memref<128x16xf32, #tpu.memory_space<vmem>>) dst(%dma_wait3A_93 : memref<128x16xf32, #tpu.memory_space<vmem_shared>>)
      tpu.yield
    }) : () -> ()
    %mul3A_23 = arith.constant 640 : i32
    %mul3A_24 = arith.muli %arg1, %mul3A_23 : i32
    %add3A_25 = arith.constant 512 : i32
    %add3A_26 = arith.addi %mul3A_24, %add3A_25 : i32
    "tpu.region"() ({
      %run_scoped3A_86 = tpu.sem_alloc : memref<!tpu.dma_semaphore, #tpu.memory_space<semaphore_mem>>
      %dma_start3A = arith.constant 0 : i32
      %dma_start3A_87 = tpu.memref_slice %arg9[%add3A_26, %dma_start3A] : memref<10240x16xf32, #tpu.memory_space<vmem_shared>> -> memref<128x16xf32, #tpu.memory_space<vmem_shared>>
      %dma_start3A_88 = arith.constant 0 : i32
      %dma_start3A_89 = tpu.memref_slice %arg9[%add3A_26, %dma_start3A_88] : memref<10240x16xf32, #tpu.memory_space<vmem_shared>> -> memref<128x16xf32, #tpu.memory_space<vmem_shared>>
      tpu.enqueue_dma source(%arg28 : memref<128x16xf32, #tpu.memory_space<vmem>>) target(%dma_start3A_89 : memref<128x16xf32, #tpu.memory_space<vmem_shared>>) target_semaphore(%run_scoped3A_86 : memref<!tpu.dma_semaphore, #tpu.memory_space<semaphore_mem>>)
      %dma_wait3A_90 = arith.constant 0 : i32
      %dma_wait3A_91 = tpu.memref_slice %arg9[%add3A_26, %dma_wait3A_90] : memref<10240x16xf32, #tpu.memory_space<vmem_shared>> -> memref<128x16xf32, #tpu.memory_space<vmem_shared>>
      %dma_wait3A_92 = arith.constant 0 : i32
      %dma_wait3A_93 = tpu.memref_slice %arg9[%add3A_26, %dma_wait3A_92] : memref<10240x16xf32, #tpu.memory_space<vmem_shared>> -> memref<128x16xf32, #tpu.memory_space<vmem_shared>>
      tpu.wait_dma2 semaphore(%run_scoped3A_86 : memref<!tpu.dma_semaphore, #tpu.memory_space<semaphore_mem>>) src(%arg28 : memref<128x16xf32, #tpu.memory_space<vmem>>) dst(%dma_wait3A_93 : memref<128x16xf32, #tpu.memory_space<vmem_shared>>)
      tpu.yield
    }) : () -> ()
    %mul3A_27 = arith.constant 78 : i32
    %mul3A_28 = arith.muli %add3A, %mul3A_27 : i32
    %run_scoped3A = arith.constant 0 : i32
    "tpu.region"() ({
      %run_scoped3A_86 = tpu.sem_alloc : memref<!tpu.dma_semaphore, #tpu.memory_space<semaphore_mem>>
      %dma_start3A = arith.constant 0 : i32
      %dma_start3A_87 = tpu.memref_slice %arg3[%run_scoped3A, %mul3A_28, %dma_start3A] : memref<2x2500x128xi32, #tpu.memory_space<hbm>> -> memref<1x78x128xi32, #tpu.memory_space<hbm>>
      %dma_start3A_88 = tpu.memref_squeeze %dma_start3A_87 : memref<1x78x128xi32, #tpu.memory_space<hbm>> -> memref<78x128xi32, #tpu.memory_space<hbm>>
      %dma_start3A_89 = arith.constant 0 : i32
      %dma_start3A_90 = tpu.memref_slice %arg3[%run_scoped3A, %mul3A_28, %dma_start3A_89] : memref<2x2500x128xi32, #tpu.memory_space<hbm>> -> memref<1x78x128xi32, #tpu.memory_space<hbm>>
      %dma_start3A_91 = tpu.memref_squeeze %dma_start3A_90 : memref<1x78x128xi32, #tpu.memory_space<hbm>> -> memref<78x128xi32, #tpu.memory_space<hbm>>
      tpu.enqueue_dma source(%dma_start3A_91 : memref<78x128xi32, #tpu.memory_space<hbm>>) target(%arg5 : memref<78x128xi32, #tpu.memory_space<vmem>>) target_semaphore(%run_scoped3A_86 : memref<!tpu.dma_semaphore, #tpu.memory_space<semaphore_mem>>)
      %dma_wait3A_92 = arith.constant 0 : i32
      %dma_wait3A_93 = tpu.memref_slice %arg3[%run_scoped3A, %mul3A_28, %dma_wait3A_92] : memref<2x2500x128xi32, #tpu.memory_space<hbm>> -> memref<1x78x128xi32, #tpu.memory_space<hbm>>
      %dma_wait3A_94 = tpu.memref_squeeze %dma_wait3A_93 : memref<1x78x128xi32, #tpu.memory_space<hbm>> -> memref<78x128xi32, #tpu.memory_space<hbm>>
      %dma_wait3A_95 = arith.constant 0 : i32
      %dma_wait3A_96 = tpu.memref_slice %arg3[%run_scoped3A, %mul3A_28, %dma_wait3A_95] : memref<2x2500x128xi32, #tpu.memory_space<hbm>> -> memref<1x78x128xi32, #tpu.memory_space<hbm>>
      %dma_wait3A_97 = tpu.memref_squeeze %dma_wait3A_96 : memref<1x78x128xi32, #tpu.memory_space<hbm>> -> memref<78x128xi32, #tpu.memory_space<hbm>>
      tpu.wait_dma2 semaphore(%run_scoped3A_86 : memref<!tpu.dma_semaphore, #tpu.memory_space<semaphore_mem>>) src(%dma_wait3A_97 : memref<78x128xi32, #tpu.memory_space<hbm>>) dst(%arg5 : memref<78x128xi32, #tpu.memory_space<vmem>>)
      tpu.yield
    }) : () -> ()
    %mul3A_29 = arith.constant 78 : i32
    %mul3A_30 = arith.muli %add3A, %mul3A_29 : i32
    %run_scoped3A_31 = arith.constant 1 : i32
    "tpu.region"() ({
      %run_scoped3A_86 = tpu.sem_alloc : memref<!tpu.dma_semaphore, #tpu.memory_space<semaphore_mem>>
      %dma_start3A = arith.constant 0 : i32
      %dma_start3A_87 = tpu.memref_slice %arg3[%run_scoped3A_31, %mul3A_30, %dma_start3A] : memref<2x2500x128xi32, #tpu.memory_space<hbm>> -> memref<1x78x128xi32, #tpu.memory_space<hbm>>
      %dma_start3A_88 = tpu.memref_squeeze %dma_start3A_87 : memref<1x78x128xi32, #tpu.memory_space<hbm>> -> memref<78x128xi32, #tpu.memory_space<hbm>>
      %dma_start3A_89 = arith.constant 0 : i32
      %dma_start3A_90 = tpu.memref_slice %arg3[%run_scoped3A_31, %mul3A_30, %dma_start3A_89] : memref<2x2500x128xi32, #tpu.memory_space<hbm>> -> memref<1x78x128xi32, #tpu.memory_space<hbm>>
      %dma_start3A_91 = tpu.memref_squeeze %dma_start3A_90 : memref<1x78x128xi32, #tpu.memory_space<hbm>> -> memref<78x128xi32, #tpu.memory_space<hbm>>
      tpu.enqueue_dma source(%dma_start3A_91 : memref<78x128xi32, #tpu.memory_space<hbm>>) target(%arg6 : memref<78x128xi32, #tpu.memory_space<vmem>>) target_semaphore(%run_scoped3A_86 : memref<!tpu.dma_semaphore, #tpu.memory_space<semaphore_mem>>)
      %dma_wait3A_92 = arith.constant 0 : i32
      %dma_wait3A_93 = tpu.memref_slice %arg3[%run_scoped3A_31, %mul3A_30, %dma_wait3A_92] : memref<2x2500x128xi32, #tpu.memory_space<hbm>> -> memref<1x78x128xi32, #tpu.memory_space<hbm>>
      %dma_wait3A_94 = tpu.memref_squeeze %dma_wait3A_93 : memref<1x78x128xi32, #tpu.memory_space<hbm>> -> memref<78x128xi32, #tpu.memory_space<hbm>>
      %dma_wait3A_95 = arith.constant 0 : i32
      %dma_wait3A_96 = tpu.memref_slice %arg3[%run_scoped3A_31, %mul3A_30, %dma_wait3A_95] : memref<2x2500x128xi32, #tpu.memory_space<hbm>> -> memref<1x78x128xi32, #tpu.memory_space<hbm>>
      %dma_wait3A_97 = tpu.memref_squeeze %dma_wait3A_96 : memref<1x78x128xi32, #tpu.memory_space<hbm>> -> memref<78x128xi32, #tpu.memory_space<hbm>>
      tpu.wait_dma2 semaphore(%run_scoped3A_86 : memref<!tpu.dma_semaphore, #tpu.memory_space<semaphore_mem>>) src(%dma_wait3A_97 : memref<78x128xi32, #tpu.memory_space<hbm>>) dst(%arg6 : memref<78x128xi32, #tpu.memory_space<vmem>>)
      tpu.yield
    }) : () -> ()
    %barrier3A = arith.constant 0 : index
    tpu.barrier barrier_id(%barrier3A)
    %scan3A_32 = arith.constant 0 : i32
    %scan3A_33 = arith.constant 0 : i32
    %scan3A_34 = arith.constant 13 : i32
    %scan3A_35 = arith.addi %scan3A_33, %scan3A_34 : i32
    %scan3A_36 = arith.constant 1 : i32
    scf.for %scan3A_86 = %scan3A_33 to %scan3A_35 step %scan3A_36  : i32 {
      %mul3A_87 = arith.constant 6 : i32
      %mul3A_88 = arith.muli %scan3A_86, %mul3A_87 : i32
      %add3A_89 = arith.constant 0 : i32
      %add3A_90 = arith.addi %mul3A_88, %add3A_89 : i32
      %gt3A = arith.constant 0 : i32
      %gt3A_91 = arith.cmpi sgt, %scan3A_86, %gt3A : i32
      %convert_element_type3A_92 = arith.extui %gt3A_91 : i1 to i32
      %cond3A_93 = arith.constant 0 : i32
      %cond3A_94 = arith.cmpi ne, %convert_element_type3A_92, %cond3A_93 : i32
      scf.if %cond3A_94 {
        %dma_wait3A_271 = arith.constant 0 : i32
        %dma_wait3A_272 = tpu.memref_slice %arg6[%add3A_90, %dma_wait3A_271] : memref<78x128xi32, #tpu.memory_space<vmem>> -> memref<1x128xi32, #tpu.memory_space<vmem>>
        %dma_wait3A_273 = tpu.memref_squeeze %dma_wait3A_272 : memref<1x128xi32, #tpu.memory_space<vmem>> -> memref<128xi32, #tpu.memory_space<vmem>>
        %dma_wait3A_274 = arith.constant 0 : i32
        %dma_wait3A_275 = arith.constant 0 : i32
        %dma_wait3A_276 = tpu.memref_slice %arg9[%dma_wait3A_274, %dma_wait3A_275] : memref<10240x16xf32, #tpu.memory_space<vmem_shared>> -> memref<10240x16xf32, #tpu.memory_space<vmem_shared>>
        tpu.wait_indirect_dma semaphore(%arg22 : memref<!tpu.dma_semaphore, #tpu.memory_space<semaphore_mem>>) src(%arg10 : memref<128x16xf32, #tpu.memory_space<vmem>>) dst(%dma_wait3A_276 : memref<10240x16xf32, #tpu.memory_space<vmem_shared>>)
      } else {
      }
      %dma_start3A = arith.constant 0 : i32
      %dma_start3A_95 = tpu.memref_slice %arg5[%add3A_90, %dma_start3A] : memref<78x128xi32, #tpu.memory_space<vmem>> -> memref<1x128xi32, #tpu.memory_space<vmem>>
      %dma_start3A_96 = tpu.memref_squeeze %dma_start3A_95 : memref<1x128xi32, #tpu.memory_space<vmem>> -> memref<128xi32, #tpu.memory_space<vmem>>
      %dma_start3A_97 = arith.constant 0 : i32
      %dma_start3A_98 = arith.constant 0 : i32
      %dma_start3A_99 = tpu.memref_slice %arg2[%dma_start3A_97, %dma_start3A_98] : memref<10240x16xf32, #tpu.memory_space<hbm>> -> memref<10240x16xf32, #tpu.memory_space<hbm>>
      tpu.enqueue_indirect_dma source(%dma_start3A_99 : memref<10240x16xf32, #tpu.memory_space<hbm>>) target(%arg10 : memref<128x16xf32, #tpu.memory_space<vmem>>) offsets(%dma_start3A_96 : memref<128xi32, #tpu.memory_space<vmem>>) semaphore(%arg16 : memref<!tpu.dma_semaphore, #tpu.memory_space<semaphore_mem>>)
      %mul3A_100 = arith.constant 6 : i32
      %mul3A_101 = arith.muli %scan3A_86, %mul3A_100 : i32
      %add3A_102 = arith.constant 1 : i32
      %add3A_103 = arith.addi %mul3A_101, %add3A_102 : i32
      %gt3A_104 = arith.constant 0 : i32
      %gt3A_105 = arith.cmpi sgt, %scan3A_86, %gt3A_104 : i32
      %convert_element_type3A_106 = arith.extui %gt3A_105 : i1 to i32
      %cond3A_107 = arith.constant 0 : i32
      %cond3A_108 = arith.cmpi ne, %convert_element_type3A_106, %cond3A_107 : i32
      scf.if %cond3A_108 {
        %dma_wait3A_271 = arith.constant 0 : i32
        %dma_wait3A_272 = tpu.memref_slice %arg6[%add3A_103, %dma_wait3A_271] : memref<78x128xi32, #tpu.memory_space<vmem>> -> memref<1x128xi32, #tpu.memory_space<vmem>>
        %dma_wait3A_273 = tpu.memref_squeeze %dma_wait3A_272 : memref<1x128xi32, #tpu.memory_space<vmem>> -> memref<128xi32, #tpu.memory_space<vmem>>
        %dma_wait3A_274 = arith.constant 0 : i32
        %dma_wait3A_275 = arith.constant 0 : i32
        %dma_wait3A_276 = tpu.memref_slice %arg9[%dma_wait3A_274, %dma_wait3A_275] : memref<10240x16xf32, #tpu.memory_space<vmem_shared>> -> memref<10240x16xf32, #tpu.memory_space<vmem_shared>>
        tpu.wait_indirect_dma semaphore(%arg23 : memref<!tpu.dma_semaphore, #tpu.memory_space<semaphore_mem>>) src(%arg11 : memref<128x16xf32, #tpu.memory_space<vmem>>) dst(%dma_wait3A_276 : memref<10240x16xf32, #tpu.memory_space<vmem_shared>>)
      } else {
      }
      %dma_start3A_109 = arith.constant 0 : i32
      %dma_start3A_110 = tpu.memref_slice %arg5[%add3A_103, %dma_start3A_109] : memref<78x128xi32, #tpu.memory_space<vmem>> -> memref<1x128xi32, #tpu.memory_space<vmem>>
      %dma_start3A_111 = tpu.memref_squeeze %dma_start3A_110 : memref<1x128xi32, #tpu.memory_space<vmem>> -> memref<128xi32, #tpu.memory_space<vmem>>
      %dma_start3A_112 = arith.constant 0 : i32
      %dma_start3A_113 = arith.constant 0 : i32
      %dma_start3A_114 = tpu.memref_slice %arg2[%dma_start3A_112, %dma_start3A_113] : memref<10240x16xf32, #tpu.memory_space<hbm>> -> memref<10240x16xf32, #tpu.memory_space<hbm>>
      tpu.enqueue_indirect_dma source(%dma_start3A_114 : memref<10240x16xf32, #tpu.memory_space<hbm>>) target(%arg11 : memref<128x16xf32, #tpu.memory_space<vmem>>) offsets(%dma_start3A_111 : memref<128xi32, #tpu.memory_space<vmem>>) semaphore(%arg17 : memref<!tpu.dma_semaphore, #tpu.memory_space<semaphore_mem>>)
      %mul3A_115 = arith.constant 6 : i32
      %mul3A_116 = arith.muli %scan3A_86, %mul3A_115 : i32
      %add3A_117 = arith.constant 2 : i32
      %add3A_118 = arith.addi %mul3A_116, %add3A_117 : i32
      %gt3A_119 = arith.constant 0 : i32
      %gt3A_120 = arith.cmpi sgt, %scan3A_86, %gt3A_119 : i32
      %convert_element_type3A_121 = arith.extui %gt3A_120 : i1 to i32
      %cond3A_122 = arith.constant 0 : i32
      %cond3A_123 = arith.cmpi ne, %convert_element_type3A_121, %cond3A_122 : i32
      scf.if %cond3A_123 {
        %dma_wait3A_271 = arith.constant 0 : i32
        %dma_wait3A_272 = tpu.memref_slice %arg6[%add3A_118, %dma_wait3A_271] : memref<78x128xi32, #tpu.memory_space<vmem>> -> memref<1x128xi32, #tpu.memory_space<vmem>>
        %dma_wait3A_273 = tpu.memref_squeeze %dma_wait3A_272 : memref<1x128xi32, #tpu.memory_space<vmem>> -> memref<128xi32, #tpu.memory_space<vmem>>
        %dma_wait3A_274 = arith.constant 0 : i32
        %dma_wait3A_275 = arith.constant 0 : i32
        %dma_wait3A_276 = tpu.memref_slice %arg9[%dma_wait3A_274, %dma_wait3A_275] : memref<10240x16xf32, #tpu.memory_space<vmem_shared>> -> memref<10240x16xf32, #tpu.memory_space<vmem_shared>>
        tpu.wait_indirect_dma semaphore(%arg24 : memref<!tpu.dma_semaphore, #tpu.memory_space<semaphore_mem>>) src(%arg12 : memref<128x16xf32, #tpu.memory_space<vmem>>) dst(%dma_wait3A_276 : memref<10240x16xf32, #tpu.memory_space<vmem_shared>>)
      } else {
      }
      %dma_start3A_124 = arith.constant 0 : i32
      %dma_start3A_125 = tpu.memref_slice %arg5[%add3A_118, %dma_start3A_124] : memref<78x128xi32, #tpu.memory_space<vmem>> -> memref<1x128xi32, #tpu.memory_space<vmem>>
      %dma_start3A_126 = tpu.memref_squeeze %dma_start3A_125 : memref<1x128xi32, #tpu.memory_space<vmem>> -> memref<128xi32, #tpu.memory_space<vmem>>
      %dma_start3A_127 = arith.constant 0 : i32
      %dma_start3A_128 = arith.constant 0 : i32
      %dma_start3A_129 = tpu.memref_slice %arg2[%dma_start3A_127, %dma_start3A_128] : memref<10240x16xf32, #tpu.memory_space<hbm>> -> memref<10240x16xf32, #tpu.memory_space<hbm>>
      tpu.enqueue_indirect_dma source(%dma_start3A_129 : memref<10240x16xf32, #tpu.memory_space<hbm>>) target(%arg12 : memref<128x16xf32, #tpu.memory_space<vmem>>) offsets(%dma_start3A_126 : memref<128xi32, #tpu.memory_space<vmem>>) semaphore(%arg18 : memref<!tpu.dma_semaphore, #tpu.memory_space<semaphore_mem>>)
      %mul3A_130 = arith.constant 6 : i32
      %mul3A_131 = arith.muli %scan3A_86, %mul3A_130 : i32
      %add3A_132 = arith.constant 3 : i32
      %add3A_133 = arith.addi %mul3A_131, %add3A_132 : i32
      %gt3A_134 = arith.constant 0 : i32
      %gt3A_135 = arith.cmpi sgt, %scan3A_86, %gt3A_134 : i32
      %convert_element_type3A_136 = arith.extui %gt3A_135 : i1 to i32
      %cond3A_137 = arith.constant 0 : i32
      %cond3A_138 = arith.cmpi ne, %convert_element_type3A_136, %cond3A_137 : i32
      scf.if %cond3A_138 {
        %dma_wait3A_271 = arith.constant 0 : i32
        %dma_wait3A_272 = tpu.memref_slice %arg6[%add3A_133, %dma_wait3A_271] : memref<78x128xi32, #tpu.memory_space<vmem>> -> memref<1x128xi32, #tpu.memory_space<vmem>>
        %dma_wait3A_273 = tpu.memref_squeeze %dma_wait3A_272 : memref<1x128xi32, #tpu.memory_space<vmem>> -> memref<128xi32, #tpu.memory_space<vmem>>
        %dma_wait3A_274 = arith.constant 0 : i32
        %dma_wait3A_275 = arith.constant 0 : i32
        %dma_wait3A_276 = tpu.memref_slice %arg9[%dma_wait3A_274, %dma_wait3A_275] : memref<10240x16xf32, #tpu.memory_space<vmem_shared>> -> memref<10240x16xf32, #tpu.memory_space<vmem_shared>>
        tpu.wait_indirect_dma semaphore(%arg25 : memref<!tpu.dma_semaphore, #tpu.memory_space<semaphore_mem>>) src(%arg13 : memref<128x16xf32, #tpu.memory_space<vmem>>) dst(%dma_wait3A_276 : memref<10240x16xf32, #tpu.memory_space<vmem_shared>>)
      } else {
      }
      %dma_start3A_139 = arith.constant 0 : i32
      %dma_start3A_140 = tpu.memref_slice %arg5[%add3A_133, %dma_start3A_139] : memref<78x128xi32, #tpu.memory_space<vmem>> -> memref<1x128xi32, #tpu.memory_space<vmem>>
      %dma_start3A_141 = tpu.memref_squeeze %dma_start3A_140 : memref<1x128xi32, #tpu.memory_space<vmem>> -> memref<128xi32, #tpu.memory_space<vmem>>
      %dma_start3A_142 = arith.constant 0 : i32
      %dma_start3A_143 = arith.constant 0 : i32
      %dma_start3A_144 = tpu.memref_slice %arg2[%dma_start3A_142, %dma_start3A_143] : memref<10240x16xf32, #tpu.memory_space<hbm>> -> memref<10240x16xf32, #tpu.memory_space<hbm>>
      tpu.enqueue_indirect_dma source(%dma_start3A_144 : memref<10240x16xf32, #tpu.memory_space<hbm>>) target(%arg13 : memref<128x16xf32, #tpu.memory_space<vmem>>) offsets(%dma_start3A_141 : memref<128xi32, #tpu.memory_space<vmem>>) semaphore(%arg19 : memref<!tpu.dma_semaphore, #tpu.memory_space<semaphore_mem>>)
      %mul3A_145 = arith.constant 6 : i32
      %mul3A_146 = arith.muli %scan3A_86, %mul3A_145 : i32
      %add3A_147 = arith.constant 4 : i32
      %add3A_148 = arith.addi %mul3A_146, %add3A_147 : i32
      %gt3A_149 = arith.constant 0 : i32
      %gt3A_150 = arith.cmpi sgt, %scan3A_86, %gt3A_149 : i32
      %convert_element_type3A_151 = arith.extui %gt3A_150 : i1 to i32
      %cond3A_152 = arith.constant 0 : i32
      %cond3A_153 = arith.cmpi ne, %convert_element_type3A_151, %cond3A_152 : i32
      scf.if %cond3A_153 {
        %dma_wait3A_271 = arith.constant 0 : i32
        %dma_wait3A_272 = tpu.memref_slice %arg6[%add3A_148, %dma_wait3A_271] : memref<78x128xi32, #tpu.memory_space<vmem>> -> memref<1x128xi32, #tpu.memory_space<vmem>>
        %dma_wait3A_273 = tpu.memref_squeeze %dma_wait3A_272 : memref<1x128xi32, #tpu.memory_space<vmem>> -> memref<128xi32, #tpu.memory_space<vmem>>
        %dma_wait3A_274 = arith.constant 0 : i32
        %dma_wait3A_275 = arith.constant 0 : i32
        %dma_wait3A_276 = tpu.memref_slice %arg9[%dma_wait3A_274, %dma_wait3A_275] : memref<10240x16xf32, #tpu.memory_space<vmem_shared>> -> memref<10240x16xf32, #tpu.memory_space<vmem_shared>>
        tpu.wait_indirect_dma semaphore(%arg26 : memref<!tpu.dma_semaphore, #tpu.memory_space<semaphore_mem>>) src(%arg14 : memref<128x16xf32, #tpu.memory_space<vmem>>) dst(%dma_wait3A_276 : memref<10240x16xf32, #tpu.memory_space<vmem_shared>>)
      } else {
      }
      %dma_start3A_154 = arith.constant 0 : i32
      %dma_start3A_155 = tpu.memref_slice %arg5[%add3A_148, %dma_start3A_154] : memref<78x128xi32, #tpu.memory_space<vmem>> -> memref<1x128xi32, #tpu.memory_space<vmem>>
      %dma_start3A_156 = tpu.memref_squeeze %dma_start3A_155 : memref<1x128xi32, #tpu.memory_space<vmem>> -> memref<128xi32, #tpu.memory_space<vmem>>
      %dma_start3A_157 = arith.constant 0 : i32
      %dma_start3A_158 = arith.constant 0 : i32
      %dma_start3A_159 = tpu.memref_slice %arg2[%dma_start3A_157, %dma_start3A_158] : memref<10240x16xf32, #tpu.memory_space<hbm>> -> memref<10240x16xf32, #tpu.memory_space<hbm>>
      tpu.enqueue_indirect_dma source(%dma_start3A_159 : memref<10240x16xf32, #tpu.memory_space<hbm>>) target(%arg14 : memref<128x16xf32, #tpu.memory_space<vmem>>) offsets(%dma_start3A_156 : memref<128xi32, #tpu.memory_space<vmem>>) semaphore(%arg20 : memref<!tpu.dma_semaphore, #tpu.memory_space<semaphore_mem>>)
      %mul3A_160 = arith.constant 6 : i32
      %mul3A_161 = arith.muli %scan3A_86, %mul3A_160 : i32
      %add3A_162 = arith.constant 5 : i32
      %add3A_163 = arith.addi %mul3A_161, %add3A_162 : i32
      %gt3A_164 = arith.constant 0 : i32
      %gt3A_165 = arith.cmpi sgt, %scan3A_86, %gt3A_164 : i32
      %convert_element_type3A_166 = arith.extui %gt3A_165 : i1 to i32
      %cond3A_167 = arith.constant 0 : i32
      %cond3A_168 = arith.cmpi ne, %convert_element_type3A_166, %cond3A_167 : i32
      scf.if %cond3A_168 {
        %dma_wait3A_271 = arith.constant 0 : i32
        %dma_wait3A_272 = tpu.memref_slice %arg6[%add3A_163, %dma_wait3A_271] : memref<78x128xi32, #tpu.memory_space<vmem>> -> memref<1x128xi32, #tpu.memory_space<vmem>>
        %dma_wait3A_273 = tpu.memref_squeeze %dma_wait3A_272 : memref<1x128xi32, #tpu.memory_space<vmem>> -> memref<128xi32, #tpu.memory_space<vmem>>
        %dma_wait3A_274 = arith.constant 0 : i32
        %dma_wait3A_275 = arith.constant 0 : i32
        %dma_wait3A_276 = tpu.memref_slice %arg9[%dma_wait3A_274, %dma_wait3A_275] : memref<10240x16xf32, #tpu.memory_space<vmem_shared>> -> memref<10240x16xf32, #tpu.memory_space<vmem_shared>>
        tpu.wait_indirect_dma semaphore(%arg27 : memref<!tpu.dma_semaphore, #tpu.memory_space<semaphore_mem>>) src(%arg15 : memref<128x16xf32, #tpu.memory_space<vmem>>) dst(%dma_wait3A_276 : memref<10240x16xf32, #tpu.memory_space<vmem_shared>>)
      } else {
      }
      %dma_start3A_169 = arith.constant 0 : i32
      %dma_start3A_170 = tpu.memref_slice %arg5[%add3A_163, %dma_start3A_169] : memref<78x128xi32, #tpu.memory_space<vmem>> -> memref<1x128xi32, #tpu.memory_space<vmem>>
      %dma_start3A_171 = tpu.memref_squeeze %dma_start3A_170 : memref<1x128xi32, #tpu.memory_space<vmem>> -> memref<128xi32, #tpu.memory_space<vmem>>
      %dma_start3A_172 = arith.constant 0 : i32
      %dma_start3A_173 = arith.constant 0 : i32
      %dma_start3A_174 = tpu.memref_slice %arg2[%dma_start3A_172, %dma_start3A_173] : memref<10240x16xf32, #tpu.memory_space<hbm>> -> memref<10240x16xf32, #tpu.memory_space<hbm>>
      tpu.enqueue_indirect_dma source(%dma_start3A_174 : memref<10240x16xf32, #tpu.memory_space<hbm>>) target(%arg15 : memref<128x16xf32, #tpu.memory_space<vmem>>) offsets(%dma_start3A_171 : memref<128xi32, #tpu.memory_space<vmem>>) semaphore(%arg21 : memref<!tpu.dma_semaphore, #tpu.memory_space<semaphore_mem>>)
      %mul3A_175 = arith.constant 6 : i32
      %mul3A_176 = arith.muli %scan3A_86, %mul3A_175 : i32
      %add3A_177 = arith.constant 0 : i32
      %add3A_178 = arith.addi %mul3A_176, %add3A_177 : i32
      %dma_wait3A_179 = arith.constant 0 : i32
      %dma_wait3A_180 = tpu.memref_slice %arg5[%add3A_178, %dma_wait3A_179] : memref<78x128xi32, #tpu.memory_space<vmem>> -> memref<1x128xi32, #tpu.memory_space<vmem>>
      %dma_wait3A_181 = tpu.memref_squeeze %dma_wait3A_180 : memref<1x128xi32, #tpu.memory_space<vmem>> -> memref<128xi32, #tpu.memory_space<vmem>>
      %dma_wait3A_182 = arith.constant 0 : i32
      %dma_wait3A_183 = arith.constant 0 : i32
      %dma_wait3A_184 = tpu.memref_slice %arg2[%dma_wait3A_182, %dma_wait3A_183] : memref<10240x16xf32, #tpu.memory_space<hbm>> -> memref<10240x16xf32, #tpu.memory_space<hbm>>
      tpu.wait_indirect_dma semaphore(%arg16 : memref<!tpu.dma_semaphore, #tpu.memory_space<semaphore_mem>>) src(%dma_wait3A_184 : memref<10240x16xf32, #tpu.memory_space<hbm>>) dst(%arg10 : memref<128x16xf32, #tpu.memory_space<vmem>>)
      %dma_start3A_185 = arith.constant 0 : i32
      %dma_start3A_186 = tpu.memref_slice %arg6[%add3A_178, %dma_start3A_185] : memref<78x128xi32, #tpu.memory_space<vmem>> -> memref<1x128xi32, #tpu.memory_space<vmem>>
      %dma_start3A_187 = tpu.memref_squeeze %dma_start3A_186 : memref<1x128xi32, #tpu.memory_space<vmem>> -> memref<128xi32, #tpu.memory_space<vmem>>
      %dma_start3A_188 = arith.constant 0 : i32
      %dma_start3A_189 = arith.constant 0 : i32
      %dma_start3A_190 = tpu.memref_slice %arg9[%dma_start3A_188, %dma_start3A_189] : memref<10240x16xf32, #tpu.memory_space<vmem_shared>> -> memref<10240x16xf32, #tpu.memory_space<vmem_shared>>
      tpu.enqueue_indirect_dma source(%arg10 : memref<128x16xf32, #tpu.memory_space<vmem>>) target(%dma_start3A_190 : memref<10240x16xf32, #tpu.memory_space<vmem_shared>>) offsets(%dma_start3A_187 : memref<128xi32, #tpu.memory_space<vmem>>) semaphore(%arg22 : memref<!tpu.dma_semaphore, #tpu.memory_space<semaphore_mem>>) {add = true}
      %mul3A_191 = arith.constant 6 : i32
      %mul3A_192 = arith.muli %scan3A_86, %mul3A_191 : i32
      %add3A_193 = arith.constant 1 : i32
      %add3A_194 = arith.addi %mul3A_192, %add3A_193 : i32
      %dma_wait3A_195 = arith.constant 0 : i32
      %dma_wait3A_196 = tpu.memref_slice %arg5[%add3A_194, %dma_wait3A_195] : memref<78x128xi32, #tpu.memory_space<vmem>> -> memref<1x128xi32, #tpu.memory_space<vmem>>
      %dma_wait3A_197 = tpu.memref_squeeze %dma_wait3A_196 : memref<1x128xi32, #tpu.memory_space<vmem>> -> memref<128xi32, #tpu.memory_space<vmem>>
      %dma_wait3A_198 = arith.constant 0 : i32
      %dma_wait3A_199 = arith.constant 0 : i32
      %dma_wait3A_200 = tpu.memref_slice %arg2[%dma_wait3A_198, %dma_wait3A_199] : memref<10240x16xf32, #tpu.memory_space<hbm>> -> memref<10240x16xf32, #tpu.memory_space<hbm>>
      tpu.wait_indirect_dma semaphore(%arg17 : memref<!tpu.dma_semaphore, #tpu.memory_space<semaphore_mem>>) src(%dma_wait3A_200 : memref<10240x16xf32, #tpu.memory_space<hbm>>) dst(%arg11 : memref<128x16xf32, #tpu.memory_space<vmem>>)
      %dma_start3A_201 = arith.constant 0 : i32
      %dma_start3A_202 = tpu.memref_slice %arg6[%add3A_194, %dma_start3A_201] : memref<78x128xi32, #tpu.memory_space<vmem>> -> memref<1x128xi32, #tpu.memory_space<vmem>>
      %dma_start3A_203 = tpu.memref_squeeze %dma_start3A_202 : memref<1x128xi32, #tpu.memory_space<vmem>> -> memref<128xi32, #tpu.memory_space<vmem>>
      %dma_start3A_204 = arith.constant 0 : i32
      %dma_start3A_205 = arith.constant 0 : i32
      %dma_start3A_206 = tpu.memref_slice %arg9[%dma_start3A_204, %dma_start3A_205] : memref<10240x16xf32, #tpu.memory_space<vmem_shared>> -> memref<10240x16xf32, #tpu.memory_space<vmem_shared>>
      tpu.enqueue_indirect_dma source(%arg11 : memref<128x16xf32, #tpu.memory_space<vmem>>) target(%dma_start3A_206 : memref<10240x16xf32, #tpu.memory_space<vmem_shared>>) offsets(%dma_start3A_203 : memref<128xi32, #tpu.memory_space<vmem>>) semaphore(%arg23 : memref<!tpu.dma_semaphore, #tpu.memory_space<semaphore_mem>>) {add = true}
      %mul3A_207 = arith.constant 6 : i32
      %mul3A_208 = arith.muli %scan3A_86, %mul3A_207 : i32
      %add3A_209 = arith.constant 2 : i32
      %add3A_210 = arith.addi %mul3A_208, %add3A_209 : i32
      %dma_wait3A_211 = arith.constant 0 : i32
      %dma_wait3A_212 = tpu.memref_slice %arg5[%add3A_210, %dma_wait3A_211] : memref<78x128xi32, #tpu.memory_space<vmem>> -> memref<1x128xi32, #tpu.memory_space<vmem>>
      %dma_wait3A_213 = tpu.memref_squeeze %dma_wait3A_212 : memref<1x128xi32, #tpu.memory_space<vmem>> -> memref<128xi32, #tpu.memory_space<vmem>>
      %dma_wait3A_214 = arith.constant 0 : i32
      %dma_wait3A_215 = arith.constant 0 : i32
      %dma_wait3A_216 = tpu.memref_slice %arg2[%dma_wait3A_214, %dma_wait3A_215] : memref<10240x16xf32, #tpu.memory_space<hbm>> -> memref<10240x16xf32, #tpu.memory_space<hbm>>
      tpu.wait_indirect_dma semaphore(%arg18 : memref<!tpu.dma_semaphore, #tpu.memory_space<semaphore_mem>>) src(%dma_wait3A_216 : memref<10240x16xf32, #tpu.memory_space<hbm>>) dst(%arg12 : memref<128x16xf32, #tpu.memory_space<vmem>>)
      %dma_start3A_217 = arith.constant 0 : i32
      %dma_start3A_218 = tpu.memref_slice %arg6[%add3A_210, %dma_start3A_217] : memref<78x128xi32, #tpu.memory_space<vmem>> -> memref<1x128xi32, #tpu.memory_space<vmem>>
      %dma_start3A_219 = tpu.memref_squeeze %dma_start3A_218 : memref<1x128xi32, #tpu.memory_space<vmem>> -> memref<128xi32, #tpu.memory_space<vmem>>
      %dma_start3A_220 = arith.constant 0 : i32
      %dma_start3A_221 = arith.constant 0 : i32
      %dma_start3A_222 = tpu.memref_slice %arg9[%dma_start3A_220, %dma_start3A_221] : memref<10240x16xf32, #tpu.memory_space<vmem_shared>> -> memref<10240x16xf32, #tpu.memory_space<vmem_shared>>
      tpu.enqueue_indirect_dma source(%arg12 : memref<128x16xf32, #tpu.memory_space<vmem>>) target(%dma_start3A_222 : memref<10240x16xf32, #tpu.memory_space<vmem_shared>>) offsets(%dma_start3A_219 : memref<128xi32, #tpu.memory_space<vmem>>) semaphore(%arg24 : memref<!tpu.dma_semaphore, #tpu.memory_space<semaphore_mem>>) {add = true}
      %mul3A_223 = arith.constant 6 : i32
      %mul3A_224 = arith.muli %scan3A_86, %mul3A_223 : i32
      %add3A_225 = arith.constant 3 : i32
      %add3A_226 = arith.addi %mul3A_224, %add3A_225 : i32
      %dma_wait3A_227 = arith.constant 0 : i32
      %dma_wait3A_228 = tpu.memref_slice %arg5[%add3A_226, %dma_wait3A_227] : memref<78x128xi32, #tpu.memory_space<vmem>> -> memref<1x128xi32, #tpu.memory_space<vmem>>
      %dma_wait3A_229 = tpu.memref_squeeze %dma_wait3A_228 : memref<1x128xi32, #tpu.memory_space<vmem>> -> memref<128xi32, #tpu.memory_space<vmem>>
      %dma_wait3A_230 = arith.constant 0 : i32
      %dma_wait3A_231 = arith.constant 0 : i32
      %dma_wait3A_232 = tpu.memref_slice %arg2[%dma_wait3A_230, %dma_wait3A_231] : memref<10240x16xf32, #tpu.memory_space<hbm>> -> memref<10240x16xf32, #tpu.memory_space<hbm>>
      tpu.wait_indirect_dma semaphore(%arg19 : memref<!tpu.dma_semaphore, #tpu.memory_space<semaphore_mem>>) src(%dma_wait3A_232 : memref<10240x16xf32, #tpu.memory_space<hbm>>) dst(%arg13 : memref<128x16xf32, #tpu.memory_space<vmem>>)
      %dma_start3A_233 = arith.constant 0 : i32
      %dma_start3A_234 = tpu.memref_slice %arg6[%add3A_226, %dma_start3A_233] : memref<78x128xi32, #tpu.memory_space<vmem>> -> memref<1x128xi32, #tpu.memory_space<vmem>>
      %dma_start3A_235 = tpu.memref_squeeze %dma_start3A_234 : memref<1x128xi32, #tpu.memory_space<vmem>> -> memref<128xi32, #tpu.memory_space<vmem>>
      %dma_start3A_236 = arith.constant 0 : i32
      %dma_start3A_237 = arith.constant 0 : i32
      %dma_start3A_238 = tpu.memref_slice %arg9[%dma_start3A_236, %dma_start3A_237] : memref<10240x16xf32, #tpu.memory_space<vmem_shared>> -> memref<10240x16xf32, #tpu.memory_space<vmem_shared>>
      tpu.enqueue_indirect_dma source(%arg13 : memref<128x16xf32, #tpu.memory_space<vmem>>) target(%dma_start3A_238 : memref<10240x16xf32, #tpu.memory_space<vmem_shared>>) offsets(%dma_start3A_235 : memref<128xi32, #tpu.memory_space<vmem>>) semaphore(%arg25 : memref<!tpu.dma_semaphore, #tpu.memory_space<semaphore_mem>>) {add = true}
      %mul3A_239 = arith.constant 6 : i32
      %mul3A_240 = arith.muli %scan3A_86, %mul3A_239 : i32
      %add3A_241 = arith.constant 4 : i32
      %add3A_242 = arith.addi %mul3A_240, %add3A_241 : i32
      %dma_wait3A_243 = arith.constant 0 : i32
      %dma_wait3A_244 = tpu.memref_slice %arg5[%add3A_242, %dma_wait3A_243] : memref<78x128xi32, #tpu.memory_space<vmem>> -> memref<1x128xi32, #tpu.memory_space<vmem>>
      %dma_wait3A_245 = tpu.memref_squeeze %dma_wait3A_244 : memref<1x128xi32, #tpu.memory_space<vmem>> -> memref<128xi32, #tpu.memory_space<vmem>>
      %dma_wait3A_246 = arith.constant 0 : i32
      %dma_wait3A_247 = arith.constant 0 : i32
      %dma_wait3A_248 = tpu.memref_slice %arg2[%dma_wait3A_246, %dma_wait3A_247] : memref<10240x16xf32, #tpu.memory_space<hbm>> -> memref<10240x16xf32, #tpu.memory_space<hbm>>
      tpu.wait_indirect_dma semaphore(%arg20 : memref<!tpu.dma_semaphore, #tpu.memory_space<semaphore_mem>>) src(%dma_wait3A_248 : memref<10240x16xf32, #tpu.memory_space<hbm>>) dst(%arg14 : memref<128x16xf32, #tpu.memory_space<vmem>>)
      %dma_start3A_249 = arith.constant 0 : i32
      %dma_start3A_250 = tpu.memref_slice %arg6[%add3A_242, %dma_start3A_249] : memref<78x128xi32, #tpu.memory_space<vmem>> -> memref<1x128xi32, #tpu.memory_space<vmem>>
      %dma_start3A_251 = tpu.memref_squeeze %dma_start3A_250 : memref<1x128xi32, #tpu.memory_space<vmem>> -> memref<128xi32, #tpu.memory_space<vmem>>
      %dma_start3A_252 = arith.constant 0 : i32
      %dma_start3A_253 = arith.constant 0 : i32
      %dma_start3A_254 = tpu.memref_slice %arg9[%dma_start3A_252, %dma_start3A_253] : memref<10240x16xf32, #tpu.memory_space<vmem_shared>> -> memref<10240x16xf32, #tpu.memory_space<vmem_shared>>
      tpu.enqueue_indirect_dma source(%arg14 : memref<128x16xf32, #tpu.memory_space<vmem>>) target(%dma_start3A_254 : memref<10240x16xf32, #tpu.memory_space<vmem_shared>>) offsets(%dma_start3A_251 : memref<128xi32, #tpu.memory_space<vmem>>) semaphore(%arg26 : memref<!tpu.dma_semaphore, #tpu.memory_space<semaphore_mem>>) {add = true}
      %mul3A_255 = arith.constant 6 : i32
      %mul3A_256 = arith.muli %scan3A_86, %mul3A_255 : i32
      %add3A_257 = arith.constant 5 : i32
      %add3A_258 = arith.addi %mul3A_256, %add3A_257 : i32
      %dma_wait3A_259 = arith.constant 0 : i32
      %dma_wait3A_260 = tpu.memref_slice %arg5[%add3A_258, %dma_wait3A_259] : memref<78x128xi32, #tpu.memory_space<vmem>> -> memref<1x128xi32, #tpu.memory_space<vmem>>
      %dma_wait3A_261 = tpu.memref_squeeze %dma_wait3A_260 : memref<1x128xi32, #tpu.memory_space<vmem>> -> memref<128xi32, #tpu.memory_space<vmem>>
      %dma_wait3A_262 = arith.constant 0 : i32
      %dma_wait3A_263 = arith.constant 0 : i32
      %dma_wait3A_264 = tpu.memref_slice %arg2[%dma_wait3A_262, %dma_wait3A_263] : memref<10240x16xf32, #tpu.memory_space<hbm>> -> memref<10240x16xf32, #tpu.memory_space<hbm>>
      tpu.wait_indirect_dma semaphore(%arg21 : memref<!tpu.dma_semaphore, #tpu.memory_space<semaphore_mem>>) src(%dma_wait3A_264 : memref<10240x16xf32, #tpu.memory_space<hbm>>) dst(%arg15 : memref<128x16xf32, #tpu.memory_space<vmem>>)
      %dma_start3A_265 = arith.constant 0 : i32
      %dma_start3A_266 = tpu.memref_slice %arg6[%add3A_258, %dma_start3A_265] : memref<78x128xi32, #tpu.memory_space<vmem>> -> memref<1x128xi32, #tpu.memory_space<vmem>>
      %dma_start3A_267 = tpu.memref_squeeze %dma_start3A_266 : memref<1x128xi32, #tpu.memory_space<vmem>> -> memref<128xi32, #tpu.memory_space<vmem>>
      %dma_start3A_268 = arith.constant 0 : i32
      %dma_start3A_269 = arith.constant 0 : i32
      %dma_start3A_270 = tpu.memref_slice %arg9[%dma_start3A_268, %dma_start3A_269] : memref<10240x16xf32, #tpu.memory_space<vmem_shared>> -> memref<10240x16xf32, #tpu.memory_space<vmem_shared>>
      tpu.enqueue_indirect_dma source(%arg15 : memref<128x16xf32, #tpu.memory_space<vmem>>) target(%dma_start3A_270 : memref<10240x16xf32, #tpu.memory_space<vmem_shared>>) offsets(%dma_start3A_267 : memref<128xi32, #tpu.memory_space<vmem>>) semaphore(%arg27 : memref<!tpu.dma_semaphore, #tpu.memory_space<semaphore_mem>>) {add = true}
    }
    %scan3A_37 = arith.constant 13 : i32
    %dma_wait3A = arith.constant 0 : i32
    %dma_wait3A_38 = arith.constant 0 : i32
    %dma_wait3A_39 = tpu.memref_slice %arg6[%dma_wait3A, %dma_wait3A_38] : memref<78x128xi32, #tpu.memory_space<vmem>> -> memref<1x128xi32, #tpu.memory_space<vmem>>
    %dma_wait3A_40 = tpu.memref_squeeze %dma_wait3A_39 : memref<1x128xi32, #tpu.memory_space<vmem>> -> memref<128xi32, #tpu.memory_space<vmem>>
    %dma_wait3A_41 = arith.constant 0 : i32
    %dma_wait3A_42 = arith.constant 0 : i32
    %dma_wait3A_43 = tpu.memref_slice %arg9[%dma_wait3A_41, %dma_wait3A_42] : memref<10240x16xf32, #tpu.memory_space<vmem_shared>> -> memref<10240x16xf32, #tpu.memory_space<vmem_shared>>
    tpu.wait_indirect_dma semaphore(%arg22 : memref<!tpu.dma_semaphore, #tpu.memory_space<semaphore_mem>>) src(%arg10 : memref<128x16xf32, #tpu.memory_space<vmem>>) dst(%dma_wait3A_43 : memref<10240x16xf32, #tpu.memory_space<vmem_shared>>)
    %dma_wait3A_44 = arith.constant 1 : i32
    %dma_wait3A_45 = arith.constant 0 : i32
    %dma_wait3A_46 = tpu.memref_slice %arg6[%dma_wait3A_44, %dma_wait3A_45] : memref<78x128xi32, #tpu.memory_space<vmem>> -> memref<1x128xi32, #tpu.memory_space<vmem>>
    %dma_wait3A_47 = tpu.memref_squeeze %dma_wait3A_46 : memref<1x128xi32, #tpu.memory_space<vmem>> -> memref<128xi32, #tpu.memory_space<vmem>>
    %dma_wait3A_48 = arith.constant 0 : i32
    %dma_wait3A_49 = arith.constant 0 : i32
    %dma_wait3A_50 = tpu.memref_slice %arg9[%dma_wait3A_48, %dma_wait3A_49] : memref<10240x16xf32, #tpu.memory_space<vmem_shared>> -> memref<10240x16xf32, #tpu.memory_space<vmem_shared>>
    tpu.wait_indirect_dma semaphore(%arg23 : memref<!tpu.dma_semaphore, #tpu.memory_space<semaphore_mem>>) src(%arg11 : memref<128x16xf32, #tpu.memory_space<vmem>>) dst(%dma_wait3A_50 : memref<10240x16xf32, #tpu.memory_space<vmem_shared>>)
    %dma_wait3A_51 = arith.constant 2 : i32
    %dma_wait3A_52 = arith.constant 0 : i32
    %dma_wait3A_53 = tpu.memref_slice %arg6[%dma_wait3A_51, %dma_wait3A_52] : memref<78x128xi32, #tpu.memory_space<vmem>> -> memref<1x128xi32, #tpu.memory_space<vmem>>
    %dma_wait3A_54 = tpu.memref_squeeze %dma_wait3A_53 : memref<1x128xi32, #tpu.memory_space<vmem>> -> memref<128xi32, #tpu.memory_space<vmem>>
    %dma_wait3A_55 = arith.constant 0 : i32
    %dma_wait3A_56 = arith.constant 0 : i32
    %dma_wait3A_57 = tpu.memref_slice %arg9[%dma_wait3A_55, %dma_wait3A_56] : memref<10240x16xf32, #tpu.memory_space<vmem_shared>> -> memref<10240x16xf32, #tpu.memory_space<vmem_shared>>
    tpu.wait_indirect_dma semaphore(%arg24 : memref<!tpu.dma_semaphore, #tpu.memory_space<semaphore_mem>>) src(%arg12 : memref<128x16xf32, #tpu.memory_space<vmem>>) dst(%dma_wait3A_57 : memref<10240x16xf32, #tpu.memory_space<vmem_shared>>)
    %dma_wait3A_58 = arith.constant 3 : i32
    %dma_wait3A_59 = arith.constant 0 : i32
    %dma_wait3A_60 = tpu.memref_slice %arg6[%dma_wait3A_58, %dma_wait3A_59] : memref<78x128xi32, #tpu.memory_space<vmem>> -> memref<1x128xi32, #tpu.memory_space<vmem>>
    %dma_wait3A_61 = tpu.memref_squeeze %dma_wait3A_60 : memref<1x128xi32, #tpu.memory_space<vmem>> -> memref<128xi32, #tpu.memory_space<vmem>>
    %dma_wait3A_62 = arith.constant 0 : i32
    %dma_wait3A_63 = arith.constant 0 : i32
    %dma_wait3A_64 = tpu.memref_slice %arg9[%dma_wait3A_62, %dma_wait3A_63] : memref<10240x16xf32, #tpu.memory_space<vmem_shared>> -> memref<10240x16xf32, #tpu.memory_space<vmem_shared>>
    tpu.wait_indirect_dma semaphore(%arg25 : memref<!tpu.dma_semaphore, #tpu.memory_space<semaphore_mem>>) src(%arg13 : memref<128x16xf32, #tpu.memory_space<vmem>>) dst(%dma_wait3A_64 : memref<10240x16xf32, #tpu.memory_space<vmem_shared>>)
    %dma_wait3A_65 = arith.constant 4 : i32
    %dma_wait3A_66 = arith.constant 0 : i32
    %dma_wait3A_67 = tpu.memref_slice %arg6[%dma_wait3A_65, %dma_wait3A_66] : memref<78x128xi32, #tpu.memory_space<vmem>> -> memref<1x128xi32, #tpu.memory_space<vmem>>
    %dma_wait3A_68 = tpu.memref_squeeze %dma_wait3A_67 : memref<1x128xi32, #tpu.memory_space<vmem>> -> memref<128xi32, #tpu.memory_space<vmem>>
    %dma_wait3A_69 = arith.constant 0 : i32
    %dma_wait3A_70 = arith.constant 0 : i32
    %dma_wait3A_71 = tpu.memref_slice %arg9[%dma_wait3A_69, %dma_wait3A_70] : memref<10240x16xf32, #tpu.memory_space<vmem_shared>> -> memref<10240x16xf32, #tpu.memory_space<vmem_shared>>
    tpu.wait_indirect_dma semaphore(%arg26 : memref<!tpu.dma_semaphore, #tpu.memory_space<semaphore_mem>>) src(%arg14 : memref<128x16xf32, #tpu.memory_space<vmem>>) dst(%dma_wait3A_71 : memref<10240x16xf32, #tpu.memory_space<vmem_shared>>)
    %dma_wait3A_72 = arith.constant 5 : i32
    %dma_wait3A_73 = arith.constant 0 : i32
    %dma_wait3A_74 = tpu.memref_slice %arg6[%dma_wait3A_72, %dma_wait3A_73] : memref<78x128xi32, #tpu.memory_space<vmem>> -> memref<1x128xi32, #tpu.memory_space<vmem>>
    %dma_wait3A_75 = tpu.memref_squeeze %dma_wait3A_74 : memref<1x128xi32, #tpu.memory_space<vmem>> -> memref<128xi32, #tpu.memory_space<vmem>>
    %dma_wait3A_76 = arith.constant 0 : i32
    %dma_wait3A_77 = arith.constant 0 : i32
    %dma_wait3A_78 = tpu.memref_slice %arg9[%dma_wait3A_76, %dma_wait3A_77] : memref<10240x16xf32, #tpu.memory_space<vmem_shared>> -> memref<10240x16xf32, #tpu.memory_space<vmem_shared>>
    tpu.wait_indirect_dma semaphore(%arg27 : memref<!tpu.dma_semaphore, #tpu.memory_space<semaphore_mem>>) src(%arg15 : memref<128x16xf32, #tpu.memory_space<vmem>>) dst(%dma_wait3A_78 : memref<10240x16xf32, #tpu.memory_space<vmem_shared>>)
    %lt3A = arith.constant 4 : i32
    %lt3A_79 = arith.cmpi slt, %add3A, %lt3A : i32
    %convert_element_type3A = arith.extui %lt3A_79 : i1 to i32
    %cond3A = arith.constant 0 : i32
    %cond3A_80 = arith.cmpi ne, %convert_element_type3A, %cond3A : i32
    scf.if %cond3A_80 {
      %add3A_86 = arith.constant 2496 : i32
      %add3A_87 = arith.addi %add3A_86, %add3A : i32
      %run_scoped3A_88 = arith.constant 0 : i32
      "tpu.region"() ({
        %run_scoped3A_90 = tpu.sem_alloc : memref<!tpu.dma_semaphore, #tpu.memory_space<semaphore_mem>>
        %dma_start3A = arith.constant 0 : i32
        %dma_start3A_91 = tpu.memref_slice %arg3[%run_scoped3A_88, %add3A_87, %dma_start3A] : memref<2x2500x128xi32, #tpu.memory_space<hbm>> -> memref<1x1x128xi32, #tpu.memory_space<hbm>>
        %dma_start3A_92 = tpu.memref_squeeze %dma_start3A_91 : memref<1x1x128xi32, #tpu.memory_space<hbm>> -> memref<128xi32, #tpu.memory_space<hbm>>
        %dma_start3A_93 = arith.constant 0 : i32
        %dma_start3A_94 = tpu.memref_slice %arg3[%run_scoped3A_88, %add3A_87, %dma_start3A_93] : memref<2x2500x128xi32, #tpu.memory_space<hbm>> -> memref<1x1x128xi32, #tpu.memory_space<hbm>>
        %dma_start3A_95 = tpu.memref_squeeze %dma_start3A_94 : memref<1x1x128xi32, #tpu.memory_space<hbm>> -> memref<128xi32, #tpu.memory_space<hbm>>
        tpu.enqueue_dma source(%dma_start3A_95 : memref<128xi32, #tpu.memory_space<hbm>>) target(%arg7 : memref<128xi32, #tpu.memory_space<vmem>>) target_semaphore(%run_scoped3A_90 : memref<!tpu.dma_semaphore, #tpu.memory_space<semaphore_mem>>)
        %dma_wait3A_96 = arith.constant 0 : i32
        %dma_wait3A_97 = tpu.memref_slice %arg3[%run_scoped3A_88, %add3A_87, %dma_wait3A_96] : memref<2x2500x128xi32, #tpu.memory_space<hbm>> -> memref<1x1x128xi32, #tpu.memory_space<hbm>>
        %dma_wait3A_98 = tpu.memref_squeeze %dma_wait3A_97 : memref<1x1x128xi32, #tpu.memory_space<hbm>> -> memref<128xi32, #tpu.memory_space<hbm>>
        %dma_wait3A_99 = arith.constant 0 : i32
        %dma_wait3A_100 = tpu.memref_slice %arg3[%run_scoped3A_88, %add3A_87, %dma_wait3A_99] : memref<2x2500x128xi32, #tpu.memory_space<hbm>> -> memref<1x1x128xi32, #tpu.memory_space<hbm>>
        %dma_wait3A_101 = tpu.memref_squeeze %dma_wait3A_100 : memref<1x1x128xi32, #tpu.memory_space<hbm>> -> memref<128xi32, #tpu.memory_space<hbm>>
        tpu.wait_dma2 semaphore(%run_scoped3A_90 : memref<!tpu.dma_semaphore, #tpu.memory_space<semaphore_mem>>) src(%dma_wait3A_101 : memref<128xi32, #tpu.memory_space<hbm>>) dst(%arg7 : memref<128xi32, #tpu.memory_space<vmem>>)
        tpu.yield
      }) : () -> ()
      %run_scoped3A_89 = arith.constant 1 : i32
      "tpu.region"() ({
        %run_scoped3A_90 = tpu.sem_alloc : memref<!tpu.dma_semaphore, #tpu.memory_space<semaphore_mem>>
        %dma_start3A = arith.constant 0 : i32
        %dma_start3A_91 = tpu.memref_slice %arg3[%run_scoped3A_89, %add3A_87, %dma_start3A] : memref<2x2500x128xi32, #tpu.memory_space<hbm>> -> memref<1x1x128xi32, #tpu.memory_space<hbm>>
        %dma_start3A_92 = tpu.memref_squeeze %dma_start3A_91 : memref<1x1x128xi32, #tpu.memory_space<hbm>> -> memref<128xi32, #tpu.memory_space<hbm>>
        %dma_start3A_93 = arith.constant 0 : i32
        %dma_start3A_94 = tpu.memref_slice %arg3[%run_scoped3A_89, %add3A_87, %dma_start3A_93] : memref<2x2500x128xi32, #tpu.memory_space<hbm>> -> memref<1x1x128xi32, #tpu.memory_space<hbm>>
        %dma_start3A_95 = tpu.memref_squeeze %dma_start3A_94 : memref<1x1x128xi32, #tpu.memory_space<hbm>> -> memref<128xi32, #tpu.memory_space<hbm>>
        tpu.enqueue_dma source(%dma_start3A_95 : memref<128xi32, #tpu.memory_space<hbm>>) target(%arg8 : memref<128xi32, #tpu.memory_space<vmem>>) target_semaphore(%run_scoped3A_90 : memref<!tpu.dma_semaphore, #tpu.memory_space<semaphore_mem>>)
        %dma_wait3A_96 = arith.constant 0 : i32
        %dma_wait3A_97 = tpu.memref_slice %arg3[%run_scoped3A_89, %add3A_87, %dma_wait3A_96] : memref<2x2500x128xi32, #tpu.memory_space<hbm>> -> memref<1x1x128xi32, #tpu.memory_space<hbm>>
        %dma_wait3A_98 = tpu.memref_squeeze %dma_wait3A_97 : memref<1x1x128xi32, #tpu.memory_space<hbm>> -> memref<128xi32, #tpu.memory_space<hbm>>
        %dma_wait3A_99 = arith.constant 0 : i32
        %dma_wait3A_100 = tpu.memref_slice %arg3[%run_scoped3A_89, %add3A_87, %dma_wait3A_99] : memref<2x2500x128xi32, #tpu.memory_space<hbm>> -> memref<1x1x128xi32, #tpu.memory_space<hbm>>
        %dma_wait3A_101 = tpu.memref_squeeze %dma_wait3A_100 : memref<1x1x128xi32, #tpu.memory_space<hbm>> -> memref<128xi32, #tpu.memory_space<hbm>>
        tpu.wait_dma2 semaphore(%run_scoped3A_90 : memref<!tpu.dma_semaphore, #tpu.memory_space<semaphore_mem>>) src(%dma_wait3A_101 : memref<128xi32, #tpu.memory_space<hbm>>) dst(%arg8 : memref<128xi32, #tpu.memory_space<vmem>>)
        tpu.yield
      }) : () -> ()
      "tpu.region"() ({
        %run_scoped3A_90 = tpu.sem_alloc : memref<!tpu.dma_semaphore, #tpu.memory_space<semaphore_mem>>
        %dma_start3A = arith.constant 0 : i32
        %dma_start3A_91 = arith.constant 0 : i32
        %dma_start3A_92 = tpu.memref_slice %arg2[%dma_start3A, %dma_start3A_91] : memref<10240x16xf32, #tpu.memory_space<hbm>> -> memref<10240x16xf32, #tpu.memory_space<hbm>>
        tpu.enqueue_indirect_dma source(%dma_start3A_92 : memref<10240x16xf32, #tpu.memory_space<hbm>>) target(%arg10 : memref<128x16xf32, #tpu.memory_space<vmem>>) offsets(%arg7 : memref<128xi32, #tpu.memory_space<vmem>>) semaphore(%run_scoped3A_90 : memref<!tpu.dma_semaphore, #tpu.memory_space<semaphore_mem>>)
        %dma_wait3A_93 = arith.constant 0 : i32
        %dma_wait3A_94 = arith.constant 0 : i32
        %dma_wait3A_95 = tpu.memref_slice %arg2[%dma_wait3A_93, %dma_wait3A_94] : memref<10240x16xf32, #tpu.memory_space<hbm>> -> memref<10240x16xf32, #tpu.memory_space<hbm>>
        tpu.wait_indirect_dma semaphore(%run_scoped3A_90 : memref<!tpu.dma_semaphore, #tpu.memory_space<semaphore_mem>>) src(%dma_wait3A_95 : memref<10240x16xf32, #tpu.memory_space<hbm>>) dst(%arg10 : memref<128x16xf32, #tpu.memory_space<vmem>>)
        tpu.yield
      }) : () -> ()
      "tpu.region"() ({
        %run_scoped3A_90 = tpu.sem_alloc : memref<!tpu.dma_semaphore, #tpu.memory_space<semaphore_mem>>
        %dma_start3A = arith.constant 0 : i32
        %dma_start3A_91 = arith.constant 0 : i32
        %dma_start3A_92 = tpu.memref_slice %arg9[%dma_start3A, %dma_start3A_91] : memref<10240x16xf32, #tpu.memory_space<vmem_shared>> -> memref<10240x16xf32, #tpu.memory_space<vmem_shared>>
        tpu.enqueue_indirect_dma source(%arg10 : memref<128x16xf32, #tpu.memory_space<vmem>>) target(%dma_start3A_92 : memref<10240x16xf32, #tpu.memory_space<vmem_shared>>) offsets(%arg8 : memref<128xi32, #tpu.memory_space<vmem>>) semaphore(%run_scoped3A_90 : memref<!tpu.dma_semaphore, #tpu.memory_space<semaphore_mem>>) {add = true}
        %dma_wait3A_93 = arith.constant 0 : i32
        %dma_wait3A_94 = arith.constant 0 : i32
        %dma_wait3A_95 = tpu.memref_slice %arg9[%dma_wait3A_93, %dma_wait3A_94] : memref<10240x16xf32, #tpu.memory_space<vmem_shared>> -> memref<10240x16xf32, #tpu.memory_space<vmem_shared>>
        tpu.wait_indirect_dma semaphore(%run_scoped3A_90 : memref<!tpu.dma_semaphore, #tpu.memory_space<semaphore_mem>>) src(%arg10 : memref<128x16xf32, #tpu.memory_space<vmem>>) dst(%dma_wait3A_95 : memref<10240x16xf32, #tpu.memory_space<vmem_shared>>)
        tpu.yield
      }) : () -> ()
    } else {
    }
    %barrier3A_81 = arith.constant 0 : index
    tpu.barrier barrier_id(%barrier3A_81)
    %mul3A_82 = arith.constant 640 : i32
    %mul3A_83 = arith.muli %arg1, %mul3A_82 : i32
    %mul3A_84 = arith.constant 640 : i32
    %mul3A_85 = arith.muli %arg1, %mul3A_84 : i32
    "tpu.region"() ({
      %run_scoped3A_86 = tpu.sem_alloc : memref<!tpu.dma_semaphore, #tpu.memory_space<semaphore_mem>>
      %dma_start3A = arith.constant 0 : i32
      %dma_start3A_87 = tpu.memref_slice %arg4[%arg0, %mul3A_85, %dma_start3A] : memref<2x10240x16xf32, #tpu.memory_space<hbm>> -> memref<1x640x16xf32, #tpu.memory_space<hbm>>
      %dma_start3A_88 = tpu.memref_squeeze %dma_start3A_87 : memref<1x640x16xf32, #tpu.memory_space<hbm>> -> memref<640x16xf32, #tpu.memory_space<hbm>>
      %dma_start3A_89 = arith.constant 0 : i32
      %dma_start3A_90 = tpu.memref_slice %arg9[%mul3A_83, %dma_start3A_89] : memref<10240x16xf32, #tpu.memory_space<vmem_shared>> -> memref<640x16xf32, #tpu.memory_space<vmem_shared>>
      tpu.enqueue_dma source(%dma_start3A_90 : memref<640x16xf32, #tpu.memory_space<vmem_shared>>) target(%dma_start3A_88 : memref<640x16xf32, #tpu.memory_space<hbm>>) target_semaphore(%run_scoped3A_86 : memref<!tpu.dma_semaphore, #tpu.memory_space<semaphore_mem>>)
      %dma_wait3A_91 = arith.constant 0 : i32
      %dma_wait3A_92 = tpu.memref_slice %arg4[%arg0, %mul3A_85, %dma_wait3A_91] : memref<2x10240x16xf32, #tpu.memory_space<hbm>> -> memref<1x640x16xf32, #tpu.memory_space<hbm>>
      %dma_wait3A_93 = tpu.memref_squeeze %dma_wait3A_92 : memref<1x640x16xf32, #tpu.memory_space<hbm>> -> memref<640x16xf32, #tpu.memory_space<hbm>>
      %dma_wait3A_94 = arith.constant 0 : i32
      %dma_wait3A_95 = tpu.memref_slice %arg9[%mul3A_83, %dma_wait3A_94] : memref<10240x16xf32, #tpu.memory_space<vmem_shared>> -> memref<640x16xf32, #tpu.memory_space<vmem_shared>>
      tpu.wait_dma2 semaphore(%run_scoped3A_86 : memref<!tpu.dma_semaphore, #tpu.memory_space<semaphore_mem>>) src(%dma_wait3A_95 : memref<640x16xf32, #tpu.memory_space<vmem_shared>>) dst(%dma_wait3A_93 : memref<640x16xf32, #tpu.memory_space<hbm>>)
      tpu.yield
    }) : () -> ()
    return
  }
}

#map = affine_map<(d0, d1) -> (0, 0)>
#map1 = affine_map<(d0, d1) -> (0, 0, 0)>
module attributes {stable_mosaic.version = 14 : i64} {
  func.func @body(%arg0: i32, %arg1: i32, %arg2: memref<10240x16xf32, #tpu.memory_space<hbm>>, %arg3: memref<2x2500x128xi32, #tpu.memory_space<hbm>>, %arg4: memref<2x10240x16xf32, #tpu.memory_space<hbm>>, %arg5: memref<2x10240x16xf32, #tpu.memory_space<hbm>>, %arg6: memref<78x128xi32, #tpu.memory_space<vmem>>, %arg7: memref<78x128xi32, #tpu.memory_space<vmem>>, %arg8: memref<128xi32, #tpu.memory_space<vmem>>, %arg9: memref<128xi32, #tpu.memory_space<vmem>>, %arg10: memref<10240x16xf32, #tpu.memory_space<vmem_shared>>, %arg11: memref<128x16xf32, #tpu.memory_space<vmem>>, %arg12: memref<128x16xf32, #tpu.memory_space<vmem>>, %arg13: memref<128x16xf32, #tpu.memory_space<vmem>>, %arg14: memref<128x16xf32, #tpu.memory_space<vmem>>, %arg15: memref<128x16xf32, #tpu.memory_space<vmem>>, %arg16: memref<128x16xf32, #tpu.memory_space<vmem>>, %arg17: memref<!tpu.dma_semaphore, #tpu.memory_space<semaphore_mem>>, %arg18: memref<!tpu.dma_semaphore, #tpu.memory_space<semaphore_mem>>, %arg19: memref<!tpu.dma_semaphore, #tpu.memory_space<semaphore_mem>>, %arg20: memref<!tpu.dma_semaphore, #tpu.memory_space<semaphore_mem>>, %arg21: memref<!tpu.dma_semaphore, #tpu.memory_space<semaphore_mem>>, %arg22: memref<!tpu.dma_semaphore, #tpu.memory_space<semaphore_mem>>, %arg23: memref<!tpu.dma_semaphore, #tpu.memory_space<semaphore_mem>>, %arg24: memref<!tpu.dma_semaphore, #tpu.memory_space<semaphore_mem>>, %arg25: memref<!tpu.dma_semaphore, #tpu.memory_space<semaphore_mem>>, %arg26: memref<!tpu.dma_semaphore, #tpu.memory_space<semaphore_mem>>, %arg27: memref<!tpu.dma_semaphore, #tpu.memory_space<semaphore_mem>>, %arg28: memref<!tpu.dma_semaphore, #tpu.memory_space<semaphore_mem>>, %arg29: memref<128x16xf32, #tpu.memory_space<vmem>>, %arg30: memref<128x16xf32, #tpu.memory_space<vmem>>, %arg31: memref<10240x16xf32, #tpu.memory_space<vmem_shared>>, %arg32: memref<!tpu.dma_semaphore, #tpu.memory_space<semaphore_mem>>, %arg33: memref<!tpu.dma_semaphore, #tpu.memory_space<semaphore_mem>>, %arg34: memref<!tpu.dma_semaphore, #tpu.memory_space<semaphore_mem>>, %arg35: memref<!tpu.dma_semaphore, #tpu.memory_space<semaphore_mem>>, %arg36: memref<!tpu.dma_semaphore, #tpu.memory_space<semaphore_mem>>, %arg37: memref<!tpu.dma_semaphore, #tpu.memory_space<semaphore_mem>>) attributes {dimension_semantics = [#tpu.dimension_semantics<core_parallel>, #tpu.dimension_semantics<subcore_parallel>], iteration_bounds = array<i64: 2, 16>, scalar_prefetch = 0 : i64, scratch_operands = 32 : i64, tpu.core_type = #tpu.core_type<sc_vector_subcore>, window_params = [{transform_indices = #map}, {transform_indices = #map1}, {transform_indices = #map1}, {transform_indices = #map1}]} {
    %mul3A = arith.constant 2 : i32
    %mul3A_0 = arith.muli %arg1, %mul3A : i32
    %add3A = arith.addi %mul3A_0, %arg0 : i32
    %scan3A = arith.constant 0 : i32
    %scan3A_1 = arith.constant 0 : i32
    %scan3A_2 = arith.constant 128 : i32
    %scan3A_3 = arith.addi %scan3A_1, %scan3A_2 : i32
    %scan3A_4 = arith.constant 1 : i32
    %scan3A_5 = scf.for %scan3A_152 = %scan3A_1 to %scan3A_3 step %scan3A_4 iter_args(%scan3A_153 = %scan3A) -> (i32)  : i32 {
      %broadcast_in_dim3A = arith.constant 0.000000e+00 : f32
      %broadcast_in_dim3A_154 = vector.broadcast %broadcast_in_dim3A : f32 to vector<16xf32>
      %swap3A = arith.index_cast %scan3A_152 : i32 to index
      %swap3A_155 = arith.constant 0 : index
      %swap3A_156 = tpu.vector_load %arg29[%swap3A, %swap3A_155] {strides = array<i32>} : memref<128x16xf32, #tpu.memory_space<vmem>>, vector<1x16xf32>,
      %swap3A_157 = vector.shape_cast %swap3A_156 : vector<1x16xf32> to vector<16xf32>
      %swap3A_158 = vector.shape_cast %broadcast_in_dim3A_154 : vector<16xf32> to vector<1x16xf32>
      tpu.vector_store %arg29[%swap3A, %swap3A_155], %swap3A_158 {strides = array<i32>} : memref<128x16xf32, #tpu.memory_space<vmem>>, vector<1x16xf32>,
      %broadcast_in_dim3A_159 = arith.constant 1.000000e+00 : f32
      %broadcast_in_dim3A_160 = vector.broadcast %broadcast_in_dim3A_159 : f32 to vector<16xf32>
      %swap3A_161 = arith.index_cast %scan3A_152 : i32 to index
      %swap3A_162 = arith.constant 0 : index
      %swap3A_163 = tpu.vector_load %arg30[%swap3A_161, %swap3A_162] {strides = array<i32>} : memref<128x16xf32, #tpu.memory_space<vmem>>, vector<1x16xf32>,
      %swap3A_164 = vector.shape_cast %swap3A_163 : vector<1x16xf32> to vector<16xf32>
      %swap3A_165 = vector.shape_cast %broadcast_in_dim3A_160 : vector<16xf32> to vector<1x16xf32>
      tpu.vector_store %arg30[%swap3A_161, %swap3A_162], %swap3A_165 {strides = array<i32>} : memref<128x16xf32, #tpu.memory_space<vmem>>, vector<1x16xf32>,
      %scan3A_166 = arith.constant 0 : i32
      scf.yield %scan3A_166 : i32
    }
    %scan3A_6 = arith.constant 128 : i32
    %mul3A_7 = arith.constant 640 : i32
    %mul3A_8 = arith.muli %arg1, %mul3A_7 : i32
    %add3A_9 = arith.constant 0 : i32
    %add3A_10 = arith.addi %mul3A_8, %add3A_9 : i32
    "tpu.region"() ({
      %run_scoped3A_152 = tpu.sem_alloc : memref<!tpu.dma_semaphore, #tpu.memory_space<semaphore_mem>>
      %dma_start3A = arith.constant 0 : i32
      %dma_start3A_153 = tpu.memref_slice %arg10[%add3A_10, %dma_start3A] : memref<10240x16xf32, #tpu.memory_space<vmem_shared>> -> memref<128x16xf32, #tpu.memory_space<vmem_shared>>
      %dma_start3A_154 = arith.constant 0 : i32
      %dma_start3A_155 = tpu.memref_slice %arg10[%add3A_10, %dma_start3A_154] : memref<10240x16xf32, #tpu.memory_space<vmem_shared>> -> memref<128x16xf32, #tpu.memory_space<vmem_shared>>
      tpu.enqueue_dma source(%arg29 : memref<128x16xf32, #tpu.memory_space<vmem>>) target(%dma_start3A_155 : memref<128x16xf32, #tpu.memory_space<vmem_shared>>) target_semaphore(%run_scoped3A_152 : memref<!tpu.dma_semaphore, #tpu.memory_space<semaphore_mem>>)
      %dma_wait3A_156 = arith.constant 0 : i32
      %dma_wait3A_157 = tpu.memref_slice %arg10[%add3A_10, %dma_wait3A_156] : memref<10240x16xf32, #tpu.memory_space<vmem_shared>> -> memref<128x16xf32, #tpu.memory_space<vmem_shared>>
      %dma_wait3A_158 = arith.constant 0 : i32
      %dma_wait3A_159 = tpu.memref_slice %arg10[%add3A_10, %dma_wait3A_158] : memref<10240x16xf32, #tpu.memory_space<vmem_shared>> -> memref<128x16xf32, #tpu.memory_space<vmem_shared>>
      tpu.wait_dma2 semaphore(%run_scoped3A_152 : memref<!tpu.dma_semaphore, #tpu.memory_space<semaphore_mem>>) src(%arg29 : memref<128x16xf32, #tpu.memory_space<vmem>>) dst(%dma_wait3A_159 : memref<128x16xf32, #tpu.memory_space<vmem_shared>>)
      tpu.yield
    }) : () -> ()
    %mul3A_11 = arith.constant 640 : i32
    %mul3A_12 = arith.muli %arg1, %mul3A_11 : i32
    %add3A_13 = arith.constant 0 : i32
    %add3A_14 = arith.addi %mul3A_12, %add3A_13 : i32
    "tpu.region"() ({
      %run_scoped3A_152 = tpu.sem_alloc : memref<!tpu.dma_semaphore, #tpu.memory_space<semaphore_mem>>
      %dma_start3A = arith.constant 0 : i32
      %dma_start3A_153 = tpu.memref_slice %arg31[%add3A_14, %dma_start3A] : memref<10240x16xf32, #tpu.memory_space<vmem_shared>> -> memref<128x16xf32, #tpu.memory_space<vmem_shared>>
      %dma_start3A_154 = arith.constant 0 : i32
      %dma_start3A_155 = tpu.memref_slice %arg31[%add3A_14, %dma_start3A_154] : memref<10240x16xf32, #tpu.memory_space<vmem_shared>> -> memref<128x16xf32, #tpu.memory_space<vmem_shared>>
      tpu.enqueue_dma source(%arg29 : memref<128x16xf32, #tpu.memory_space<vmem>>) target(%dma_start3A_155 : memref<128x16xf32, #tpu.memory_space<vmem_shared>>) target_semaphore(%run_scoped3A_152 : memref<!tpu.dma_semaphore, #tpu.memory_space<semaphore_mem>>)
      %dma_wait3A_156 = arith.constant 0 : i32
      %dma_wait3A_157 = tpu.memref_slice %arg31[%add3A_14, %dma_wait3A_156] : memref<10240x16xf32, #tpu.memory_space<vmem_shared>> -> memref<128x16xf32, #tpu.memory_space<vmem_shared>>
      %dma_wait3A_158 = arith.constant 0 : i32
      %dma_wait3A_159 = tpu.memref_slice %arg31[%add3A_14, %dma_wait3A_158] : memref<10240x16xf32, #tpu.memory_space<vmem_shared>> -> memref<128x16xf32, #tpu.memory_space<vmem_shared>>
      tpu.wait_dma2 semaphore(%run_scoped3A_152 : memref<!tpu.dma_semaphore, #tpu.memory_space<semaphore_mem>>) src(%arg29 : memref<128x16xf32, #tpu.memory_space<vmem>>) dst(%dma_wait3A_159 : memref<128x16xf32, #tpu.memory_space<vmem_shared>>)
      tpu.yield
    }) : () -> ()
    %mul3A_15 = arith.constant 640 : i32
    %mul3A_16 = arith.muli %arg1, %mul3A_15 : i32
    %add3A_17 = arith.constant 128 : i32
    %add3A_18 = arith.addi %mul3A_16, %add3A_17 : i32
    "tpu.region"() ({
      %run_scoped3A_152 = tpu.sem_alloc : memref<!tpu.dma_semaphore, #tpu.memory_space<semaphore_mem>>
      %dma_start3A = arith.constant 0 : i32
      %dma_start3A_153 = tpu.memref_slice %arg10[%add3A_18, %dma_start3A] : memref<10240x16xf32, #tpu.memory_space<vmem_shared>> -> memref<128x16xf32, #tpu.memory_space<vmem_shared>>
      %dma_start3A_154 = arith.constant 0 : i32
      %dma_start3A_155 = tpu.memref_slice %arg10[%add3A_18, %dma_start3A_154] : memref<10240x16xf32, #tpu.memory_space<vmem_shared>> -> memref<128x16xf32, #tpu.memory_space<vmem_shared>>
      tpu.enqueue_dma source(%arg29 : memref<128x16xf32, #tpu.memory_space<vmem>>) target(%dma_start3A_155 : memref<128x16xf32, #tpu.memory_space<vmem_shared>>) target_semaphore(%run_scoped3A_152 : memref<!tpu.dma_semaphore, #tpu.memory_space<semaphore_mem>>)
      %dma_wait3A_156 = arith.constant 0 : i32
      %dma_wait3A_157 = tpu.memref_slice %arg10[%add3A_18, %dma_wait3A_156] : memref<10240x16xf32, #tpu.memory_space<vmem_shared>> -> memref<128x16xf32, #tpu.memory_space<vmem_shared>>
      %dma_wait3A_158 = arith.constant 0 : i32
      %dma_wait3A_159 = tpu.memref_slice %arg10[%add3A_18, %dma_wait3A_158] : memref<10240x16xf32, #tpu.memory_space<vmem_shared>> -> memref<128x16xf32, #tpu.memory_space<vmem_shared>>
      tpu.wait_dma2 semaphore(%run_scoped3A_152 : memref<!tpu.dma_semaphore, #tpu.memory_space<semaphore_mem>>) src(%arg29 : memref<128x16xf32, #tpu.memory_space<vmem>>) dst(%dma_wait3A_159 : memref<128x16xf32, #tpu.memory_space<vmem_shared>>)
      tpu.yield
    }) : () -> ()
    %mul3A_19 = arith.constant 640 : i32
    %mul3A_20 = arith.muli %arg1, %mul3A_19 : i32
    %add3A_21 = arith.constant 128 : i32
    %add3A_22 = arith.addi %mul3A_20, %add3A_21 : i32
    "tpu.region"() ({
      %run_scoped3A_152 = tpu.sem_alloc : memref<!tpu.dma_semaphore, #tpu.memory_space<semaphore_mem>>
      %dma_start3A = arith.constant 0 : i32
      %dma_start3A_153 = tpu.memref_slice %arg31[%add3A_22, %dma_start3A] : memref<10240x16xf32, #tpu.memory_space<vmem_shared>> -> memref<128x16xf32, #tpu.memory_space<vmem_shared>>
      %dma_start3A_154 = arith.constant 0 : i32
      %dma_start3A_155 = tpu.memref_slice %arg31[%add3A_22, %dma_start3A_154] : memref<10240x16xf32, #tpu.memory_space<vmem_shared>> -> memref<128x16xf32, #tpu.memory_space<vmem_shared>>
      tpu.enqueue_dma source(%arg29 : memref<128x16xf32, #tpu.memory_space<vmem>>) target(%dma_start3A_155 : memref<128x16xf32, #tpu.memory_space<vmem_shared>>) target_semaphore(%run_scoped3A_152 : memref<!tpu.dma_semaphore, #tpu.memory_space<semaphore_mem>>)
      %dma_wait3A_156 = arith.constant 0 : i32
      %dma_wait3A_157 = tpu.memref_slice %arg31[%add3A_22, %dma_wait3A_156] : memref<10240x16xf32, #tpu.memory_space<vmem_shared>> -> memref<128x16xf32, #tpu.memory_space<vmem_shared>>
      %dma_wait3A_158 = arith.constant 0 : i32
      %dma_wait3A_159 = tpu.memref_slice %arg31[%add3A_22, %dma_wait3A_158] : memref<10240x16xf32, #tpu.memory_space<vmem_shared>> -> memref<128x16xf32, #tpu.memory_space<vmem_shared>>
      tpu.wait_dma2 semaphore(%run_scoped3A_152 : memref<!tpu.dma_semaphore, #tpu.memory_space<semaphore_mem>>) src(%arg29 : memref<128x16xf32, #tpu.memory_space<vmem>>) dst(%dma_wait3A_159 : memref<128x16xf32, #tpu.memory_space<vmem_shared>>)
      tpu.yield
    }) : () -> ()
    %mul3A_23 = arith.constant 640 : i32
    %mul3A_24 = arith.muli %arg1, %mul3A_23 : i32
    %add3A_25 = arith.constant 256 : i32
    %add3A_26 = arith.addi %mul3A_24, %add3A_25 : i32
    "tpu.region"() ({
      %run_scoped3A_152 = tpu.sem_alloc : memref<!tpu.dma_semaphore, #tpu.memory_space<semaphore_mem>>
      %dma_start3A = arith.constant 0 : i32
      %dma_start3A_153 = tpu.memref_slice %arg10[%add3A_26, %dma_start3A] : memref<10240x16xf32, #tpu.memory_space<vmem_shared>> -> memref<128x16xf32, #tpu.memory_space<vmem_shared>>
      %dma_start3A_154 = arith.constant 0 : i32
      %dma_start3A_155 = tpu.memref_slice %arg10[%add3A_26, %dma_start3A_154] : memref<10240x16xf32, #tpu.memory_space<vmem_shared>> -> memref<128x16xf32, #tpu.memory_space<vmem_shared>>
      tpu.enqueue_dma source(%arg29 : memref<128x16xf32, #tpu.memory_space<vmem>>) target(%dma_start3A_155 : memref<128x16xf32, #tpu.memory_space<vmem_shared>>) target_semaphore(%run_scoped3A_152 : memref<!tpu.dma_semaphore, #tpu.memory_space<semaphore_mem>>)
      %dma_wait3A_156 = arith.constant 0 : i32
      %dma_wait3A_157 = tpu.memref_slice %arg10[%add3A_26, %dma_wait3A_156] : memref<10240x16xf32, #tpu.memory_space<vmem_shared>> -> memref<128x16xf32, #tpu.memory_space<vmem_shared>>
      %dma_wait3A_158 = arith.constant 0 : i32
      %dma_wait3A_159 = tpu.memref_slice %arg10[%add3A_26, %dma_wait3A_158] : memref<10240x16xf32, #tpu.memory_space<vmem_shared>> -> memref<128x16xf32, #tpu.memory_space<vmem_shared>>
      tpu.wait_dma2 semaphore(%run_scoped3A_152 : memref<!tpu.dma_semaphore, #tpu.memory_space<semaphore_mem>>) src(%arg29 : memref<128x16xf32, #tpu.memory_space<vmem>>) dst(%dma_wait3A_159 : memref<128x16xf32, #tpu.memory_space<vmem_shared>>)
      tpu.yield
    }) : () -> ()
    %mul3A_27 = arith.constant 640 : i32
    %mul3A_28 = arith.muli %arg1, %mul3A_27 : i32
    %add3A_29 = arith.constant 256 : i32
    %add3A_30 = arith.addi %mul3A_28, %add3A_29 : i32
    "tpu.region"() ({
      %run_scoped3A_152 = tpu.sem_alloc : memref<!tpu.dma_semaphore, #tpu.memory_space<semaphore_mem>>
      %dma_start3A = arith.constant 0 : i32
      %dma_start3A_153 = tpu.memref_slice %arg31[%add3A_30, %dma_start3A] : memref<10240x16xf32, #tpu.memory_space<vmem_shared>> -> memref<128x16xf32, #tpu.memory_space<vmem_shared>>
      %dma_start3A_154 = arith.constant 0 : i32
      %dma_start3A_155 = tpu.memref_slice %arg31[%add3A_30, %dma_start3A_154] : memref<10240x16xf32, #tpu.memory_space<vmem_shared>> -> memref<128x16xf32, #tpu.memory_space<vmem_shared>>
      tpu.enqueue_dma source(%arg29 : memref<128x16xf32, #tpu.memory_space<vmem>>) target(%dma_start3A_155 : memref<128x16xf32, #tpu.memory_space<vmem_shared>>) target_semaphore(%run_scoped3A_152 : memref<!tpu.dma_semaphore, #tpu.memory_space<semaphore_mem>>)
      %dma_wait3A_156 = arith.constant 0 : i32
      %dma_wait3A_157 = tpu.memref_slice %arg31[%add3A_30, %dma_wait3A_156] : memref<10240x16xf32, #tpu.memory_space<vmem_shared>> -> memref<128x16xf32, #tpu.memory_space<vmem_shared>>
      %dma_wait3A_158 = arith.constant 0 : i32
      %dma_wait3A_159 = tpu.memref_slice %arg31[%add3A_30, %dma_wait3A_158] : memref<10240x16xf32, #tpu.memory_space<vmem_shared>> -> memref<128x16xf32, #tpu.memory_space<vmem_shared>>
      tpu.wait_dma2 semaphore(%run_scoped3A_152 : memref<!tpu.dma_semaphore, #tpu.memory_space<semaphore_mem>>) src(%arg29 : memref<128x16xf32, #tpu.memory_space<vmem>>) dst(%dma_wait3A_159 : memref<128x16xf32, #tpu.memory_space<vmem_shared>>)
      tpu.yield
    }) : () -> ()
    %mul3A_31 = arith.constant 640 : i32
    %mul3A_32 = arith.muli %arg1, %mul3A_31 : i32
    %add3A_33 = arith.constant 384 : i32
    %add3A_34 = arith.addi %mul3A_32, %add3A_33 : i32
    "tpu.region"() ({
      %run_scoped3A_152 = tpu.sem_alloc : memref<!tpu.dma_semaphore, #tpu.memory_space<semaphore_mem>>
      %dma_start3A = arith.constant 0 : i32
      %dma_start3A_153 = tpu.memref_slice %arg10[%add3A_34, %dma_start3A] : memref<10240x16xf32, #tpu.memory_space<vmem_shared>> -> memref<128x16xf32, #tpu.memory_space<vmem_shared>>
      %dma_start3A_154 = arith.constant 0 : i32
      %dma_start3A_155 = tpu.memref_slice %arg10[%add3A_34, %dma_start3A_154] : memref<10240x16xf32, #tpu.memory_space<vmem_shared>> -> memref<128x16xf32, #tpu.memory_space<vmem_shared>>
      tpu.enqueue_dma source(%arg29 : memref<128x16xf32, #tpu.memory_space<vmem>>) target(%dma_start3A_155 : memref<128x16xf32, #tpu.memory_space<vmem_shared>>) target_semaphore(%run_scoped3A_152 : memref<!tpu.dma_semaphore, #tpu.memory_space<semaphore_mem>>)
      %dma_wait3A_156 = arith.constant 0 : i32
      %dma_wait3A_157 = tpu.memref_slice %arg10[%add3A_34, %dma_wait3A_156] : memref<10240x16xf32, #tpu.memory_space<vmem_shared>> -> memref<128x16xf32, #tpu.memory_space<vmem_shared>>
      %dma_wait3A_158 = arith.constant 0 : i32
      %dma_wait3A_159 = tpu.memref_slice %arg10[%add3A_34, %dma_wait3A_158] : memref<10240x16xf32, #tpu.memory_space<vmem_shared>> -> memref<128x16xf32, #tpu.memory_space<vmem_shared>>
      tpu.wait_dma2 semaphore(%run_scoped3A_152 : memref<!tpu.dma_semaphore, #tpu.memory_space<semaphore_mem>>) src(%arg29 : memref<128x16xf32, #tpu.memory_space<vmem>>) dst(%dma_wait3A_159 : memref<128x16xf32, #tpu.memory_space<vmem_shared>>)
      tpu.yield
    }) : () -> ()
    %mul3A_35 = arith.constant 640 : i32
    %mul3A_36 = arith.muli %arg1, %mul3A_35 : i32
    %add3A_37 = arith.constant 384 : i32
    %add3A_38 = arith.addi %mul3A_36, %add3A_37 : i32
    "tpu.region"() ({
      %run_scoped3A_152 = tpu.sem_alloc : memref<!tpu.dma_semaphore, #tpu.memory_space<semaphore_mem>>
      %dma_start3A = arith.constant 0 : i32
      %dma_start3A_153 = tpu.memref_slice %arg31[%add3A_38, %dma_start3A] : memref<10240x16xf32, #tpu.memory_space<vmem_shared>> -> memref<128x16xf32, #tpu.memory_space<vmem_shared>>
      %dma_start3A_154 = arith.constant 0 : i32
      %dma_start3A_155 = tpu.memref_slice %arg31[%add3A_38, %dma_start3A_154] : memref<10240x16xf32, #tpu.memory_space<vmem_shared>> -> memref<128x16xf32, #tpu.memory_space<vmem_shared>>
      tpu.enqueue_dma source(%arg29 : memref<128x16xf32, #tpu.memory_space<vmem>>) target(%dma_start3A_155 : memref<128x16xf32, #tpu.memory_space<vmem_shared>>) target_semaphore(%run_scoped3A_152 : memref<!tpu.dma_semaphore, #tpu.memory_space<semaphore_mem>>)
      %dma_wait3A_156 = arith.constant 0 : i32
      %dma_wait3A_157 = tpu.memref_slice %arg31[%add3A_38, %dma_wait3A_156] : memref<10240x16xf32, #tpu.memory_space<vmem_shared>> -> memref<128x16xf32, #tpu.memory_space<vmem_shared>>
      %dma_wait3A_158 = arith.constant 0 : i32
      %dma_wait3A_159 = tpu.memref_slice %arg31[%add3A_38, %dma_wait3A_158] : memref<10240x16xf32, #tpu.memory_space<vmem_shared>> -> memref<128x16xf32, #tpu.memory_space<vmem_shared>>
      tpu.wait_dma2 semaphore(%run_scoped3A_152 : memref<!tpu.dma_semaphore, #tpu.memory_space<semaphore_mem>>) src(%arg29 : memref<128x16xf32, #tpu.memory_space<vmem>>) dst(%dma_wait3A_159 : memref<128x16xf32, #tpu.memory_space<vmem_shared>>)
      tpu.yield
    }) : () -> ()
    %mul3A_39 = arith.constant 640 : i32
    %mul3A_40 = arith.muli %arg1, %mul3A_39 : i32
    %add3A_41 = arith.constant 512 : i32
    %add3A_42 = arith.addi %mul3A_40, %add3A_41 : i32
    "tpu.region"() ({
      %run_scoped3A_152 = tpu.sem_alloc : memref<!tpu.dma_semaphore, #tpu.memory_space<semaphore_mem>>
      %dma_start3A = arith.constant 0 : i32
      %dma_start3A_153 = tpu.memref_slice %arg10[%add3A_42, %dma_start3A] : memref<10240x16xf32, #tpu.memory_space<vmem_shared>> -> memref<128x16xf32, #tpu.memory_space<vmem_shared>>
      %dma_start3A_154 = arith.constant 0 : i32
      %dma_start3A_155 = tpu.memref_slice %arg10[%add3A_42, %dma_start3A_154] : memref<10240x16xf32, #tpu.memory_space<vmem_shared>> -> memref<128x16xf32, #tpu.memory_space<vmem_shared>>
      tpu.enqueue_dma source(%arg29 : memref<128x16xf32, #tpu.memory_space<vmem>>) target(%dma_start3A_155 : memref<128x16xf32, #tpu.memory_space<vmem_shared>>) target_semaphore(%run_scoped3A_152 : memref<!tpu.dma_semaphore, #tpu.memory_space<semaphore_mem>>)
      %dma_wait3A_156 = arith.constant 0 : i32
      %dma_wait3A_157 = tpu.memref_slice %arg10[%add3A_42, %dma_wait3A_156] : memref<10240x16xf32, #tpu.memory_space<vmem_shared>> -> memref<128x16xf32, #tpu.memory_space<vmem_shared>>
      %dma_wait3A_158 = arith.constant 0 : i32
      %dma_wait3A_159 = tpu.memref_slice %arg10[%add3A_42, %dma_wait3A_158] : memref<10240x16xf32, #tpu.memory_space<vmem_shared>> -> memref<128x16xf32, #tpu.memory_space<vmem_shared>>
      tpu.wait_dma2 semaphore(%run_scoped3A_152 : memref<!tpu.dma_semaphore, #tpu.memory_space<semaphore_mem>>) src(%arg29 : memref<128x16xf32, #tpu.memory_space<vmem>>) dst(%dma_wait3A_159 : memref<128x16xf32, #tpu.memory_space<vmem_shared>>)
      tpu.yield
    }) : () -> ()
    %mul3A_43 = arith.constant 640 : i32
    %mul3A_44 = arith.muli %arg1, %mul3A_43 : i32
    %add3A_45 = arith.constant 512 : i32
    %add3A_46 = arith.addi %mul3A_44, %add3A_45 : i32
    "tpu.region"() ({
      %run_scoped3A_152 = tpu.sem_alloc : memref<!tpu.dma_semaphore, #tpu.memory_space<semaphore_mem>>
      %dma_start3A = arith.constant 0 : i32
      %dma_start3A_153 = tpu.memref_slice %arg31[%add3A_46, %dma_start3A] : memref<10240x16xf32, #tpu.memory_space<vmem_shared>> -> memref<128x16xf32, #tpu.memory_space<vmem_shared>>
      %dma_start3A_154 = arith.constant 0 : i32
      %dma_start3A_155 = tpu.memref_slice %arg31[%add3A_46, %dma_start3A_154] : memref<10240x16xf32, #tpu.memory_space<vmem_shared>> -> memref<128x16xf32, #tpu.memory_space<vmem_shared>>
      tpu.enqueue_dma source(%arg29 : memref<128x16xf32, #tpu.memory_space<vmem>>) target(%dma_start3A_155 : memref<128x16xf32, #tpu.memory_space<vmem_shared>>) target_semaphore(%run_scoped3A_152 : memref<!tpu.dma_semaphore, #tpu.memory_space<semaphore_mem>>)
      %dma_wait3A_156 = arith.constant 0 : i32
      %dma_wait3A_157 = tpu.memref_slice %arg31[%add3A_46, %dma_wait3A_156] : memref<10240x16xf32, #tpu.memory_space<vmem_shared>> -> memref<128x16xf32, #tpu.memory_space<vmem_shared>>
      %dma_wait3A_158 = arith.constant 0 : i32
      %dma_wait3A_159 = tpu.memref_slice %arg31[%add3A_46, %dma_wait3A_158] : memref<10240x16xf32, #tpu.memory_space<vmem_shared>> -> memref<128x16xf32, #tpu.memory_space<vmem_shared>>
      tpu.wait_dma2 semaphore(%run_scoped3A_152 : memref<!tpu.dma_semaphore, #tpu.memory_space<semaphore_mem>>) src(%arg29 : memref<128x16xf32, #tpu.memory_space<vmem>>) dst(%dma_wait3A_159 : memref<128x16xf32, #tpu.memory_space<vmem_shared>>)
      tpu.yield
    }) : () -> ()
    %mul3A_47 = arith.constant 78 : i32
    %mul3A_48 = arith.muli %add3A, %mul3A_47 : i32
    %run_scoped3A = arith.constant 0 : i32
    "tpu.region"() ({
      %run_scoped3A_152 = tpu.sem_alloc : memref<!tpu.dma_semaphore, #tpu.memory_space<semaphore_mem>>
      %dma_start3A = arith.constant 0 : i32
      %dma_start3A_153 = tpu.memref_slice %arg3[%run_scoped3A, %mul3A_48, %dma_start3A] : memref<2x2500x128xi32, #tpu.memory_space<hbm>> -> memref<1x78x128xi32, #tpu.memory_space<hbm>>
      %dma_start3A_154 = tpu.memref_squeeze %dma_start3A_153 : memref<1x78x128xi32, #tpu.memory_space<hbm>> -> memref<78x128xi32, #tpu.memory_space<hbm>>
      %dma_start3A_155 = arith.constant 0 : i32
      %dma_start3A_156 = tpu.memref_slice %arg3[%run_scoped3A, %mul3A_48, %dma_start3A_155] : memref<2x2500x128xi32, #tpu.memory_space<hbm>> -> memref<1x78x128xi32, #tpu.memory_space<hbm>>
      %dma_start3A_157 = tpu.memref_squeeze %dma_start3A_156 : memref<1x78x128xi32, #tpu.memory_space<hbm>> -> memref<78x128xi32, #tpu.memory_space<hbm>>
      tpu.enqueue_dma source(%dma_start3A_157 : memref<78x128xi32, #tpu.memory_space<hbm>>) target(%arg6 : memref<78x128xi32, #tpu.memory_space<vmem>>) target_semaphore(%run_scoped3A_152 : memref<!tpu.dma_semaphore, #tpu.memory_space<semaphore_mem>>)
      %dma_wait3A_158 = arith.constant 0 : i32
      %dma_wait3A_159 = tpu.memref_slice %arg3[%run_scoped3A, %mul3A_48, %dma_wait3A_158] : memref<2x2500x128xi32, #tpu.memory_space<hbm>> -> memref<1x78x128xi32, #tpu.memory_space<hbm>>
      %dma_wait3A_160 = tpu.memref_squeeze %dma_wait3A_159 : memref<1x78x128xi32, #tpu.memory_space<hbm>> -> memref<78x128xi32, #tpu.memory_space<hbm>>
      %dma_wait3A_161 = arith.constant 0 : i32
      %dma_wait3A_162 = tpu.memref_slice %arg3[%run_scoped3A, %mul3A_48, %dma_wait3A_161] : memref<2x2500x128xi32, #tpu.memory_space<hbm>> -> memref<1x78x128xi32, #tpu.memory_space<hbm>>
      %dma_wait3A_163 = tpu.memref_squeeze %dma_wait3A_162 : memref<1x78x128xi32, #tpu.memory_space<hbm>> -> memref<78x128xi32, #tpu.memory_space<hbm>>
      tpu.wait_dma2 semaphore(%run_scoped3A_152 : memref<!tpu.dma_semaphore, #tpu.memory_space<semaphore_mem>>) src(%dma_wait3A_163 : memref<78x128xi32, #tpu.memory_space<hbm>>) dst(%arg6 : memref<78x128xi32, #tpu.memory_space<vmem>>)
      tpu.yield
    }) : () -> ()
    %mul3A_49 = arith.constant 78 : i32
    %mul3A_50 = arith.muli %add3A, %mul3A_49 : i32
    %run_scoped3A_51 = arith.constant 1 : i32
    "tpu.region"() ({
      %run_scoped3A_152 = tpu.sem_alloc : memref<!tpu.dma_semaphore, #tpu.memory_space<semaphore_mem>>
      %dma_start3A = arith.constant 0 : i32
      %dma_start3A_153 = tpu.memref_slice %arg3[%run_scoped3A_51, %mul3A_50, %dma_start3A] : memref<2x2500x128xi32, #tpu.memory_space<hbm>> -> memref<1x78x128xi32, #tpu.memory_space<hbm>>
      %dma_start3A_154 = tpu.memref_squeeze %dma_start3A_153 : memref<1x78x128xi32, #tpu.memory_space<hbm>> -> memref<78x128xi32, #tpu.memory_space<hbm>>
      %dma_start3A_155 = arith.constant 0 : i32
      %dma_start3A_156 = tpu.memref_slice %arg3[%run_scoped3A_51, %mul3A_50, %dma_start3A_155] : memref<2x2500x128xi32, #tpu.memory_space<hbm>> -> memref<1x78x128xi32, #tpu.memory_space<hbm>>
      %dma_start3A_157 = tpu.memref_squeeze %dma_start3A_156 : memref<1x78x128xi32, #tpu.memory_space<hbm>> -> memref<78x128xi32, #tpu.memory_space<hbm>>
      tpu.enqueue_dma source(%dma_start3A_157 : memref<78x128xi32, #tpu.memory_space<hbm>>) target(%arg7 : memref<78x128xi32, #tpu.memory_space<vmem>>) target_semaphore(%run_scoped3A_152 : memref<!tpu.dma_semaphore, #tpu.memory_space<semaphore_mem>>)
      %dma_wait3A_158 = arith.constant 0 : i32
      %dma_wait3A_159 = tpu.memref_slice %arg3[%run_scoped3A_51, %mul3A_50, %dma_wait3A_158] : memref<2x2500x128xi32, #tpu.memory_space<hbm>> -> memref<1x78x128xi32, #tpu.memory_space<hbm>>
      %dma_wait3A_160 = tpu.memref_squeeze %dma_wait3A_159 : memref<1x78x128xi32, #tpu.memory_space<hbm>> -> memref<78x128xi32, #tpu.memory_space<hbm>>
      %dma_wait3A_161 = arith.constant 0 : i32
      %dma_wait3A_162 = tpu.memref_slice %arg3[%run_scoped3A_51, %mul3A_50, %dma_wait3A_161] : memref<2x2500x128xi32, #tpu.memory_space<hbm>> -> memref<1x78x128xi32, #tpu.memory_space<hbm>>
      %dma_wait3A_163 = tpu.memref_squeeze %dma_wait3A_162 : memref<1x78x128xi32, #tpu.memory_space<hbm>> -> memref<78x128xi32, #tpu.memory_space<hbm>>
      tpu.wait_dma2 semaphore(%run_scoped3A_152 : memref<!tpu.dma_semaphore, #tpu.memory_space<semaphore_mem>>) src(%dma_wait3A_163 : memref<78x128xi32, #tpu.memory_space<hbm>>) dst(%arg7 : memref<78x128xi32, #tpu.memory_space<vmem>>)
      tpu.yield
    }) : () -> ()
    %barrier3A = arith.constant 0 : index
    tpu.barrier barrier_id(%barrier3A)
    %scan3A_52 = arith.constant 0 : i32
    %scan3A_53 = arith.constant 0 : i32
    %scan3A_54 = arith.constant 13 : i32
    %scan3A_55 = arith.addi %scan3A_53, %scan3A_54 : i32
    %scan3A_56 = arith.constant 1 : i32
    scf.for %scan3A_152 = %scan3A_53 to %scan3A_55 step %scan3A_56  : i32 {
      %mul3A_153 = arith.constant 6 : i32
      %mul3A_154 = arith.muli %scan3A_152, %mul3A_153 : i32
      %add3A_155 = arith.constant 0 : i32
      %add3A_156 = arith.addi %mul3A_154, %add3A_155 : i32
      %gt3A = arith.constant 0 : i32
      %gt3A_157 = arith.cmpi sgt, %scan3A_152, %gt3A : i32
      %convert_element_type3A_158 = arith.extui %gt3A_157 : i1 to i32
      %cond3A_159 = arith.constant 0 : i32
      %cond3A_160 = arith.cmpi ne, %convert_element_type3A_158, %cond3A_159 : i32
      scf.if %cond3A_160 {
        %dma_wait3A_373 = arith.constant 0 : i32
        %dma_wait3A_374 = tpu.memref_slice %arg7[%add3A_156, %dma_wait3A_373] : memref<78x128xi32, #tpu.memory_space<vmem>> -> memref<1x128xi32, #tpu.memory_space<vmem>>
        %dma_wait3A_375 = tpu.memref_squeeze %dma_wait3A_374 : memref<1x128xi32, #tpu.memory_space<vmem>> -> memref<128xi32, #tpu.memory_space<vmem>>
        %dma_wait3A_376 = arith.constant 0 : i32
        %dma_wait3A_377 = arith.constant 0 : i32
        %dma_wait3A_378 = tpu.memref_slice %arg10[%dma_wait3A_376, %dma_wait3A_377] : memref<10240x16xf32, #tpu.memory_space<vmem_shared>> -> memref<10240x16xf32, #tpu.memory_space<vmem_shared>>
        tpu.wait_indirect_dma semaphore(%arg23 : memref<!tpu.dma_semaphore, #tpu.memory_space<semaphore_mem>>) src(%arg11 : memref<128x16xf32, #tpu.memory_space<vmem>>) dst(%dma_wait3A_378 : memref<10240x16xf32, #tpu.memory_space<vmem_shared>>)
        %dma_wait3A_379 = arith.constant 0 : i32
        %dma_wait3A_380 = tpu.memref_slice %arg7[%add3A_156, %dma_wait3A_379] : memref<78x128xi32, #tpu.memory_space<vmem>> -> memref<1x128xi32, #tpu.memory_space<vmem>>
        %dma_wait3A_381 = tpu.memref_squeeze %dma_wait3A_380 : memref<1x128xi32, #tpu.memory_space<vmem>> -> memref<128xi32, #tpu.memory_space<vmem>>
        %dma_wait3A_382 = arith.constant 0 : i32
        %dma_wait3A_383 = arith.constant 0 : i32
        %dma_wait3A_384 = tpu.memref_slice %arg31[%dma_wait3A_382, %dma_wait3A_383] : memref<10240x16xf32, #tpu.memory_space<vmem_shared>> -> memref<10240x16xf32, #tpu.memory_space<vmem_shared>>
        tpu.wait_indirect_dma semaphore(%arg32 : memref<!tpu.dma_semaphore, #tpu.memory_space<semaphore_mem>>) src(%arg30 : memref<128x16xf32, #tpu.memory_space<vmem>>) dst(%dma_wait3A_384 : memref<10240x16xf32, #tpu.memory_space<vmem_shared>>)
      } else {
      }
      %dma_start3A = arith.constant 0 : i32
      %dma_start3A_161 = tpu.memref_slice %arg6[%add3A_156, %dma_start3A] : memref<78x128xi32, #tpu.memory_space<vmem>> -> memref<1x128xi32, #tpu.memory_space<vmem>>
      %dma_start3A_162 = tpu.memref_squeeze %dma_start3A_161 : memref<1x128xi32, #tpu.memory_space<vmem>> -> memref<128xi32, #tpu.memory_space<vmem>>
      %dma_start3A_163 = arith.constant 0 : i32
      %dma_start3A_164 = arith.constant 0 : i32
      %dma_start3A_165 = tpu.memref_slice %arg2[%dma_start3A_163, %dma_start3A_164] : memref<10240x16xf32, #tpu.memory_space<hbm>> -> memref<10240x16xf32, #tpu.memory_space<hbm>>
      tpu.enqueue_indirect_dma source(%dma_start3A_165 : memref<10240x16xf32, #tpu.memory_space<hbm>>) target(%arg11 : memref<128x16xf32, #tpu.memory_space<vmem>>) offsets(%dma_start3A_162 : memref<128xi32, #tpu.memory_space<vmem>>) semaphore(%arg17 : memref<!tpu.dma_semaphore, #tpu.memory_space<semaphore_mem>>)
      %mul3A_166 = arith.constant 6 : i32
      %mul3A_167 = arith.muli %scan3A_152, %mul3A_166 : i32
      %add3A_168 = arith.constant 1 : i32
      %add3A_169 = arith.addi %mul3A_167, %add3A_168 : i32
      %gt3A_170 = arith.constant 0 : i32
      %gt3A_171 = arith.cmpi sgt, %scan3A_152, %gt3A_170 : i32
      %convert_element_type3A_172 = arith.extui %gt3A_171 : i1 to i32
      %cond3A_173 = arith.constant 0 : i32
      %cond3A_174 = arith.cmpi ne, %convert_element_type3A_172, %cond3A_173 : i32
      scf.if %cond3A_174 {
        %dma_wait3A_373 = arith.constant 0 : i32
        %dma_wait3A_374 = tpu.memref_slice %arg7[%add3A_169, %dma_wait3A_373] : memref<78x128xi32, #tpu.memory_space<vmem>> -> memref<1x128xi32, #tpu.memory_space<vmem>>
        %dma_wait3A_375 = tpu.memref_squeeze %dma_wait3A_374 : memref<1x128xi32, #tpu.memory_space<vmem>> -> memref<128xi32, #tpu.memory_space<vmem>>
        %dma_wait3A_376 = arith.constant 0 : i32
        %dma_wait3A_377 = arith.constant 0 : i32
        %dma_wait3A_378 = tpu.memref_slice %arg10[%dma_wait3A_376, %dma_wait3A_377] : memref<10240x16xf32, #tpu.memory_space<vmem_shared>> -> memref<10240x16xf32, #tpu.memory_space<vmem_shared>>
        tpu.wait_indirect_dma semaphore(%arg24 : memref<!tpu.dma_semaphore, #tpu.memory_space<semaphore_mem>>) src(%arg12 : memref<128x16xf32, #tpu.memory_space<vmem>>) dst(%dma_wait3A_378 : memref<10240x16xf32, #tpu.memory_space<vmem_shared>>)
        %dma_wait3A_379 = arith.constant 0 : i32
        %dma_wait3A_380 = tpu.memref_slice %arg7[%add3A_169, %dma_wait3A_379] : memref<78x128xi32, #tpu.memory_space<vmem>> -> memref<1x128xi32, #tpu.memory_space<vmem>>
        %dma_wait3A_381 = tpu.memref_squeeze %dma_wait3A_380 : memref<1x128xi32, #tpu.memory_space<vmem>> -> memref<128xi32, #tpu.memory_space<vmem>>
        %dma_wait3A_382 = arith.constant 0 : i32
        %dma_wait3A_383 = arith.constant 0 : i32
        %dma_wait3A_384 = tpu.memref_slice %arg31[%dma_wait3A_382, %dma_wait3A_383] : memref<10240x16xf32, #tpu.memory_space<vmem_shared>> -> memref<10240x16xf32, #tpu.memory_space<vmem_shared>>
        tpu.wait_indirect_dma semaphore(%arg33 : memref<!tpu.dma_semaphore, #tpu.memory_space<semaphore_mem>>) src(%arg30 : memref<128x16xf32, #tpu.memory_space<vmem>>) dst(%dma_wait3A_384 : memref<10240x16xf32, #tpu.memory_space<vmem_shared>>)
      } else {
      }
      %dma_start3A_175 = arith.constant 0 : i32
      %dma_start3A_176 = tpu.memref_slice %arg6[%add3A_169, %dma_start3A_175] : memref<78x128xi32, #tpu.memory_space<vmem>> -> memref<1x128xi32, #tpu.memory_space<vmem>>
      %dma_start3A_177 = tpu.memref_squeeze %dma_start3A_176 : memref<1x128xi32, #tpu.memory_space<vmem>> -> memref<128xi32, #tpu.memory_space<vmem>>
      %dma_start3A_178 = arith.constant 0 : i32
      %dma_start3A_179 = arith.constant 0 : i32
      %dma_start3A_180 = tpu.memref_slice %arg2[%dma_start3A_178, %dma_start3A_179] : memref<10240x16xf32, #tpu.memory_space<hbm>> -> memref<10240x16xf32, #tpu.memory_space<hbm>>
      tpu.enqueue_indirect_dma source(%dma_start3A_180 : memref<10240x16xf32, #tpu.memory_space<hbm>>) target(%arg12 : memref<128x16xf32, #tpu.memory_space<vmem>>) offsets(%dma_start3A_177 : memref<128xi32, #tpu.memory_space<vmem>>) semaphore(%arg18 : memref<!tpu.dma_semaphore, #tpu.memory_space<semaphore_mem>>)
      %mul3A_181 = arith.constant 6 : i32
      %mul3A_182 = arith.muli %scan3A_152, %mul3A_181 : i32
      %add3A_183 = arith.constant 2 : i32
      %add3A_184 = arith.addi %mul3A_182, %add3A_183 : i32
      %gt3A_185 = arith.constant 0 : i32
      %gt3A_186 = arith.cmpi sgt, %scan3A_152, %gt3A_185 : i32
      %convert_element_type3A_187 = arith.extui %gt3A_186 : i1 to i32
      %cond3A_188 = arith.constant 0 : i32
      %cond3A_189 = arith.cmpi ne, %convert_element_type3A_187, %cond3A_188 : i32
      scf.if %cond3A_189 {
        %dma_wait3A_373 = arith.constant 0 : i32
        %dma_wait3A_374 = tpu.memref_slice %arg7[%add3A_184, %dma_wait3A_373] : memref<78x128xi32, #tpu.memory_space<vmem>> -> memref<1x128xi32, #tpu.memory_space<vmem>>
        %dma_wait3A_375 = tpu.memref_squeeze %dma_wait3A_374 : memref<1x128xi32, #tpu.memory_space<vmem>> -> memref<128xi32, #tpu.memory_space<vmem>>
        %dma_wait3A_376 = arith.constant 0 : i32
        %dma_wait3A_377 = arith.constant 0 : i32
        %dma_wait3A_378 = tpu.memref_slice %arg10[%dma_wait3A_376, %dma_wait3A_377] : memref<10240x16xf32, #tpu.memory_space<vmem_shared>> -> memref<10240x16xf32, #tpu.memory_space<vmem_shared>>
        tpu.wait_indirect_dma semaphore(%arg25 : memref<!tpu.dma_semaphore, #tpu.memory_space<semaphore_mem>>) src(%arg13 : memref<128x16xf32, #tpu.memory_space<vmem>>) dst(%dma_wait3A_378 : memref<10240x16xf32, #tpu.memory_space<vmem_shared>>)
        %dma_wait3A_379 = arith.constant 0 : i32
        %dma_wait3A_380 = tpu.memref_slice %arg7[%add3A_184, %dma_wait3A_379] : memref<78x128xi32, #tpu.memory_space<vmem>> -> memref<1x128xi32, #tpu.memory_space<vmem>>
        %dma_wait3A_381 = tpu.memref_squeeze %dma_wait3A_380 : memref<1x128xi32, #tpu.memory_space<vmem>> -> memref<128xi32, #tpu.memory_space<vmem>>
        %dma_wait3A_382 = arith.constant 0 : i32
        %dma_wait3A_383 = arith.constant 0 : i32
        %dma_wait3A_384 = tpu.memref_slice %arg31[%dma_wait3A_382, %dma_wait3A_383] : memref<10240x16xf32, #tpu.memory_space<vmem_shared>> -> memref<10240x16xf32, #tpu.memory_space<vmem_shared>>
        tpu.wait_indirect_dma semaphore(%arg34 : memref<!tpu.dma_semaphore, #tpu.memory_space<semaphore_mem>>) src(%arg30 : memref<128x16xf32, #tpu.memory_space<vmem>>) dst(%dma_wait3A_384 : memref<10240x16xf32, #tpu.memory_space<vmem_shared>>)
      } else {
      }
      %dma_start3A_190 = arith.constant 0 : i32
      %dma_start3A_191 = tpu.memref_slice %arg6[%add3A_184, %dma_start3A_190] : memref<78x128xi32, #tpu.memory_space<vmem>> -> memref<1x128xi32, #tpu.memory_space<vmem>>
      %dma_start3A_192 = tpu.memref_squeeze %dma_start3A_191 : memref<1x128xi32, #tpu.memory_space<vmem>> -> memref<128xi32, #tpu.memory_space<vmem>>
      %dma_start3A_193 = arith.constant 0 : i32
      %dma_start3A_194 = arith.constant 0 : i32
      %dma_start3A_195 = tpu.memref_slice %arg2[%dma_start3A_193, %dma_start3A_194] : memref<10240x16xf32, #tpu.memory_space<hbm>> -> memref<10240x16xf32, #tpu.memory_space<hbm>>
      tpu.enqueue_indirect_dma source(%dma_start3A_195 : memref<10240x16xf32, #tpu.memory_space<hbm>>) target(%arg13 : memref<128x16xf32, #tpu.memory_space<vmem>>) offsets(%dma_start3A_192 : memref<128xi32, #tpu.memory_space<vmem>>) semaphore(%arg19 : memref<!tpu.dma_semaphore, #tpu.memory_space<semaphore_mem>>)
      %mul3A_196 = arith.constant 6 : i32
      %mul3A_197 = arith.muli %scan3A_152, %mul3A_196 : i32
      %add3A_198 = arith.constant 3 : i32
      %add3A_199 = arith.addi %mul3A_197, %add3A_198 : i32
      %gt3A_200 = arith.constant 0 : i32
      %gt3A_201 = arith.cmpi sgt, %scan3A_152, %gt3A_200 : i32
      %convert_element_type3A_202 = arith.extui %gt3A_201 : i1 to i32
      %cond3A_203 = arith.constant 0 : i32
      %cond3A_204 = arith.cmpi ne, %convert_element_type3A_202, %cond3A_203 : i32
      scf.if %cond3A_204 {
        %dma_wait3A_373 = arith.constant 0 : i32
        %dma_wait3A_374 = tpu.memref_slice %arg7[%add3A_199, %dma_wait3A_373] : memref<78x128xi32, #tpu.memory_space<vmem>> -> memref<1x128xi32, #tpu.memory_space<vmem>>
        %dma_wait3A_375 = tpu.memref_squeeze %dma_wait3A_374 : memref<1x128xi32, #tpu.memory_space<vmem>> -> memref<128xi32, #tpu.memory_space<vmem>>
        %dma_wait3A_376 = arith.constant 0 : i32
        %dma_wait3A_377 = arith.constant 0 : i32
        %dma_wait3A_378 = tpu.memref_slice %arg10[%dma_wait3A_376, %dma_wait3A_377] : memref<10240x16xf32, #tpu.memory_space<vmem_shared>> -> memref<10240x16xf32, #tpu.memory_space<vmem_shared>>
        tpu.wait_indirect_dma semaphore(%arg26 : memref<!tpu.dma_semaphore, #tpu.memory_space<semaphore_mem>>) src(%arg14 : memref<128x16xf32, #tpu.memory_space<vmem>>) dst(%dma_wait3A_378 : memref<10240x16xf32, #tpu.memory_space<vmem_shared>>)
        %dma_wait3A_379 = arith.constant 0 : i32
        %dma_wait3A_380 = tpu.memref_slice %arg7[%add3A_199, %dma_wait3A_379] : memref<78x128xi32, #tpu.memory_space<vmem>> -> memref<1x128xi32, #tpu.memory_space<vmem>>
        %dma_wait3A_381 = tpu.memref_squeeze %dma_wait3A_380 : memref<1x128xi32, #tpu.memory_space<vmem>> -> memref<128xi32, #tpu.memory_space<vmem>>
        %dma_wait3A_382 = arith.constant 0 : i32
        %dma_wait3A_383 = arith.constant 0 : i32
        %dma_wait3A_384 = tpu.memref_slice %arg31[%dma_wait3A_382, %dma_wait3A_383] : memref<10240x16xf32, #tpu.memory_space<vmem_shared>> -> memref<10240x16xf32, #tpu.memory_space<vmem_shared>>
        tpu.wait_indirect_dma semaphore(%arg35 : memref<!tpu.dma_semaphore, #tpu.memory_space<semaphore_mem>>) src(%arg30 : memref<128x16xf32, #tpu.memory_space<vmem>>) dst(%dma_wait3A_384 : memref<10240x16xf32, #tpu.memory_space<vmem_shared>>)
      } else {
      }
      %dma_start3A_205 = arith.constant 0 : i32
      %dma_start3A_206 = tpu.memref_slice %arg6[%add3A_199, %dma_start3A_205] : memref<78x128xi32, #tpu.memory_space<vmem>> -> memref<1x128xi32, #tpu.memory_space<vmem>>
      %dma_start3A_207 = tpu.memref_squeeze %dma_start3A_206 : memref<1x128xi32, #tpu.memory_space<vmem>> -> memref<128xi32, #tpu.memory_space<vmem>>
      %dma_start3A_208 = arith.constant 0 : i32
      %dma_start3A_209 = arith.constant 0 : i32
      %dma_start3A_210 = tpu.memref_slice %arg2[%dma_start3A_208, %dma_start3A_209] : memref<10240x16xf32, #tpu.memory_space<hbm>> -> memref<10240x16xf32, #tpu.memory_space<hbm>>
      tpu.enqueue_indirect_dma source(%dma_start3A_210 : memref<10240x16xf32, #tpu.memory_space<hbm>>) target(%arg14 : memref<128x16xf32, #tpu.memory_space<vmem>>) offsets(%dma_start3A_207 : memref<128xi32, #tpu.memory_space<vmem>>) semaphore(%arg20 : memref<!tpu.dma_semaphore, #tpu.memory_space<semaphore_mem>>)
      %mul3A_211 = arith.constant 6 : i32
      %mul3A_212 = arith.muli %scan3A_152, %mul3A_211 : i32
      %add3A_213 = arith.constant 4 : i32
      %add3A_214 = arith.addi %mul3A_212, %add3A_213 : i32
      %gt3A_215 = arith.constant 0 : i32
      %gt3A_216 = arith.cmpi sgt, %scan3A_152, %gt3A_215 : i32
      %convert_element_type3A_217 = arith.extui %gt3A_216 : i1 to i32
      %cond3A_218 = arith.constant 0 : i32
      %cond3A_219 = arith.cmpi ne, %convert_element_type3A_217, %cond3A_218 : i32
      scf.if %cond3A_219 {
        %dma_wait3A_373 = arith.constant 0 : i32
        %dma_wait3A_374 = tpu.memref_slice %arg7[%add3A_214, %dma_wait3A_373] : memref<78x128xi32, #tpu.memory_space<vmem>> -> memref<1x128xi32, #tpu.memory_space<vmem>>
        %dma_wait3A_375 = tpu.memref_squeeze %dma_wait3A_374 : memref<1x128xi32, #tpu.memory_space<vmem>> -> memref<128xi32, #tpu.memory_space<vmem>>
        %dma_wait3A_376 = arith.constant 0 : i32
        %dma_wait3A_377 = arith.constant 0 : i32
        %dma_wait3A_378 = tpu.memref_slice %arg10[%dma_wait3A_376, %dma_wait3A_377] : memref<10240x16xf32, #tpu.memory_space<vmem_shared>> -> memref<10240x16xf32, #tpu.memory_space<vmem_shared>>
        tpu.wait_indirect_dma semaphore(%arg27 : memref<!tpu.dma_semaphore, #tpu.memory_space<semaphore_mem>>) src(%arg15 : memref<128x16xf32, #tpu.memory_space<vmem>>) dst(%dma_wait3A_378 : memref<10240x16xf32, #tpu.memory_space<vmem_shared>>)
        %dma_wait3A_379 = arith.constant 0 : i32
        %dma_wait3A_380 = tpu.memref_slice %arg7[%add3A_214, %dma_wait3A_379] : memref<78x128xi32, #tpu.memory_space<vmem>> -> memref<1x128xi32, #tpu.memory_space<vmem>>
        %dma_wait3A_381 = tpu.memref_squeeze %dma_wait3A_380 : memref<1x128xi32, #tpu.memory_space<vmem>> -> memref<128xi32, #tpu.memory_space<vmem>>
        %dma_wait3A_382 = arith.constant 0 : i32
        %dma_wait3A_383 = arith.constant 0 : i32
        %dma_wait3A_384 = tpu.memref_slice %arg31[%dma_wait3A_382, %dma_wait3A_383] : memref<10240x16xf32, #tpu.memory_space<vmem_shared>> -> memref<10240x16xf32, #tpu.memory_space<vmem_shared>>
        tpu.wait_indirect_dma semaphore(%arg36 : memref<!tpu.dma_semaphore, #tpu.memory_space<semaphore_mem>>) src(%arg30 : memref<128x16xf32, #tpu.memory_space<vmem>>) dst(%dma_wait3A_384 : memref<10240x16xf32, #tpu.memory_space<vmem_shared>>)
      } else {
      }
      %dma_start3A_220 = arith.constant 0 : i32
      %dma_start3A_221 = tpu.memref_slice %arg6[%add3A_214, %dma_start3A_220] : memref<78x128xi32, #tpu.memory_space<vmem>> -> memref<1x128xi32, #tpu.memory_space<vmem>>
      %dma_start3A_222 = tpu.memref_squeeze %dma_start3A_221 : memref<1x128xi32, #tpu.memory_space<vmem>> -> memref<128xi32, #tpu.memory_space<vmem>>
      %dma_start3A_223 = arith.constant 0 : i32
      %dma_start3A_224 = arith.constant 0 : i32
      %dma_start3A_225 = tpu.memref_slice %arg2[%dma_start3A_223, %dma_start3A_224] : memref<10240x16xf32, #tpu.memory_space<hbm>> -> memref<10240x16xf32, #tpu.memory_space<hbm>>
      tpu.enqueue_indirect_dma source(%dma_start3A_225 : memref<10240x16xf32, #tpu.memory_space<hbm>>) target(%arg15 : memref<128x16xf32, #tpu.memory_space<vmem>>) offsets(%dma_start3A_222 : memref<128xi32, #tpu.memory_space<vmem>>) semaphore(%arg21 : memref<!tpu.dma_semaphore, #tpu.memory_space<semaphore_mem>>)
      %mul3A_226 = arith.constant 6 : i32
      %mul3A_227 = arith.muli %scan3A_152, %mul3A_226 : i32
      %add3A_228 = arith.constant 5 : i32
      %add3A_229 = arith.addi %mul3A_227, %add3A_228 : i32
      %gt3A_230 = arith.constant 0 : i32
      %gt3A_231 = arith.cmpi sgt, %scan3A_152, %gt3A_230 : i32
      %convert_element_type3A_232 = arith.extui %gt3A_231 : i1 to i32
      %cond3A_233 = arith.constant 0 : i32
      %cond3A_234 = arith.cmpi ne, %convert_element_type3A_232, %cond3A_233 : i32
      scf.if %cond3A_234 {
        %dma_wait3A_373 = arith.constant 0 : i32
        %dma_wait3A_374 = tpu.memref_slice %arg7[%add3A_229, %dma_wait3A_373] : memref<78x128xi32, #tpu.memory_space<vmem>> -> memref<1x128xi32, #tpu.memory_space<vmem>>
        %dma_wait3A_375 = tpu.memref_squeeze %dma_wait3A_374 : memref<1x128xi32, #tpu.memory_space<vmem>> -> memref<128xi32, #tpu.memory_space<vmem>>
        %dma_wait3A_376 = arith.constant 0 : i32
        %dma_wait3A_377 = arith.constant 0 : i32
        %dma_wait3A_378 = tpu.memref_slice %arg10[%dma_wait3A_376, %dma_wait3A_377] : memref<10240x16xf32, #tpu.memory_space<vmem_shared>> -> memref<10240x16xf32, #tpu.memory_space<vmem_shared>>
        tpu.wait_indirect_dma semaphore(%arg28 : memref<!tpu.dma_semaphore, #tpu.memory_space<semaphore_mem>>) src(%arg16 : memref<128x16xf32, #tpu.memory_space<vmem>>) dst(%dma_wait3A_378 : memref<10240x16xf32, #tpu.memory_space<vmem_shared>>)
        %dma_wait3A_379 = arith.constant 0 : i32
        %dma_wait3A_380 = tpu.memref_slice %arg7[%add3A_229, %dma_wait3A_379] : memref<78x128xi32, #tpu.memory_space<vmem>> -> memref<1x128xi32, #tpu.memory_space<vmem>>
        %dma_wait3A_381 = tpu.memref_squeeze %dma_wait3A_380 : memref<1x128xi32, #tpu.memory_space<vmem>> -> memref<128xi32, #tpu.memory_space<vmem>>
        %dma_wait3A_382 = arith.constant 0 : i32
        %dma_wait3A_383 = arith.constant 0 : i32
        %dma_wait3A_384 = tpu.memref_slice %arg31[%dma_wait3A_382, %dma_wait3A_383] : memref<10240x16xf32, #tpu.memory_space<vmem_shared>> -> memref<10240x16xf32, #tpu.memory_space<vmem_shared>>
        tpu.wait_indirect_dma semaphore(%arg37 : memref<!tpu.dma_semaphore, #tpu.memory_space<semaphore_mem>>) src(%arg30 : memref<128x16xf32, #tpu.memory_space<vmem>>) dst(%dma_wait3A_384 : memref<10240x16xf32, #tpu.memory_space<vmem_shared>>)
      } else {
      }
      %dma_start3A_235 = arith.constant 0 : i32
      %dma_start3A_236 = tpu.memref_slice %arg6[%add3A_229, %dma_start3A_235] : memref<78x128xi32, #tpu.memory_space<vmem>> -> memref<1x128xi32, #tpu.memory_space<vmem>>
      %dma_start3A_237 = tpu.memref_squeeze %dma_start3A_236 : memref<1x128xi32, #tpu.memory_space<vmem>> -> memref<128xi32, #tpu.memory_space<vmem>>
      %dma_start3A_238 = arith.constant 0 : i32
      %dma_start3A_239 = arith.constant 0 : i32
      %dma_start3A_240 = tpu.memref_slice %arg2[%dma_start3A_238, %dma_start3A_239] : memref<10240x16xf32, #tpu.memory_space<hbm>> -> memref<10240x16xf32, #tpu.memory_space<hbm>>
      tpu.enqueue_indirect_dma source(%dma_start3A_240 : memref<10240x16xf32, #tpu.memory_space<hbm>>) target(%arg16 : memref<128x16xf32, #tpu.memory_space<vmem>>) offsets(%dma_start3A_237 : memref<128xi32, #tpu.memory_space<vmem>>) semaphore(%arg22 : memref<!tpu.dma_semaphore, #tpu.memory_space<semaphore_mem>>)
      %mul3A_241 = arith.constant 6 : i32
      %mul3A_242 = arith.muli %scan3A_152, %mul3A_241 : i32
      %add3A_243 = arith.constant 0 : i32
      %add3A_244 = arith.addi %mul3A_242, %add3A_243 : i32
      %dma_wait3A_245 = arith.constant 0 : i32
      %dma_wait3A_246 = tpu.memref_slice %arg6[%add3A_244, %dma_wait3A_245] : memref<78x128xi32, #tpu.memory_space<vmem>> -> memref<1x128xi32, #tpu.memory_space<vmem>>
      %dma_wait3A_247 = tpu.memref_squeeze %dma_wait3A_246 : memref<1x128xi32, #tpu.memory_space<vmem>> -> memref<128xi32, #tpu.memory_space<vmem>>
      %dma_wait3A_248 = arith.constant 0 : i32
      %dma_wait3A_249 = arith.constant 0 : i32
      %dma_wait3A_250 = tpu.memref_slice %arg2[%dma_wait3A_248, %dma_wait3A_249] : memref<10240x16xf32, #tpu.memory_space<hbm>> -> memref<10240x16xf32, #tpu.memory_space<hbm>>
      tpu.wait_indirect_dma semaphore(%arg17 : memref<!tpu.dma_semaphore, #tpu.memory_space<semaphore_mem>>) src(%dma_wait3A_250 : memref<10240x16xf32, #tpu.memory_space<hbm>>) dst(%arg11 : memref<128x16xf32, #tpu.memory_space<vmem>>)
      %dma_start3A_251 = arith.constant 0 : i32
      %dma_start3A_252 = tpu.memref_slice %arg7[%add3A_244, %dma_start3A_251] : memref<78x128xi32, #tpu.memory_space<vmem>> -> memref<1x128xi32, #tpu.memory_space<vmem>>
      %dma_start3A_253 = tpu.memref_squeeze %dma_start3A_252 : memref<1x128xi32, #tpu.memory_space<vmem>> -> memref<128xi32, #tpu.memory_space<vmem>>
      %dma_start3A_254 = arith.constant 0 : i32
      %dma_start3A_255 = arith.constant 0 : i32
      %dma_start3A_256 = tpu.memref_slice %arg10[%dma_start3A_254, %dma_start3A_255] : memref<10240x16xf32, #tpu.memory_space<vmem_shared>> -> memref<10240x16xf32, #tpu.memory_space<vmem_shared>>
      tpu.enqueue_indirect_dma source(%arg11 : memref<128x16xf32, #tpu.memory_space<vmem>>) target(%dma_start3A_256 : memref<10240x16xf32, #tpu.memory_space<vmem_shared>>) offsets(%dma_start3A_253 : memref<128xi32, #tpu.memory_space<vmem>>) semaphore(%arg23 : memref<!tpu.dma_semaphore, #tpu.memory_space<semaphore_mem>>) {add = true}
      %dma_start3A_257 = arith.constant 0 : i32
      %dma_start3A_258 = tpu.memref_slice %arg7[%add3A_244, %dma_start3A_257] : memref<78x128xi32, #tpu.memory_space<vmem>> -> memref<1x128xi32, #tpu.memory_space<vmem>>
      %dma_start3A_259 = tpu.memref_squeeze %dma_start3A_258 : memref<1x128xi32, #tpu.memory_space<vmem>> -> memref<128xi32, #tpu.memory_space<vmem>>
      %dma_start3A_260 = arith.constant 0 : i32
      %dma_start3A_261 = arith.constant 0 : i32
      %dma_start3A_262 = tpu.memref_slice %arg31[%dma_start3A_260, %dma_start3A_261] : memref<10240x16xf32, #tpu.memory_space<vmem_shared>> -> memref<10240x16xf32, #tpu.memory_space<vmem_shared>>
      tpu.enqueue_indirect_dma source(%arg30 : memref<128x16xf32, #tpu.memory_space<vmem>>) target(%dma_start3A_262 : memref<10240x16xf32, #tpu.memory_space<vmem_shared>>) offsets(%dma_start3A_259 : memref<128xi32, #tpu.memory_space<vmem>>) semaphore(%arg32 : memref<!tpu.dma_semaphore, #tpu.memory_space<semaphore_mem>>) {add = true}
      %mul3A_263 = arith.constant 6 : i32
      %mul3A_264 = arith.muli %scan3A_152, %mul3A_263 : i32
      %add3A_265 = arith.constant 1 : i32
      %add3A_266 = arith.addi %mul3A_264, %add3A_265 : i32
      %dma_wait3A_267 = arith.constant 0 : i32
      %dma_wait3A_268 = tpu.memref_slice %arg6[%add3A_266, %dma_wait3A_267] : memref<78x128xi32, #tpu.memory_space<vmem>> -> memref<1x128xi32, #tpu.memory_space<vmem>>
      %dma_wait3A_269 = tpu.memref_squeeze %dma_wait3A_268 : memref<1x128xi32, #tpu.memory_space<vmem>> -> memref<128xi32, #tpu.memory_space<vmem>>
      %dma_wait3A_270 = arith.constant 0 : i32
      %dma_wait3A_271 = arith.constant 0 : i32
      %dma_wait3A_272 = tpu.memref_slice %arg2[%dma_wait3A_270, %dma_wait3A_271] : memref<10240x16xf32, #tpu.memory_space<hbm>> -> memref<10240x16xf32, #tpu.memory_space<hbm>>
      tpu.wait_indirect_dma semaphore(%arg18 : memref<!tpu.dma_semaphore, #tpu.memory_space<semaphore_mem>>) src(%dma_wait3A_272 : memref<10240x16xf32, #tpu.memory_space<hbm>>) dst(%arg12 : memref<128x16xf32, #tpu.memory_space<vmem>>)
      %dma_start3A_273 = arith.constant 0 : i32
      %dma_start3A_274 = tpu.memref_slice %arg7[%add3A_266, %dma_start3A_273] : memref<78x128xi32, #tpu.memory_space<vmem>> -> memref<1x128xi32, #tpu.memory_space<vmem>>
      %dma_start3A_275 = tpu.memref_squeeze %dma_start3A_274 : memref<1x128xi32, #tpu.memory_space<vmem>> -> memref<128xi32, #tpu.memory_space<vmem>>
      %dma_start3A_276 = arith.constant 0 : i32
      %dma_start3A_277 = arith.constant 0 : i32
      %dma_start3A_278 = tpu.memref_slice %arg10[%dma_start3A_276, %dma_start3A_277] : memref<10240x16xf32, #tpu.memory_space<vmem_shared>> -> memref<10240x16xf32, #tpu.memory_space<vmem_shared>>
      tpu.enqueue_indirect_dma source(%arg12 : memref<128x16xf32, #tpu.memory_space<vmem>>) target(%dma_start3A_278 : memref<10240x16xf32, #tpu.memory_space<vmem_shared>>) offsets(%dma_start3A_275 : memref<128xi32, #tpu.memory_space<vmem>>) semaphore(%arg24 : memref<!tpu.dma_semaphore, #tpu.memory_space<semaphore_mem>>) {add = true}
      %dma_start3A_279 = arith.constant 0 : i32
      %dma_start3A_280 = tpu.memref_slice %arg7[%add3A_266, %dma_start3A_279] : memref<78x128xi32, #tpu.memory_space<vmem>> -> memref<1x128xi32, #tpu.memory_space<vmem>>
      %dma_start3A_281 = tpu.memref_squeeze %dma_start3A_280 : memref<1x128xi32, #tpu.memory_space<vmem>> -> memref<128xi32, #tpu.memory_space<vmem>>
      %dma_start3A_282 = arith.constant 0 : i32
      %dma_start3A_283 = arith.constant 0 : i32
      %dma_start3A_284 = tpu.memref_slice %arg31[%dma_start3A_282, %dma_start3A_283] : memref<10240x16xf32, #tpu.memory_space<vmem_shared>> -> memref<10240x16xf32, #tpu.memory_space<vmem_shared>>
      tpu.enqueue_indirect_dma source(%arg30 : memref<128x16xf32, #tpu.memory_space<vmem>>) target(%dma_start3A_284 : memref<10240x16xf32, #tpu.memory_space<vmem_shared>>) offsets(%dma_start3A_281 : memref<128xi32, #tpu.memory_space<vmem>>) semaphore(%arg33 : memref<!tpu.dma_semaphore, #tpu.memory_space<semaphore_mem>>) {add = true}
      %mul3A_285 = arith.constant 6 : i32
      %mul3A_286 = arith.muli %scan3A_152, %mul3A_285 : i32
      %add3A_287 = arith.constant 2 : i32
      %add3A_288 = arith.addi %mul3A_286, %add3A_287 : i32
      %dma_wait3A_289 = arith.constant 0 : i32
      %dma_wait3A_290 = tpu.memref_slice %arg6[%add3A_288, %dma_wait3A_289] : memref<78x128xi32, #tpu.memory_space<vmem>> -> memref<1x128xi32, #tpu.memory_space<vmem>>
      %dma_wait3A_291 = tpu.memref_squeeze %dma_wait3A_290 : memref<1x128xi32, #tpu.memory_space<vmem>> -> memref<128xi32, #tpu.memory_space<vmem>>
      %dma_wait3A_292 = arith.constant 0 : i32
      %dma_wait3A_293 = arith.constant 0 : i32
      %dma_wait3A_294 = tpu.memref_slice %arg2[%dma_wait3A_292, %dma_wait3A_293] : memref<10240x16xf32, #tpu.memory_space<hbm>> -> memref<10240x16xf32, #tpu.memory_space<hbm>>
      tpu.wait_indirect_dma semaphore(%arg19 : memref<!tpu.dma_semaphore, #tpu.memory_space<semaphore_mem>>) src(%dma_wait3A_294 : memref<10240x16xf32, #tpu.memory_space<hbm>>) dst(%arg13 : memref<128x16xf32, #tpu.memory_space<vmem>>)
      %dma_start3A_295 = arith.constant 0 : i32
      %dma_start3A_296 = tpu.memref_slice %arg7[%add3A_288, %dma_start3A_295] : memref<78x128xi32, #tpu.memory_space<vmem>> -> memref<1x128xi32, #tpu.memory_space<vmem>>
      %dma_start3A_297 = tpu.memref_squeeze %dma_start3A_296 : memref<1x128xi32, #tpu.memory_space<vmem>> -> memref<128xi32, #tpu.memory_space<vmem>>
      %dma_start3A_298 = arith.constant 0 : i32
      %dma_start3A_299 = arith.constant 0 : i32
      %dma_start3A_300 = tpu.memref_slice %arg10[%dma_start3A_298, %dma_start3A_299] : memref<10240x16xf32, #tpu.memory_space<vmem_shared>> -> memref<10240x16xf32, #tpu.memory_space<vmem_shared>>
      tpu.enqueue_indirect_dma source(%arg13 : memref<128x16xf32, #tpu.memory_space<vmem>>) target(%dma_start3A_300 : memref<10240x16xf32, #tpu.memory_space<vmem_shared>>) offsets(%dma_start3A_297 : memref<128xi32, #tpu.memory_space<vmem>>) semaphore(%arg25 : memref<!tpu.dma_semaphore, #tpu.memory_space<semaphore_mem>>) {add = true}
      %dma_start3A_301 = arith.constant 0 : i32
      %dma_start3A_302 = tpu.memref_slice %arg7[%add3A_288, %dma_start3A_301] : memref<78x128xi32, #tpu.memory_space<vmem>> -> memref<1x128xi32, #tpu.memory_space<vmem>>
      %dma_start3A_303 = tpu.memref_squeeze %dma_start3A_302 : memref<1x128xi32, #tpu.memory_space<vmem>> -> memref<128xi32, #tpu.memory_space<vmem>>
      %dma_start3A_304 = arith.constant 0 : i32
      %dma_start3A_305 = arith.constant 0 : i32
      %dma_start3A_306 = tpu.memref_slice %arg31[%dma_start3A_304, %dma_start3A_305] : memref<10240x16xf32, #tpu.memory_space<vmem_shared>> -> memref<10240x16xf32, #tpu.memory_space<vmem_shared>>
      tpu.enqueue_indirect_dma source(%arg30 : memref<128x16xf32, #tpu.memory_space<vmem>>) target(%dma_start3A_306 : memref<10240x16xf32, #tpu.memory_space<vmem_shared>>) offsets(%dma_start3A_303 : memref<128xi32, #tpu.memory_space<vmem>>) semaphore(%arg34 : memref<!tpu.dma_semaphore, #tpu.memory_space<semaphore_mem>>) {add = true}
      %mul3A_307 = arith.constant 6 : i32
      %mul3A_308 = arith.muli %scan3A_152, %mul3A_307 : i32
      %add3A_309 = arith.constant 3 : i32
      %add3A_310 = arith.addi %mul3A_308, %add3A_309 : i32
      %dma_wait3A_311 = arith.constant 0 : i32
      %dma_wait3A_312 = tpu.memref_slice %arg6[%add3A_310, %dma_wait3A_311] : memref<78x128xi32, #tpu.memory_space<vmem>> -> memref<1x128xi32, #tpu.memory_space<vmem>>
      %dma_wait3A_313 = tpu.memref_squeeze %dma_wait3A_312 : memref<1x128xi32, #tpu.memory_space<vmem>> -> memref<128xi32, #tpu.memory_space<vmem>>
      %dma_wait3A_314 = arith.constant 0 : i32
      %dma_wait3A_315 = arith.constant 0 : i32
      %dma_wait3A_316 = tpu.memref_slice %arg2[%dma_wait3A_314, %dma_wait3A_315] : memref<10240x16xf32, #tpu.memory_space<hbm>> -> memref<10240x16xf32, #tpu.memory_space<hbm>>
      tpu.wait_indirect_dma semaphore(%arg20 : memref<!tpu.dma_semaphore, #tpu.memory_space<semaphore_mem>>) src(%dma_wait3A_316 : memref<10240x16xf32, #tpu.memory_space<hbm>>) dst(%arg14 : memref<128x16xf32, #tpu.memory_space<vmem>>)
      %dma_start3A_317 = arith.constant 0 : i32
      %dma_start3A_318 = tpu.memref_slice %arg7[%add3A_310, %dma_start3A_317] : memref<78x128xi32, #tpu.memory_space<vmem>> -> memref<1x128xi32, #tpu.memory_space<vmem>>
      %dma_start3A_319 = tpu.memref_squeeze %dma_start3A_318 : memref<1x128xi32, #tpu.memory_space<vmem>> -> memref<128xi32, #tpu.memory_space<vmem>>
      %dma_start3A_320 = arith.constant 0 : i32
      %dma_start3A_321 = arith.constant 0 : i32
      %dma_start3A_322 = tpu.memref_slice %arg10[%dma_start3A_320, %dma_start3A_321] : memref<10240x16xf32, #tpu.memory_space<vmem_shared>> -> memref<10240x16xf32, #tpu.memory_space<vmem_shared>>
      tpu.enqueue_indirect_dma source(%arg14 : memref<128x16xf32, #tpu.memory_space<vmem>>) target(%dma_start3A_322 : memref<10240x16xf32, #tpu.memory_space<vmem_shared>>) offsets(%dma_start3A_319 : memref<128xi32, #tpu.memory_space<vmem>>) semaphore(%arg26 : memref<!tpu.dma_semaphore, #tpu.memory_space<semaphore_mem>>) {add = true}
      %dma_start3A_323 = arith.constant 0 : i32
      %dma_start3A_324 = tpu.memref_slice %arg7[%add3A_310, %dma_start3A_323] : memref<78x128xi32, #tpu.memory_space<vmem>> -> memref<1x128xi32, #tpu.memory_space<vmem>>
      %dma_start3A_325 = tpu.memref_squeeze %dma_start3A_324 : memref<1x128xi32, #tpu.memory_space<vmem>> -> memref<128xi32, #tpu.memory_space<vmem>>
      %dma_start3A_326 = arith.constant 0 : i32
      %dma_start3A_327 = arith.constant 0 : i32
      %dma_start3A_328 = tpu.memref_slice %arg31[%dma_start3A_326, %dma_start3A_327] : memref<10240x16xf32, #tpu.memory_space<vmem_shared>> -> memref<10240x16xf32, #tpu.memory_space<vmem_shared>>
      tpu.enqueue_indirect_dma source(%arg30 : memref<128x16xf32, #tpu.memory_space<vmem>>) target(%dma_start3A_328 : memref<10240x16xf32, #tpu.memory_space<vmem_shared>>) offsets(%dma_start3A_325 : memref<128xi32, #tpu.memory_space<vmem>>) semaphore(%arg35 : memref<!tpu.dma_semaphore, #tpu.memory_space<semaphore_mem>>) {add = true}
      %mul3A_329 = arith.constant 6 : i32
      %mul3A_330 = arith.muli %scan3A_152, %mul3A_329 : i32
      %add3A_331 = arith.constant 4 : i32
      %add3A_332 = arith.addi %mul3A_330, %add3A_331 : i32
      %dma_wait3A_333 = arith.constant 0 : i32
      %dma_wait3A_334 = tpu.memref_slice %arg6[%add3A_332, %dma_wait3A_333] : memref<78x128xi32, #tpu.memory_space<vmem>> -> memref<1x128xi32, #tpu.memory_space<vmem>>
      %dma_wait3A_335 = tpu.memref_squeeze %dma_wait3A_334 : memref<1x128xi32, #tpu.memory_space<vmem>> -> memref<128xi32, #tpu.memory_space<vmem>>
      %dma_wait3A_336 = arith.constant 0 : i32
      %dma_wait3A_337 = arith.constant 0 : i32
      %dma_wait3A_338 = tpu.memref_slice %arg2[%dma_wait3A_336, %dma_wait3A_337] : memref<10240x16xf32, #tpu.memory_space<hbm>> -> memref<10240x16xf32, #tpu.memory_space<hbm>>
      tpu.wait_indirect_dma semaphore(%arg21 : memref<!tpu.dma_semaphore, #tpu.memory_space<semaphore_mem>>) src(%dma_wait3A_338 : memref<10240x16xf32, #tpu.memory_space<hbm>>) dst(%arg15 : memref<128x16xf32, #tpu.memory_space<vmem>>)
      %dma_start3A_339 = arith.constant 0 : i32
      %dma_start3A_340 = tpu.memref_slice %arg7[%add3A_332, %dma_start3A_339] : memref<78x128xi32, #tpu.memory_space<vmem>> -> memref<1x128xi32, #tpu.memory_space<vmem>>
      %dma_start3A_341 = tpu.memref_squeeze %dma_start3A_340 : memref<1x128xi32, #tpu.memory_space<vmem>> -> memref<128xi32, #tpu.memory_space<vmem>>
      %dma_start3A_342 = arith.constant 0 : i32
      %dma_start3A_343 = arith.constant 0 : i32
      %dma_start3A_344 = tpu.memref_slice %arg10[%dma_start3A_342, %dma_start3A_343] : memref<10240x16xf32, #tpu.memory_space<vmem_shared>> -> memref<10240x16xf32, #tpu.memory_space<vmem_shared>>
      tpu.enqueue_indirect_dma source(%arg15 : memref<128x16xf32, #tpu.memory_space<vmem>>) target(%dma_start3A_344 : memref<10240x16xf32, #tpu.memory_space<vmem_shared>>) offsets(%dma_start3A_341 : memref<128xi32, #tpu.memory_space<vmem>>) semaphore(%arg27 : memref<!tpu.dma_semaphore, #tpu.memory_space<semaphore_mem>>) {add = true}
      %dma_start3A_345 = arith.constant 0 : i32
      %dma_start3A_346 = tpu.memref_slice %arg7[%add3A_332, %dma_start3A_345] : memref<78x128xi32, #tpu.memory_space<vmem>> -> memref<1x128xi32, #tpu.memory_space<vmem>>
      %dma_start3A_347 = tpu.memref_squeeze %dma_start3A_346 : memref<1x128xi32, #tpu.memory_space<vmem>> -> memref<128xi32, #tpu.memory_space<vmem>>
      %dma_start3A_348 = arith.constant 0 : i32
      %dma_start3A_349 = arith.constant 0 : i32
      %dma_start3A_350 = tpu.memref_slice %arg31[%dma_start3A_348, %dma_start3A_349] : memref<10240x16xf32, #tpu.memory_space<vmem_shared>> -> memref<10240x16xf32, #tpu.memory_space<vmem_shared>>
      tpu.enqueue_indirect_dma source(%arg30 : memref<128x16xf32, #tpu.memory_space<vmem>>) target(%dma_start3A_350 : memref<10240x16xf32, #tpu.memory_space<vmem_shared>>) offsets(%dma_start3A_347 : memref<128xi32, #tpu.memory_space<vmem>>) semaphore(%arg36 : memref<!tpu.dma_semaphore, #tpu.memory_space<semaphore_mem>>) {add = true}
      %mul3A_351 = arith.constant 6 : i32
      %mul3A_352 = arith.muli %scan3A_152, %mul3A_351 : i32
      %add3A_353 = arith.constant 5 : i32
      %add3A_354 = arith.addi %mul3A_352, %add3A_353 : i32
      %dma_wait3A_355 = arith.constant 0 : i32
      %dma_wait3A_356 = tpu.memref_slice %arg6[%add3A_354, %dma_wait3A_355] : memref<78x128xi32, #tpu.memory_space<vmem>> -> memref<1x128xi32, #tpu.memory_space<vmem>>
      %dma_wait3A_357 = tpu.memref_squeeze %dma_wait3A_356 : memref<1x128xi32, #tpu.memory_space<vmem>> -> memref<128xi32, #tpu.memory_space<vmem>>
      %dma_wait3A_358 = arith.constant 0 : i32
      %dma_wait3A_359 = arith.constant 0 : i32
      %dma_wait3A_360 = tpu.memref_slice %arg2[%dma_wait3A_358, %dma_wait3A_359] : memref<10240x16xf32, #tpu.memory_space<hbm>> -> memref<10240x16xf32, #tpu.memory_space<hbm>>
      tpu.wait_indirect_dma semaphore(%arg22 : memref<!tpu.dma_semaphore, #tpu.memory_space<semaphore_mem>>) src(%dma_wait3A_360 : memref<10240x16xf32, #tpu.memory_space<hbm>>) dst(%arg16 : memref<128x16xf32, #tpu.memory_space<vmem>>)
      %dma_start3A_361 = arith.constant 0 : i32
      %dma_start3A_362 = tpu.memref_slice %arg7[%add3A_354, %dma_start3A_361] : memref<78x128xi32, #tpu.memory_space<vmem>> -> memref<1x128xi32, #tpu.memory_space<vmem>>
      %dma_start3A_363 = tpu.memref_squeeze %dma_start3A_362 : memref<1x128xi32, #tpu.memory_space<vmem>> -> memref<128xi32, #tpu.memory_space<vmem>>
      %dma_start3A_364 = arith.constant 0 : i32
      %dma_start3A_365 = arith.constant 0 : i32
      %dma_start3A_366 = tpu.memref_slice %arg10[%dma_start3A_364, %dma_start3A_365] : memref<10240x16xf32, #tpu.memory_space<vmem_shared>> -> memref<10240x16xf32, #tpu.memory_space<vmem_shared>>
      tpu.enqueue_indirect_dma source(%arg16 : memref<128x16xf32, #tpu.memory_space<vmem>>) target(%dma_start3A_366 : memref<10240x16xf32, #tpu.memory_space<vmem_shared>>) offsets(%dma_start3A_363 : memref<128xi32, #tpu.memory_space<vmem>>) semaphore(%arg28 : memref<!tpu.dma_semaphore, #tpu.memory_space<semaphore_mem>>) {add = true}
      %dma_start3A_367 = arith.constant 0 : i32
      %dma_start3A_368 = tpu.memref_slice %arg7[%add3A_354, %dma_start3A_367] : memref<78x128xi32, #tpu.memory_space<vmem>> -> memref<1x128xi32, #tpu.memory_space<vmem>>
      %dma_start3A_369 = tpu.memref_squeeze %dma_start3A_368 : memref<1x128xi32, #tpu.memory_space<vmem>> -> memref<128xi32, #tpu.memory_space<vmem>>
      %dma_start3A_370 = arith.constant 0 : i32
      %dma_start3A_371 = arith.constant 0 : i32
      %dma_start3A_372 = tpu.memref_slice %arg31[%dma_start3A_370, %dma_start3A_371] : memref<10240x16xf32, #tpu.memory_space<vmem_shared>> -> memref<10240x16xf32, #tpu.memory_space<vmem_shared>>
      tpu.enqueue_indirect_dma source(%arg30 : memref<128x16xf32, #tpu.memory_space<vmem>>) target(%dma_start3A_372 : memref<10240x16xf32, #tpu.memory_space<vmem_shared>>) offsets(%dma_start3A_369 : memref<128xi32, #tpu.memory_space<vmem>>) semaphore(%arg37 : memref<!tpu.dma_semaphore, #tpu.memory_space<semaphore_mem>>) {add = true}
    }
    %scan3A_57 = arith.constant 13 : i32
    %dma_wait3A = arith.constant 0 : i32
    %dma_wait3A_58 = arith.constant 0 : i32
    %dma_wait3A_59 = tpu.memref_slice %arg7[%dma_wait3A, %dma_wait3A_58] : memref<78x128xi32, #tpu.memory_space<vmem>> -> memref<1x128xi32, #tpu.memory_space<vmem>>
    %dma_wait3A_60 = tpu.memref_squeeze %dma_wait3A_59 : memref<1x128xi32, #tpu.memory_space<vmem>> -> memref<128xi32, #tpu.memory_space<vmem>>
    %dma_wait3A_61 = arith.constant 0 : i32
    %dma_wait3A_62 = arith.constant 0 : i32
    %dma_wait3A_63 = tpu.memref_slice %arg10[%dma_wait3A_61, %dma_wait3A_62] : memref<10240x16xf32, #tpu.memory_space<vmem_shared>> -> memref<10240x16xf32, #tpu.memory_space<vmem_shared>>
    tpu.wait_indirect_dma semaphore(%arg23 : memref<!tpu.dma_semaphore, #tpu.memory_space<semaphore_mem>>) src(%arg11 : memref<128x16xf32, #tpu.memory_space<vmem>>) dst(%dma_wait3A_63 : memref<10240x16xf32, #tpu.memory_space<vmem_shared>>)
    %dma_wait3A_64 = arith.constant 0 : i32
    %dma_wait3A_65 = arith.constant 0 : i32
    %dma_wait3A_66 = tpu.memref_slice %arg7[%dma_wait3A_64, %dma_wait3A_65] : memref<78x128xi32, #tpu.memory_space<vmem>> -> memref<1x128xi32, #tpu.memory_space<vmem>>
    %dma_wait3A_67 = tpu.memref_squeeze %dma_wait3A_66 : memref<1x128xi32, #tpu.memory_space<vmem>> -> memref<128xi32, #tpu.memory_space<vmem>>
    %dma_wait3A_68 = arith.constant 0 : i32
    %dma_wait3A_69 = arith.constant 0 : i32
    %dma_wait3A_70 = tpu.memref_slice %arg31[%dma_wait3A_68, %dma_wait3A_69] : memref<10240x16xf32, #tpu.memory_space<vmem_shared>> -> memref<10240x16xf32, #tpu.memory_space<vmem_shared>>
    tpu.wait_indirect_dma semaphore(%arg32 : memref<!tpu.dma_semaphore, #tpu.memory_space<semaphore_mem>>) src(%arg30 : memref<128x16xf32, #tpu.memory_space<vmem>>) dst(%dma_wait3A_70 : memref<10240x16xf32, #tpu.memory_space<vmem_shared>>)
    %dma_wait3A_71 = arith.constant 1 : i32
    %dma_wait3A_72 = arith.constant 0 : i32
    %dma_wait3A_73 = tpu.memref_slice %arg7[%dma_wait3A_71, %dma_wait3A_72] : memref<78x128xi32, #tpu.memory_space<vmem>> -> memref<1x128xi32, #tpu.memory_space<vmem>>
    %dma_wait3A_74 = tpu.memref_squeeze %dma_wait3A_73 : memref<1x128xi32, #tpu.memory_space<vmem>> -> memref<128xi32, #tpu.memory_space<vmem>>
    %dma_wait3A_75 = arith.constant 0 : i32
    %dma_wait3A_76 = arith.constant 0 : i32
    %dma_wait3A_77 = tpu.memref_slice %arg10[%dma_wait3A_75, %dma_wait3A_76] : memref<10240x16xf32, #tpu.memory_space<vmem_shared>> -> memref<10240x16xf32, #tpu.memory_space<vmem_shared>>
    tpu.wait_indirect_dma semaphore(%arg24 : memref<!tpu.dma_semaphore, #tpu.memory_space<semaphore_mem>>) src(%arg12 : memref<128x16xf32, #tpu.memory_space<vmem>>) dst(%dma_wait3A_77 : memref<10240x16xf32, #tpu.memory_space<vmem_shared>>)
    %dma_wait3A_78 = arith.constant 1 : i32
    %dma_wait3A_79 = arith.constant 0 : i32
    %dma_wait3A_80 = tpu.memref_slice %arg7[%dma_wait3A_78, %dma_wait3A_79] : memref<78x128xi32, #tpu.memory_space<vmem>> -> memref<1x128xi32, #tpu.memory_space<vmem>>
    %dma_wait3A_81 = tpu.memref_squeeze %dma_wait3A_80 : memref<1x128xi32, #tpu.memory_space<vmem>> -> memref<128xi32, #tpu.memory_space<vmem>>
    %dma_wait3A_82 = arith.constant 0 : i32
    %dma_wait3A_83 = arith.constant 0 : i32
    %dma_wait3A_84 = tpu.memref_slice %arg31[%dma_wait3A_82, %dma_wait3A_83] : memref<10240x16xf32, #tpu.memory_space<vmem_shared>> -> memref<10240x16xf32, #tpu.memory_space<vmem_shared>>
    tpu.wait_indirect_dma semaphore(%arg33 : memref<!tpu.dma_semaphore, #tpu.memory_space<semaphore_mem>>) src(%arg30 : memref<128x16xf32, #tpu.memory_space<vmem>>) dst(%dma_wait3A_84 : memref<10240x16xf32, #tpu.memory_space<vmem_shared>>)
    %dma_wait3A_85 = arith.constant 2 : i32
    %dma_wait3A_86 = arith.constant 0 : i32
    %dma_wait3A_87 = tpu.memref_slice %arg7[%dma_wait3A_85, %dma_wait3A_86] : memref<78x128xi32, #tpu.memory_space<vmem>> -> memref<1x128xi32, #tpu.memory_space<vmem>>
    %dma_wait3A_88 = tpu.memref_squeeze %dma_wait3A_87 : memref<1x128xi32, #tpu.memory_space<vmem>> -> memref<128xi32, #tpu.memory_space<vmem>>
    %dma_wait3A_89 = arith.constant 0 : i32
    %dma_wait3A_90 = arith.constant 0 : i32
    %dma_wait3A_91 = tpu.memref_slice %arg10[%dma_wait3A_89, %dma_wait3A_90] : memref<10240x16xf32, #tpu.memory_space<vmem_shared>> -> memref<10240x16xf32, #tpu.memory_space<vmem_shared>>
    tpu.wait_indirect_dma semaphore(%arg25 : memref<!tpu.dma_semaphore, #tpu.memory_space<semaphore_mem>>) src(%arg13 : memref<128x16xf32, #tpu.memory_space<vmem>>) dst(%dma_wait3A_91 : memref<10240x16xf32, #tpu.memory_space<vmem_shared>>)
    %dma_wait3A_92 = arith.constant 2 : i32
    %dma_wait3A_93 = arith.constant 0 : i32
    %dma_wait3A_94 = tpu.memref_slice %arg7[%dma_wait3A_92, %dma_wait3A_93] : memref<78x128xi32, #tpu.memory_space<vmem>> -> memref<1x128xi32, #tpu.memory_space<vmem>>
    %dma_wait3A_95 = tpu.memref_squeeze %dma_wait3A_94 : memref<1x128xi32, #tpu.memory_space<vmem>> -> memref<128xi32, #tpu.memory_space<vmem>>
    %dma_wait3A_96 = arith.constant 0 : i32
    %dma_wait3A_97 = arith.constant 0 : i32
    %dma_wait3A_98 = tpu.memref_slice %arg31[%dma_wait3A_96, %dma_wait3A_97] : memref<10240x16xf32, #tpu.memory_space<vmem_shared>> -> memref<10240x16xf32, #tpu.memory_space<vmem_shared>>
    tpu.wait_indirect_dma semaphore(%arg34 : memref<!tpu.dma_semaphore, #tpu.memory_space<semaphore_mem>>) src(%arg30 : memref<128x16xf32, #tpu.memory_space<vmem>>) dst(%dma_wait3A_98 : memref<10240x16xf32, #tpu.memory_space<vmem_shared>>)
    %dma_wait3A_99 = arith.constant 3 : i32
    %dma_wait3A_100 = arith.constant 0 : i32
    %dma_wait3A_101 = tpu.memref_slice %arg7[%dma_wait3A_99, %dma_wait3A_100] : memref<78x128xi32, #tpu.memory_space<vmem>> -> memref<1x128xi32, #tpu.memory_space<vmem>>
    %dma_wait3A_102 = tpu.memref_squeeze %dma_wait3A_101 : memref<1x128xi32, #tpu.memory_space<vmem>> -> memref<128xi32, #tpu.memory_space<vmem>>
    %dma_wait3A_103 = arith.constant 0 : i32
    %dma_wait3A_104 = arith.constant 0 : i32
    %dma_wait3A_105 = tpu.memref_slice %arg10[%dma_wait3A_103, %dma_wait3A_104] : memref<10240x16xf32, #tpu.memory_space<vmem_shared>> -> memref<10240x16xf32, #tpu.memory_space<vmem_shared>>
    tpu.wait_indirect_dma semaphore(%arg26 : memref<!tpu.dma_semaphore, #tpu.memory_space<semaphore_mem>>) src(%arg14 : memref<128x16xf32, #tpu.memory_space<vmem>>) dst(%dma_wait3A_105 : memref<10240x16xf32, #tpu.memory_space<vmem_shared>>)
    %dma_wait3A_106 = arith.constant 3 : i32
    %dma_wait3A_107 = arith.constant 0 : i32
    %dma_wait3A_108 = tpu.memref_slice %arg7[%dma_wait3A_106, %dma_wait3A_107] : memref<78x128xi32, #tpu.memory_space<vmem>> -> memref<1x128xi32, #tpu.memory_space<vmem>>
    %dma_wait3A_109 = tpu.memref_squeeze %dma_wait3A_108 : memref<1x128xi32, #tpu.memory_space<vmem>> -> memref<128xi32, #tpu.memory_space<vmem>>
    %dma_wait3A_110 = arith.constant 0 : i32
    %dma_wait3A_111 = arith.constant 0 : i32
    %dma_wait3A_112 = tpu.memref_slice %arg31[%dma_wait3A_110, %dma_wait3A_111] : memref<10240x16xf32, #tpu.memory_space<vmem_shared>> -> memref<10240x16xf32, #tpu.memory_space<vmem_shared>>
    tpu.wait_indirect_dma semaphore(%arg35 : memref<!tpu.dma_semaphore, #tpu.memory_space<semaphore_mem>>) src(%arg30 : memref<128x16xf32, #tpu.memory_space<vmem>>) dst(%dma_wait3A_112 : memref<10240x16xf32, #tpu.memory_space<vmem_shared>>)
    %dma_wait3A_113 = arith.constant 4 : i32
    %dma_wait3A_114 = arith.constant 0 : i32
    %dma_wait3A_115 = tpu.memref_slice %arg7[%dma_wait3A_113, %dma_wait3A_114] : memref<78x128xi32, #tpu.memory_space<vmem>> -> memref<1x128xi32, #tpu.memory_space<vmem>>
    %dma_wait3A_116 = tpu.memref_squeeze %dma_wait3A_115 : memref<1x128xi32, #tpu.memory_space<vmem>> -> memref<128xi32, #tpu.memory_space<vmem>>
    %dma_wait3A_117 = arith.constant 0 : i32
    %dma_wait3A_118 = arith.constant 0 : i32
    %dma_wait3A_119 = tpu.memref_slice %arg10[%dma_wait3A_117, %dma_wait3A_118] : memref<10240x16xf32, #tpu.memory_space<vmem_shared>> -> memref<10240x16xf32, #tpu.memory_space<vmem_shared>>
    tpu.wait_indirect_dma semaphore(%arg27 : memref<!tpu.dma_semaphore, #tpu.memory_space<semaphore_mem>>) src(%arg15 : memref<128x16xf32, #tpu.memory_space<vmem>>) dst(%dma_wait3A_119 : memref<10240x16xf32, #tpu.memory_space<vmem_shared>>)
    %dma_wait3A_120 = arith.constant 4 : i32
    %dma_wait3A_121 = arith.constant 0 : i32
    %dma_wait3A_122 = tpu.memref_slice %arg7[%dma_wait3A_120, %dma_wait3A_121] : memref<78x128xi32, #tpu.memory_space<vmem>> -> memref<1x128xi32, #tpu.memory_space<vmem>>
    %dma_wait3A_123 = tpu.memref_squeeze %dma_wait3A_122 : memref<1x128xi32, #tpu.memory_space<vmem>> -> memref<128xi32, #tpu.memory_space<vmem>>
    %dma_wait3A_124 = arith.constant 0 : i32
    %dma_wait3A_125 = arith.constant 0 : i32
    %dma_wait3A_126 = tpu.memref_slice %arg31[%dma_wait3A_124, %dma_wait3A_125] : memref<10240x16xf32, #tpu.memory_space<vmem_shared>> -> memref<10240x16xf32, #tpu.memory_space<vmem_shared>>
    tpu.wait_indirect_dma semaphore(%arg36 : memref<!tpu.dma_semaphore, #tpu.memory_space<semaphore_mem>>) src(%arg30 : memref<128x16xf32, #tpu.memory_space<vmem>>) dst(%dma_wait3A_126 : memref<10240x16xf32, #tpu.memory_space<vmem_shared>>)
    %dma_wait3A_127 = arith.constant 5 : i32
    %dma_wait3A_128 = arith.constant 0 : i32
    %dma_wait3A_129 = tpu.memref_slice %arg7[%dma_wait3A_127, %dma_wait3A_128] : memref<78x128xi32, #tpu.memory_space<vmem>> -> memref<1x128xi32, #tpu.memory_space<vmem>>
    %dma_wait3A_130 = tpu.memref_squeeze %dma_wait3A_129 : memref<1x128xi32, #tpu.memory_space<vmem>> -> memref<128xi32, #tpu.memory_space<vmem>>
    %dma_wait3A_131 = arith.constant 0 : i32
    %dma_wait3A_132 = arith.constant 0 : i32
    %dma_wait3A_133 = tpu.memref_slice %arg10[%dma_wait3A_131, %dma_wait3A_132] : memref<10240x16xf32, #tpu.memory_space<vmem_shared>> -> memref<10240x16xf32, #tpu.memory_space<vmem_shared>>
    tpu.wait_indirect_dma semaphore(%arg28 : memref<!tpu.dma_semaphore, #tpu.memory_space<semaphore_mem>>) src(%arg16 : memref<128x16xf32, #tpu.memory_space<vmem>>) dst(%dma_wait3A_133 : memref<10240x16xf32, #tpu.memory_space<vmem_shared>>)
    %dma_wait3A_134 = arith.constant 5 : i32
    %dma_wait3A_135 = arith.constant 0 : i32
    %dma_wait3A_136 = tpu.memref_slice %arg7[%dma_wait3A_134, %dma_wait3A_135] : memref<78x128xi32, #tpu.memory_space<vmem>> -> memref<1x128xi32, #tpu.memory_space<vmem>>
    %dma_wait3A_137 = tpu.memref_squeeze %dma_wait3A_136 : memref<1x128xi32, #tpu.memory_space<vmem>> -> memref<128xi32, #tpu.memory_space<vmem>>
    %dma_wait3A_138 = arith.constant 0 : i32
    %dma_wait3A_139 = arith.constant 0 : i32
    %dma_wait3A_140 = tpu.memref_slice %arg31[%dma_wait3A_138, %dma_wait3A_139] : memref<10240x16xf32, #tpu.memory_space<vmem_shared>> -> memref<10240x16xf32, #tpu.memory_space<vmem_shared>>
    tpu.wait_indirect_dma semaphore(%arg37 : memref<!tpu.dma_semaphore, #tpu.memory_space<semaphore_mem>>) src(%arg30 : memref<128x16xf32, #tpu.memory_space<vmem>>) dst(%dma_wait3A_140 : memref<10240x16xf32, #tpu.memory_space<vmem_shared>>)
    %lt3A = arith.constant 4 : i32
    %lt3A_141 = arith.cmpi slt, %add3A, %lt3A : i32
    %convert_element_type3A = arith.extui %lt3A_141 : i1 to i32
    %cond3A = arith.constant 0 : i32
    %cond3A_142 = arith.cmpi ne, %convert_element_type3A, %cond3A : i32
    scf.if %cond3A_142 {
      %add3A_152 = arith.constant 2496 : i32
      %add3A_153 = arith.addi %add3A_152, %add3A : i32
      %run_scoped3A_154 = arith.constant 0 : i32
      "tpu.region"() ({
        %run_scoped3A_156 = tpu.sem_alloc : memref<!tpu.dma_semaphore, #tpu.memory_space<semaphore_mem>>
        %dma_start3A = arith.constant 0 : i32
        %dma_start3A_157 = tpu.memref_slice %arg3[%run_scoped3A_154, %add3A_153, %dma_start3A] : memref<2x2500x128xi32, #tpu.memory_space<hbm>> -> memref<1x1x128xi32, #tpu.memory_space<hbm>>
        %dma_start3A_158 = tpu.memref_squeeze %dma_start3A_157 : memref<1x1x128xi32, #tpu.memory_space<hbm>> -> memref<128xi32, #tpu.memory_space<hbm>>
        %dma_start3A_159 = arith.constant 0 : i32
        %dma_start3A_160 = tpu.memref_slice %arg3[%run_scoped3A_154, %add3A_153, %dma_start3A_159] : memref<2x2500x128xi32, #tpu.memory_space<hbm>> -> memref<1x1x128xi32, #tpu.memory_space<hbm>>
        %dma_start3A_161 = tpu.memref_squeeze %dma_start3A_160 : memref<1x1x128xi32, #tpu.memory_space<hbm>> -> memref<128xi32, #tpu.memory_space<hbm>>
        tpu.enqueue_dma source(%dma_start3A_161 : memref<128xi32, #tpu.memory_space<hbm>>) target(%arg8 : memref<128xi32, #tpu.memory_space<vmem>>) target_semaphore(%run_scoped3A_156 : memref<!tpu.dma_semaphore, #tpu.memory_space<semaphore_mem>>)
        %dma_wait3A_162 = arith.constant 0 : i32
        %dma_wait3A_163 = tpu.memref_slice %arg3[%run_scoped3A_154, %add3A_153, %dma_wait3A_162] : memref<2x2500x128xi32, #tpu.memory_space<hbm>> -> memref<1x1x128xi32, #tpu.memory_space<hbm>>
        %dma_wait3A_164 = tpu.memref_squeeze %dma_wait3A_163 : memref<1x1x128xi32, #tpu.memory_space<hbm>> -> memref<128xi32, #tpu.memory_space<hbm>>
        %dma_wait3A_165 = arith.constant 0 : i32
        %dma_wait3A_166 = tpu.memref_slice %arg3[%run_scoped3A_154, %add3A_153, %dma_wait3A_165] : memref<2x2500x128xi32, #tpu.memory_space<hbm>> -> memref<1x1x128xi32, #tpu.memory_space<hbm>>
        %dma_wait3A_167 = tpu.memref_squeeze %dma_wait3A_166 : memref<1x1x128xi32, #tpu.memory_space<hbm>> -> memref<128xi32, #tpu.memory_space<hbm>>
        tpu.wait_dma2 semaphore(%run_scoped3A_156 : memref<!tpu.dma_semaphore, #tpu.memory_space<semaphore_mem>>) src(%dma_wait3A_167 : memref<128xi32, #tpu.memory_space<hbm>>) dst(%arg8 : memref<128xi32, #tpu.memory_space<vmem>>)
        tpu.yield
      }) : () -> ()
      %run_scoped3A_155 = arith.constant 1 : i32
      "tpu.region"() ({
        %run_scoped3A_156 = tpu.sem_alloc : memref<!tpu.dma_semaphore, #tpu.memory_space<semaphore_mem>>
        %dma_start3A = arith.constant 0 : i32
        %dma_start3A_157 = tpu.memref_slice %arg3[%run_scoped3A_155, %add3A_153, %dma_start3A] : memref<2x2500x128xi32, #tpu.memory_space<hbm>> -> memref<1x1x128xi32, #tpu.memory_space<hbm>>
        %dma_start3A_158 = tpu.memref_squeeze %dma_start3A_157 : memref<1x1x128xi32, #tpu.memory_space<hbm>> -> memref<128xi32, #tpu.memory_space<hbm>>
        %dma_start3A_159 = arith.constant 0 : i32
        %dma_start3A_160 = tpu.memref_slice %arg3[%run_scoped3A_155, %add3A_153, %dma_start3A_159] : memref<2x2500x128xi32, #tpu.memory_space<hbm>> -> memref<1x1x128xi32, #tpu.memory_space<hbm>>
        %dma_start3A_161 = tpu.memref_squeeze %dma_start3A_160 : memref<1x1x128xi32, #tpu.memory_space<hbm>> -> memref<128xi32, #tpu.memory_space<hbm>>
        tpu.enqueue_dma source(%dma_start3A_161 : memref<128xi32, #tpu.memory_space<hbm>>) target(%arg9 : memref<128xi32, #tpu.memory_space<vmem>>) target_semaphore(%run_scoped3A_156 : memref<!tpu.dma_semaphore, #tpu.memory_space<semaphore_mem>>)
        %dma_wait3A_162 = arith.constant 0 : i32
        %dma_wait3A_163 = tpu.memref_slice %arg3[%run_scoped3A_155, %add3A_153, %dma_wait3A_162] : memref<2x2500x128xi32, #tpu.memory_space<hbm>> -> memref<1x1x128xi32, #tpu.memory_space<hbm>>
        %dma_wait3A_164 = tpu.memref_squeeze %dma_wait3A_163 : memref<1x1x128xi32, #tpu.memory_space<hbm>> -> memref<128xi32, #tpu.memory_space<hbm>>
        %dma_wait3A_165 = arith.constant 0 : i32
        %dma_wait3A_166 = tpu.memref_slice %arg3[%run_scoped3A_155, %add3A_153, %dma_wait3A_165] : memref<2x2500x128xi32, #tpu.memory_space<hbm>> -> memref<1x1x128xi32, #tpu.memory_space<hbm>>
        %dma_wait3A_167 = tpu.memref_squeeze %dma_wait3A_166 : memref<1x1x128xi32, #tpu.memory_space<hbm>> -> memref<128xi32, #tpu.memory_space<hbm>>
        tpu.wait_dma2 semaphore(%run_scoped3A_156 : memref<!tpu.dma_semaphore, #tpu.memory_space<semaphore_mem>>) src(%dma_wait3A_167 : memref<128xi32, #tpu.memory_space<hbm>>) dst(%arg9 : memref<128xi32, #tpu.memory_space<vmem>>)
        tpu.yield
      }) : () -> ()
      "tpu.region"() ({
        %run_scoped3A_156 = tpu.sem_alloc : memref<!tpu.dma_semaphore, #tpu.memory_space<semaphore_mem>>
        %dma_start3A = arith.constant 0 : i32
        %dma_start3A_157 = arith.constant 0 : i32
        %dma_start3A_158 = tpu.memref_slice %arg2[%dma_start3A, %dma_start3A_157] : memref<10240x16xf32, #tpu.memory_space<hbm>> -> memref<10240x16xf32, #tpu.memory_space<hbm>>
        tpu.enqueue_indirect_dma source(%dma_start3A_158 : memref<10240x16xf32, #tpu.memory_space<hbm>>) target(%arg11 : memref<128x16xf32, #tpu.memory_space<vmem>>) offsets(%arg8 : memref<128xi32, #tpu.memory_space<vmem>>) semaphore(%run_scoped3A_156 : memref<!tpu.dma_semaphore, #tpu.memory_space<semaphore_mem>>)
        %dma_wait3A_159 = arith.constant 0 : i32
        %dma_wait3A_160 = arith.constant 0 : i32
        %dma_wait3A_161 = tpu.memref_slice %arg2[%dma_wait3A_159, %dma_wait3A_160] : memref<10240x16xf32, #tpu.memory_space<hbm>> -> memref<10240x16xf32, #tpu.memory_space<hbm>>
        tpu.wait_indirect_dma semaphore(%run_scoped3A_156 : memref<!tpu.dma_semaphore, #tpu.memory_space<semaphore_mem>>) src(%dma_wait3A_161 : memref<10240x16xf32, #tpu.memory_space<hbm>>) dst(%arg11 : memref<128x16xf32, #tpu.memory_space<vmem>>)
        tpu.yield
      }) : () -> ()
      "tpu.region"() ({
        %run_scoped3A_156 = tpu.sem_alloc : memref<!tpu.dma_semaphore, #tpu.memory_space<semaphore_mem>>
        %dma_start3A = arith.constant 0 : i32
        %dma_start3A_157 = arith.constant 0 : i32
        %dma_start3A_158 = tpu.memref_slice %arg10[%dma_start3A, %dma_start3A_157] : memref<10240x16xf32, #tpu.memory_space<vmem_shared>> -> memref<10240x16xf32, #tpu.memory_space<vmem_shared>>
        tpu.enqueue_indirect_dma source(%arg11 : memref<128x16xf32, #tpu.memory_space<vmem>>) target(%dma_start3A_158 : memref<10240x16xf32, #tpu.memory_space<vmem_shared>>) offsets(%arg9 : memref<128xi32, #tpu.memory_space<vmem>>) semaphore(%run_scoped3A_156 : memref<!tpu.dma_semaphore, #tpu.memory_space<semaphore_mem>>) {add = true}
        %dma_wait3A_159 = arith.constant 0 : i32
        %dma_wait3A_160 = arith.constant 0 : i32
        %dma_wait3A_161 = tpu.memref_slice %arg10[%dma_wait3A_159, %dma_wait3A_160] : memref<10240x16xf32, #tpu.memory_space<vmem_shared>> -> memref<10240x16xf32, #tpu.memory_space<vmem_shared>>
        tpu.wait_indirect_dma semaphore(%run_scoped3A_156 : memref<!tpu.dma_semaphore, #tpu.memory_space<semaphore_mem>>) src(%arg11 : memref<128x16xf32, #tpu.memory_space<vmem>>) dst(%dma_wait3A_161 : memref<10240x16xf32, #tpu.memory_space<vmem_shared>>)
        tpu.yield
      }) : () -> ()
      "tpu.region"() ({
        %run_scoped3A_156 = tpu.sem_alloc : memref<!tpu.dma_semaphore, #tpu.memory_space<semaphore_mem>>
        %dma_start3A = arith.constant 0 : i32
        %dma_start3A_157 = arith.constant 0 : i32
        %dma_start3A_158 = tpu.memref_slice %arg31[%dma_start3A, %dma_start3A_157] : memref<10240x16xf32, #tpu.memory_space<vmem_shared>> -> memref<10240x16xf32, #tpu.memory_space<vmem_shared>>
        tpu.enqueue_indirect_dma source(%arg30 : memref<128x16xf32, #tpu.memory_space<vmem>>) target(%dma_start3A_158 : memref<10240x16xf32, #tpu.memory_space<vmem_shared>>) offsets(%arg9 : memref<128xi32, #tpu.memory_space<vmem>>) semaphore(%run_scoped3A_156 : memref<!tpu.dma_semaphore, #tpu.memory_space<semaphore_mem>>) {add = true}
        %dma_wait3A_159 = arith.constant 0 : i32
        %dma_wait3A_160 = arith.constant 0 : i32
        %dma_wait3A_161 = tpu.memref_slice %arg31[%dma_wait3A_159, %dma_wait3A_160] : memref<10240x16xf32, #tpu.memory_space<vmem_shared>> -> memref<10240x16xf32, #tpu.memory_space<vmem_shared>>
        tpu.wait_indirect_dma semaphore(%run_scoped3A_156 : memref<!tpu.dma_semaphore, #tpu.memory_space<semaphore_mem>>) src(%arg30 : memref<128x16xf32, #tpu.memory_space<vmem>>) dst(%dma_wait3A_161 : memref<10240x16xf32, #tpu.memory_space<vmem_shared>>)
        tpu.yield
      }) : () -> ()
    } else {
    }
    %barrier3A_143 = arith.constant 0 : index
    tpu.barrier barrier_id(%barrier3A_143)
    %mul3A_144 = arith.constant 640 : i32
    %mul3A_145 = arith.muli %arg1, %mul3A_144 : i32
    %mul3A_146 = arith.constant 640 : i32
    %mul3A_147 = arith.muli %arg1, %mul3A_146 : i32
    "tpu.region"() ({
      %run_scoped3A_152 = tpu.sem_alloc : memref<!tpu.dma_semaphore, #tpu.memory_space<semaphore_mem>>
      %dma_start3A = arith.constant 0 : i32
      %dma_start3A_153 = tpu.memref_slice %arg4[%arg0, %mul3A_147, %dma_start3A] : memref<2x10240x16xf32, #tpu.memory_space<hbm>> -> memref<1x640x16xf32, #tpu.memory_space<hbm>>
      %dma_start3A_154 = tpu.memref_squeeze %dma_start3A_153 : memref<1x640x16xf32, #tpu.memory_space<hbm>> -> memref<640x16xf32, #tpu.memory_space<hbm>>
      %dma_start3A_155 = arith.constant 0 : i32
      %dma_start3A_156 = tpu.memref_slice %arg10[%mul3A_145, %dma_start3A_155] : memref<10240x16xf32, #tpu.memory_space<vmem_shared>> -> memref<640x16xf32, #tpu.memory_space<vmem_shared>>
      tpu.enqueue_dma source(%dma_start3A_156 : memref<640x16xf32, #tpu.memory_space<vmem_shared>>) target(%dma_start3A_154 : memref<640x16xf32, #tpu.memory_space<hbm>>) target_semaphore(%run_scoped3A_152 : memref<!tpu.dma_semaphore, #tpu.memory_space<semaphore_mem>>)
      %dma_wait3A_157 = arith.constant 0 : i32
      %dma_wait3A_158 = tpu.memref_slice %arg4[%arg0, %mul3A_147, %dma_wait3A_157] : memref<2x10240x16xf32, #tpu.memory_space<hbm>> -> memref<1x640x16xf32, #tpu.memory_space<hbm>>
      %dma_wait3A_159 = tpu.memref_squeeze %dma_wait3A_158 : memref<1x640x16xf32, #tpu.memory_space<hbm>> -> memref<640x16xf32, #tpu.memory_space<hbm>>
      %dma_wait3A_160 = arith.constant 0 : i32
      %dma_wait3A_161 = tpu.memref_slice %arg10[%mul3A_145, %dma_wait3A_160] : memref<10240x16xf32, #tpu.memory_space<vmem_shared>> -> memref<640x16xf32, #tpu.memory_space<vmem_shared>>
      tpu.wait_dma2 semaphore(%run_scoped3A_152 : memref<!tpu.dma_semaphore, #tpu.memory_space<semaphore_mem>>) src(%dma_wait3A_161 : memref<640x16xf32, #tpu.memory_space<vmem_shared>>) dst(%dma_wait3A_159 : memref<640x16xf32, #tpu.memory_space<hbm>>)
      tpu.yield
    }) : () -> ()
    %mul3A_148 = arith.constant 640 : i32
    %mul3A_149 = arith.muli %arg1, %mul3A_148 : i32
    %mul3A_150 = arith.constant 640 : i32
    %mul3A_151 = arith.muli %arg1, %mul3A_150 : i32
    "tpu.region"() ({
      %run_scoped3A_152 = tpu.sem_alloc : memref<!tpu.dma_semaphore, #tpu.memory_space<semaphore_mem>>
      %dma_start3A = arith.constant 0 : i32
      %dma_start3A_153 = tpu.memref_slice %arg5[%arg0, %mul3A_151, %dma_start3A] : memref<2x10240x16xf32, #tpu.memory_space<hbm>> -> memref<1x640x16xf32, #tpu.memory_space<hbm>>
      %dma_start3A_154 = tpu.memref_squeeze %dma_start3A_153 : memref<1x640x16xf32, #tpu.memory_space<hbm>> -> memref<640x16xf32, #tpu.memory_space<hbm>>
      %dma_start3A_155 = arith.constant 0 : i32
      %dma_start3A_156 = tpu.memref_slice %arg31[%mul3A_149, %dma_start3A_155] : memref<10240x16xf32, #tpu.memory_space<vmem_shared>> -> memref<640x16xf32, #tpu.memory_space<vmem_shared>>
      tpu.enqueue_dma source(%dma_start3A_156 : memref<640x16xf32, #tpu.memory_space<vmem_shared>>) target(%dma_start3A_154 : memref<640x16xf32, #tpu.memory_space<hbm>>) target_semaphore(%run_scoped3A_152 : memref<!tpu.dma_semaphore, #tpu.memory_space<semaphore_mem>>)
      %dma_wait3A_157 = arith.constant 0 : i32
      %dma_wait3A_158 = tpu.memref_slice %arg5[%arg0, %mul3A_151, %dma_wait3A_157] : memref<2x10240x16xf32, #tpu.memory_space<hbm>> -> memref<1x640x16xf32, #tpu.memory_space<hbm>>
      %dma_wait3A_159 = tpu.memref_squeeze %dma_wait3A_158 : memref<1x640x16xf32, #tpu.memory_space<hbm>> -> memref<640x16xf32, #tpu.memory_space<hbm>>
      %dma_wait3A_160 = arith.constant 0 : i32
      %dma_wait3A_161 = tpu.memref_slice %arg31[%mul3A_149, %dma_wait3A_160] : memref<10240x16xf32, #tpu.memory_space<vmem_shared>> -> memref<640x16xf32, #tpu.memory_space<vmem_shared>>
      tpu.wait_dma2 semaphore(%run_scoped3A_152 : memref<!tpu.dma_semaphore, #tpu.memory_space<semaphore_mem>>) src(%dma_wait3A_161 : memref<640x16xf32, #tpu.memory_space<vmem_shared>>) dst(%dma_wait3A_159 : memref<640x16xf32, #tpu.memory_space<hbm>>)
      tpu.yield
    }) : () -> ()
    return
  }
}

module attributes {stable_mosaic.version = 14 : i64} {
  func.func @_proj_body(%arg0: memref<10000x128xf32, #tpu.memory_space<vmem>>, %arg1: memref<128x32xf32, #tpu.memory_space<vmem>>, %arg2: memref<5000x128xi32, #tpu.memory_space<vmem>>, %arg3: memref<1280x128xf32, #tpu.memory_space<vmem>>, %arg4: memref<1280x128xf32, #tpu.memory_space<vmem>>, %arg5: memref<5000x128xi32, #tpu.memory_space<vmem>>) attributes {dimension_semantics = [], scalar_prefetch = 0 : i64, scratch_operands = 0 : i64, tpu.core_type = #tpu.core_type<tc>} {
    %get3A = arith.constant 0 : index
    %get3A_0 = arith.constant 0 : index
    %get3A_1 = vector.load %arg2[%get3A, %get3A_0] : memref<5000x128xi32, #tpu.memory_space<vmem>>, vector<5000x128xi32>
    %mul3A = arith.constant 6554 : i32
    %mul3A_2 = vector.broadcast %mul3A : i32 to vector<5000x128xi32>
    %mul3A_3 = arith.muli %get3A_1, %mul3A_2 : vector<5000x128xi32>
    %shift_right_arithmetic3A = arith.constant 23 : i32
    %shift_right_arithmetic3A_4 = vector.broadcast %shift_right_arithmetic3A : i32 to vector<5000x128xi32>
    %shift_right_arithmetic3A_5 = arith.shrsi %mul3A_3, %shift_right_arithmetic3A_4 : vector<5000x128xi32>
    %mul3A_6 = arith.constant 1280 : i32
    %mul3A_7 = vector.broadcast %mul3A_6 : i32 to vector<5000x128xi32>
    %mul3A_8 = arith.muli %shift_right_arithmetic3A_5, %mul3A_7 : vector<5000x128xi32>
    %sub3A = arith.subi %get3A_1, %mul3A_8 : vector<5000x128xi32>
    %mul3A_9 = arith.constant 8 : i32
    %mul3A_10 = vector.broadcast %mul3A_9 : i32 to vector<5000x128xi32>
    %mul3A_11 = arith.muli %mul3A_10, %sub3A : vector<5000x128xi32>
    %add3A = arith.addi %mul3A_11, %shift_right_arithmetic3A_5 : vector<5000x128xi32>
    %swap3A = arith.constant 0 : index
    %swap3A_12 = arith.constant 0 : index
    %swap3A_13 = vector.load %arg5[%swap3A, %swap3A_12] : memref<5000x128xi32, #tpu.memory_space<vmem>>, vector<5000x128xi32>
    tpu.vector_store %arg5[%swap3A, %swap3A_12], %add3A {strides = array<i32>} : memref<5000x128xi32, #tpu.memory_space<vmem>>, vector<5000x128xi32>,
    %get3A_14 = arith.constant 0 : index
    %get3A_15 = arith.constant 0 : index
    %get3A_16 = vector.load %arg0[%get3A_14, %get3A_15] : memref<10000x128xf32, #tpu.memory_space<vmem>>, vector<10000x128xf32>
    %get3A_17 = arith.constant 0 : index
    %get3A_18 = arith.constant 0 : index
    %get3A_19 = vector.load %arg1[%get3A_17, %get3A_18] : memref<128x32xf32, #tpu.memory_space<vmem>>, vector<128x32xf32>
    %dot_general3A = arith.constant dense<0.000000e+00> : vector<10000x32xf32>
    %dot_general3A_20 = tpu.matmul %get3A_16, %get3A_19, %dot_general3A {dimension_numbers = #tpu.dot_dimension_numbers<[1], [0], [0], [1], [0, 0, 1, 1], [], []>, transpose_lhs_hint = false} : vector<10000x128xf32>, vector<128x32xf32>, vector<10000x32xf32> -> vector<10000x32xf32>
    %slice3A = vector.extract_strided_slice %dot_general3A_20 {offsets = [0, 0], sizes = [1280, 16], strides = [1, 1]} : vector<10000x32xf32> to vector<1280x16xf32>
    %swap3A_21 = arith.constant 0 : index
    %swap3A_22 = arith.constant 0 : index
    %swap3A_23 = vector.load %arg3[%swap3A_21, %swap3A_22] : memref<1280x128xf32, #tpu.memory_space<vmem>>, vector<1280x16xf32>
    tpu.vector_store %arg3[%swap3A_21, %swap3A_22], %slice3A {strides = array<i32>} : memref<1280x128xf32, #tpu.memory_space<vmem>>, vector<1280x16xf32>,
    %slice3A_24 = vector.extract_strided_slice %dot_general3A_20 {offsets = [0, 16], sizes = [1280, 16], strides = [1, 1]} : vector<10000x32xf32> to vector<1280x16xf32>
    %swap3A_25 = arith.constant 0 : index
    %swap3A_26 = arith.constant 0 : index
    %swap3A_27 = vector.load %arg4[%swap3A_25, %swap3A_26] : memref<1280x128xf32, #tpu.memory_space<vmem>>, vector<1280x16xf32>
    tpu.vector_store %arg4[%swap3A_25, %swap3A_26], %slice3A_24 {strides = array<i32>} : memref<1280x128xf32, #tpu.memory_space<vmem>>, vector<1280x16xf32>,
    %slice3A_28 = vector.extract_strided_slice %dot_general3A_20 {offsets = [1280, 0], sizes = [1280, 16], strides = [1, 1]} : vector<10000x32xf32> to vector<1280x16xf32>
    %swap3A_29 = arith.constant 0 : index
    %swap3A_30 = arith.constant 16 : index
    %swap3A_31 = vector.load %arg3[%swap3A_29, %swap3A_30] : memref<1280x128xf32, #tpu.memory_space<vmem>>, vector<1280x16xf32>
    tpu.vector_store %arg3[%swap3A_29, %swap3A_30], %slice3A_28 {strides = array<i32>} : memref<1280x128xf32, #tpu.memory_space<vmem>>, vector<1280x16xf32>,
    %slice3A_32 = vector.extract_strided_slice %dot_general3A_20 {offsets = [1280, 16], sizes = [1280, 16], strides = [1, 1]} : vector<10000x32xf32> to vector<1280x16xf32>
    %swap3A_33 = arith.constant 0 : index
    %swap3A_34 = arith.constant 16 : index
    %swap3A_35 = vector.load %arg4[%swap3A_33, %swap3A_34] : memref<1280x128xf32, #tpu.memory_space<vmem>>, vector<1280x16xf32>
    tpu.vector_store %arg4[%swap3A_33, %swap3A_34], %slice3A_32 {strides = array<i32>} : memref<1280x128xf32, #tpu.memory_space<vmem>>, vector<1280x16xf32>,
    %slice3A_36 = vector.extract_strided_slice %dot_general3A_20 {offsets = [2560, 0], sizes = [1280, 16], strides = [1, 1]} : vector<10000x32xf32> to vector<1280x16xf32>
    %swap3A_37 = arith.constant 0 : index
    %swap3A_38 = arith.constant 32 : index
    %swap3A_39 = vector.load %arg3[%swap3A_37, %swap3A_38] : memref<1280x128xf32, #tpu.memory_space<vmem>>, vector<1280x16xf32>
    tpu.vector_store %arg3[%swap3A_37, %swap3A_38], %slice3A_36 {strides = array<i32>} : memref<1280x128xf32, #tpu.memory_space<vmem>>, vector<1280x16xf32>,
    %slice3A_40 = vector.extract_strided_slice %dot_general3A_20 {offsets = [2560, 16], sizes = [1280, 16], strides = [1, 1]} : vector<10000x32xf32> to vector<1280x16xf32>
    %swap3A_41 = arith.constant 0 : index
    %swap3A_42 = arith.constant 32 : index
    %swap3A_43 = vector.load %arg4[%swap3A_41, %swap3A_42] : memref<1280x128xf32, #tpu.memory_space<vmem>>, vector<1280x16xf32>
    tpu.vector_store %arg4[%swap3A_41, %swap3A_42], %slice3A_40 {strides = array<i32>} : memref<1280x128xf32, #tpu.memory_space<vmem>>, vector<1280x16xf32>,
    %slice3A_44 = vector.extract_strided_slice %dot_general3A_20 {offsets = [3840, 0], sizes = [1280, 16], strides = [1, 1]} : vector<10000x32xf32> to vector<1280x16xf32>
    %swap3A_45 = arith.constant 0 : index
    %swap3A_46 = arith.constant 48 : index
    %swap3A_47 = vector.load %arg3[%swap3A_45, %swap3A_46] : memref<1280x128xf32, #tpu.memory_space<vmem>>, vector<1280x16xf32>
    tpu.vector_store %arg3[%swap3A_45, %swap3A_46], %slice3A_44 {strides = array<i32>} : memref<1280x128xf32, #tpu.memory_space<vmem>>, vector<1280x16xf32>,
    %slice3A_48 = vector.extract_strided_slice %dot_general3A_20 {offsets = [3840, 16], sizes = [1280, 16], strides = [1, 1]} : vector<10000x32xf32> to vector<1280x16xf32>
    %swap3A_49 = arith.constant 0 : index
    %swap3A_50 = arith.constant 48 : index
    %swap3A_51 = vector.load %arg4[%swap3A_49, %swap3A_50] : memref<1280x128xf32, #tpu.memory_space<vmem>>, vector<1280x16xf32>
    tpu.vector_store %arg4[%swap3A_49, %swap3A_50], %slice3A_48 {strides = array<i32>} : memref<1280x128xf32, #tpu.memory_space<vmem>>, vector<1280x16xf32>,
    %slice3A_52 = vector.extract_strided_slice %dot_general3A_20 {offsets = [5120, 0], sizes = [1280, 16], strides = [1, 1]} : vector<10000x32xf32> to vector<1280x16xf32>
    %swap3A_53 = arith.constant 0 : index
    %swap3A_54 = arith.constant 64 : index
    %swap3A_55 = vector.load %arg3[%swap3A_53, %swap3A_54] : memref<1280x128xf32, #tpu.memory_space<vmem>>, vector<1280x16xf32>
    tpu.vector_store %arg3[%swap3A_53, %swap3A_54], %slice3A_52 {strides = array<i32>} : memref<1280x128xf32, #tpu.memory_space<vmem>>, vector<1280x16xf32>,
    %slice3A_56 = vector.extract_strided_slice %dot_general3A_20 {offsets = [5120, 16], sizes = [1280, 16], strides = [1, 1]} : vector<10000x32xf32> to vector<1280x16xf32>
    %swap3A_57 = arith.constant 0 : index
    %swap3A_58 = arith.constant 64 : index
    %swap3A_59 = vector.load %arg4[%swap3A_57, %swap3A_58] : memref<1280x128xf32, #tpu.memory_space<vmem>>, vector<1280x16xf32>
    tpu.vector_store %arg4[%swap3A_57, %swap3A_58], %slice3A_56 {strides = array<i32>} : memref<1280x128xf32, #tpu.memory_space<vmem>>, vector<1280x16xf32>,
    %slice3A_60 = vector.extract_strided_slice %dot_general3A_20 {offsets = [6400, 0], sizes = [1280, 16], strides = [1, 1]} : vector<10000x32xf32> to vector<1280x16xf32>
    %swap3A_61 = arith.constant 0 : index
    %swap3A_62 = arith.constant 80 : index
    %swap3A_63 = vector.load %arg3[%swap3A_61, %swap3A_62] : memref<1280x128xf32, #tpu.memory_space<vmem>>, vector<1280x16xf32>
    tpu.vector_store %arg3[%swap3A_61, %swap3A_62], %slice3A_60 {strides = array<i32>} : memref<1280x128xf32, #tpu.memory_space<vmem>>, vector<1280x16xf32>,
    %slice3A_64 = vector.extract_strided_slice %dot_general3A_20 {offsets = [6400, 16], sizes = [1280, 16], strides = [1, 1]} : vector<10000x32xf32> to vector<1280x16xf32>
    %swap3A_65 = arith.constant 0 : index
    %swap3A_66 = arith.constant 80 : index
    %swap3A_67 = vector.load %arg4[%swap3A_65, %swap3A_66] : memref<1280x128xf32, #tpu.memory_space<vmem>>, vector<1280x16xf32>
    tpu.vector_store %arg4[%swap3A_65, %swap3A_66], %slice3A_64 {strides = array<i32>} : memref<1280x128xf32, #tpu.memory_space<vmem>>, vector<1280x16xf32>,
    %slice3A_68 = vector.extract_strided_slice %dot_general3A_20 {offsets = [7680, 0], sizes = [1280, 16], strides = [1, 1]} : vector<10000x32xf32> to vector<1280x16xf32>
    %swap3A_69 = arith.constant 0 : index
    %swap3A_70 = arith.constant 96 : index
    %swap3A_71 = vector.load %arg3[%swap3A_69, %swap3A_70] : memref<1280x128xf32, #tpu.memory_space<vmem>>, vector<1280x16xf32>
    tpu.vector_store %arg3[%swap3A_69, %swap3A_70], %slice3A_68 {strides = array<i32>} : memref<1280x128xf32, #tpu.memory_space<vmem>>, vector<1280x16xf32>,
    %slice3A_72 = vector.extract_strided_slice %dot_general3A_20 {offsets = [7680, 16], sizes = [1280, 16], strides = [1, 1]} : vector<10000x32xf32> to vector<1280x16xf32>
    %swap3A_73 = arith.constant 0 : index
    %swap3A_74 = arith.constant 96 : index
    %swap3A_75 = vector.load %arg4[%swap3A_73, %swap3A_74] : memref<1280x128xf32, #tpu.memory_space<vmem>>, vector<1280x16xf32>
    tpu.vector_store %arg4[%swap3A_73, %swap3A_74], %slice3A_72 {strides = array<i32>} : memref<1280x128xf32, #tpu.memory_space<vmem>>, vector<1280x16xf32>,
    %broadcast_in_dim3A = arith.constant 0.000000e+00 : f32
    %broadcast_in_dim3A_76 = vector.broadcast %broadcast_in_dim3A : f32 to vector<240x16xf32>
    %slice3A_77 = vector.extract_strided_slice %dot_general3A_20 {offsets = [8960, 0], sizes = [1040, 16], strides = [1, 1]} : vector<10000x32xf32> to vector<1040x16xf32>
    %concatenate3A = tpu.concatenate %slice3A_77, %broadcast_in_dim3A_76 in 0 : vector<1040x16xf32>, vector<240x16xf32> -> vector<1280x16xf32>
    %swap3A_78 = arith.constant 0 : index
    %swap3A_79 = arith.constant 112 : index
    %swap3A_80 = vector.load %arg3[%swap3A_78, %swap3A_79] : memref<1280x128xf32, #tpu.memory_space<vmem>>, vector<1280x16xf32>
    tpu.vector_store %arg3[%swap3A_78, %swap3A_79], %concatenate3A {strides = array<i32>} : memref<1280x128xf32, #tpu.memory_space<vmem>>, vector<1280x16xf32>,
    %slice3A_81 = vector.extract_strided_slice %dot_general3A_20 {offsets = [8960, 16], sizes = [1040, 16], strides = [1, 1]} : vector<10000x32xf32> to vector<1040x16xf32>
    %concatenate3A_82 = tpu.concatenate %slice3A_81, %broadcast_in_dim3A_76 in 0 : vector<1040x16xf32>, vector<240x16xf32> -> vector<1280x16xf32>
    %swap3A_83 = arith.constant 0 : index
    %swap3A_84 = arith.constant 112 : index
    %swap3A_85 = vector.load %arg4[%swap3A_83, %swap3A_84] : memref<1280x128xf32, #tpu.memory_space<vmem>>, vector<1280x16xf32>
    tpu.vector_store %arg4[%swap3A_83, %swap3A_84], %concatenate3A_82 {strides = array<i32>} : memref<1280x128xf32, #tpu.memory_space<vmem>>, vector<1280x16xf32>,
    return
  }
}

module attributes {stable_mosaic.version = 14 : i64} {
  func.func @_layer1_body(%arg0: memref<2x1280x128xf32, #tpu.memory_space<vmem>>, %arg1: memref<2x1280x128xf32, #tpu.memory_space<vmem>>, %arg2: memref<1280x128xf32, #tpu.memory_space<vmem>>, %arg3: memref<1x16xf32, #tpu.memory_space<vmem>>, %arg4: memref<1280x128xf32, #tpu.memory_space<vmem>>) attributes {dimension_semantics = [], scalar_prefetch = 0 : i64, scratch_operands = 0 : i64, tpu.core_type = #tpu.core_type<tc>} {
    %get3A = arith.constant 0 : index
    %get3A_0 = arith.constant 0 : index
    %get3A_1 = arith.constant 0 : index
    %get3A_2 = vector.load %arg0[%get3A, %get3A_0, %get3A_1] : memref<2x1280x128xf32, #tpu.memory_space<vmem>>, vector<1x1280x128xf32>
    %get3A_3 = vector.shape_cast %get3A_2 : vector<1x1280x128xf32> to vector<1280x128xf32>
    %get3A_4 = arith.constant 1 : index
    %get3A_5 = arith.constant 0 : index
    %get3A_6 = arith.constant 0 : index
    %get3A_7 = vector.load %arg0[%get3A_4, %get3A_5, %get3A_6] : memref<2x1280x128xf32, #tpu.memory_space<vmem>>, vector<1x1280x128xf32>
    %get3A_8 = vector.shape_cast %get3A_7 : vector<1x1280x128xf32> to vector<1280x128xf32>
    %add3A = arith.addf %get3A_3, %get3A_8 : vector<1280x128xf32>
    %get3A_9 = arith.constant 0 : index
    %get3A_10 = arith.constant 0 : index
    %get3A_11 = arith.constant 0 : index
    %get3A_12 = vector.load %arg1[%get3A_9, %get3A_10, %get3A_11] : memref<2x1280x128xf32, #tpu.memory_space<vmem>>, vector<1x1280x128xf32>
    %get3A_13 = vector.shape_cast %get3A_12 : vector<1x1280x128xf32> to vector<1280x128xf32>
    %get3A_14 = arith.constant 1 : index
    %get3A_15 = arith.constant 0 : index
    %get3A_16 = arith.constant 0 : index
    %get3A_17 = vector.load %arg1[%get3A_14, %get3A_15, %get3A_16] : memref<2x1280x128xf32, #tpu.memory_space<vmem>>, vector<1x1280x128xf32>
    %get3A_18 = vector.shape_cast %get3A_17 : vector<1x1280x128xf32> to vector<1280x128xf32>
    %add3A_19 = arith.addf %get3A_13, %get3A_18 : vector<1280x128xf32>
    %max3A = arith.constant 1.000000e+00 : f32
    %max3A_20 = vector.broadcast %max3A : f32 to vector<1280x128xf32>
    %max3A_21 = arith.maximumf %add3A_19, %max3A_20 : vector<1280x128xf32>
    %div3A = arith.divf %add3A, %max3A_21 : vector<1280x128xf32>
    %get3A_22 = arith.constant 0 : index
    %get3A_23 = arith.constant 0 : index
    %get3A_24 = vector.load %arg3[%get3A_22, %get3A_23] : memref<1x16xf32, #tpu.memory_space<vmem>>, vector<1x16xf32>
    %tile3A = tpu.concatenate %get3A_24, %get3A_24, %get3A_24, %get3A_24, %get3A_24, %get3A_24, %get3A_24, %get3A_24 in 1 : vector<1x16xf32>, vector<1x16xf32>, vector<1x16xf32>, vector<1x16xf32>, vector<1x16xf32>, vector<1x16xf32>, vector<1x16xf32>, vector<1x16xf32> -> vector<1x128xf32>
    %add3A_25 = vector.broadcast %tile3A : vector<1x128xf32> to vector<1280x128xf32>
    %add3A_26 = arith.addf %div3A, %add3A_25 : vector<1280x128xf32>
    %get3A_27 = arith.constant 0 : index
    %get3A_28 = arith.constant 0 : index
    %get3A_29 = vector.load %arg2[%get3A_27, %get3A_28] : memref<1280x128xf32, #tpu.memory_space<vmem>>, vector<1280x128xf32>
    %add3A_30 = arith.addf %add3A_26, %get3A_29 : vector<1280x128xf32>
    %mul3A = arith.mulf %add3A_30, %add3A_30 : vector<1280x128xf32>
    %iota3A = tpu.iota {dimensions = array<i32: 0>} : vector<128x128xi32>
    %jit3A = arith.constant 16 : i32
    %div3A_31 = vector.broadcast %jit3A : i32 to vector<128x128xi32>
    %div3A_32 = arith.divsi %iota3A, %div3A_31 : vector<128x128xi32>
    %sign3A = arith.constant 0 : i32
    %sign3A_33 = vector.broadcast %sign3A : i32 to vector<128x128xi32>
    %sign3A_34 = arith.cmpi sgt, %iota3A, %sign3A_33 : vector<128x128xi32>
    %sign3A_35 = arith.extui %sign3A_34 : vector<128x128xi1> to vector<128x128xi32>
    %sign3A_36 = arith.constant 0 : i32
    %sign3A_37 = vector.broadcast %sign3A_36 : i32 to vector<128x128xi32>
    %sign3A_38 = arith.cmpi slt, %iota3A, %sign3A_37 : vector<128x128xi32>
    %sign3A_39 = arith.extui %sign3A_38 : vector<128x128xi1> to vector<128x128xi32>
    %sign3A_40 = arith.subi %sign3A_35, %sign3A_39 : vector<128x128xi32>
    %sign3A_41 = arith.constant 0 : i32
    %sign3A_42 = arith.cmpi sgt, %jit3A, %sign3A_41 : i32
    %sign3A_43 = arith.extui %sign3A_42 : i1 to i32
    %sign3A_44 = arith.constant 0 : i32
    %sign3A_45 = arith.cmpi slt, %jit3A, %sign3A_44 : i32
    %sign3A_46 = arith.extui %sign3A_45 : i1 to i32
    %sign3A_47 = arith.subi %sign3A_43, %sign3A_46 : i32
    %ne3A = vector.broadcast %sign3A_47 : i32 to vector<128x128xi32>
    %ne3A_48 = arith.cmpi ne, %sign3A_40, %ne3A : vector<128x128xi32>
    %rem3A = vector.broadcast %jit3A : i32 to vector<128x128xi32>
    %rem3A_49 = arith.remsi %iota3A, %rem3A : vector<128x128xi32>
    %ne3A_50 = arith.constant 0 : i32
    %ne3A_51 = vector.broadcast %ne3A_50 : i32 to vector<128x128xi32>
    %ne3A_52 = arith.cmpi ne, %rem3A_49, %ne3A_51 : vector<128x128xi32>
    %and3A = arith.andi %ne3A_48, %ne3A_52 : vector<128x128xi1>
    %sub3A = arith.constant 1 : i32
    %sub3A_53 = vector.broadcast %sub3A : i32 to vector<128x128xi32>
    %sub3A_54 = arith.subi %div3A_32, %sub3A_53 : vector<128x128xi32>
    %select_n3A = arith.select %and3A, %sub3A_54, %div3A_32 : vector<128x128xi1>, vector<128x128xi32>
    %iota3A_55 = tpu.iota {dimensions = array<i32: 1>} : vector<128x128xi32>
    %jit3A_56 = arith.constant 16 : i32
    %div3A_57 = vector.broadcast %jit3A_56 : i32 to vector<128x128xi32>
    %div3A_58 = arith.divsi %iota3A_55, %div3A_57 : vector<128x128xi32>
    %sign3A_59 = arith.constant 0 : i32
    %sign3A_60 = vector.broadcast %sign3A_59 : i32 to vector<128x128xi32>
    %sign3A_61 = arith.cmpi sgt, %iota3A_55, %sign3A_60 : vector<128x128xi32>
    %sign3A_62 = arith.extui %sign3A_61 : vector<128x128xi1> to vector<128x128xi32>
    %sign3A_63 = arith.constant 0 : i32
    %sign3A_64 = vector.broadcast %sign3A_63 : i32 to vector<128x128xi32>
    %sign3A_65 = arith.cmpi slt, %iota3A_55, %sign3A_64 : vector<128x128xi32>
    %sign3A_66 = arith.extui %sign3A_65 : vector<128x128xi1> to vector<128x128xi32>
    %sign3A_67 = arith.subi %sign3A_62, %sign3A_66 : vector<128x128xi32>
    %sign3A_68 = arith.constant 0 : i32
    %sign3A_69 = arith.cmpi sgt, %jit3A_56, %sign3A_68 : i32
    %sign3A_70 = arith.extui %sign3A_69 : i1 to i32
    %sign3A_71 = arith.constant 0 : i32
    %sign3A_72 = arith.cmpi slt, %jit3A_56, %sign3A_71 : i32
    %sign3A_73 = arith.extui %sign3A_72 : i1 to i32
    %sign3A_74 = arith.subi %sign3A_70, %sign3A_73 : i32
    %ne3A_75 = vector.broadcast %sign3A_74 : i32 to vector<128x128xi32>
    %ne3A_76 = arith.cmpi ne, %sign3A_67, %ne3A_75 : vector<128x128xi32>
    %rem3A_77 = vector.broadcast %jit3A_56 : i32 to vector<128x128xi32>
    %rem3A_78 = arith.remsi %iota3A_55, %rem3A_77 : vector<128x128xi32>
    %ne3A_79 = arith.constant 0 : i32
    %ne3A_80 = vector.broadcast %ne3A_79 : i32 to vector<128x128xi32>
    %ne3A_81 = arith.cmpi ne, %rem3A_78, %ne3A_80 : vector<128x128xi32>
    %and3A_82 = arith.andi %ne3A_76, %ne3A_81 : vector<128x128xi1>
    %sub3A_83 = arith.constant 1 : i32
    %sub3A_84 = vector.broadcast %sub3A_83 : i32 to vector<128x128xi32>
    %sub3A_85 = arith.subi %div3A_58, %sub3A_84 : vector<128x128xi32>
    %select_n3A_86 = arith.select %and3A_82, %sub3A_85, %div3A_58 : vector<128x128xi1>, vector<128x128xi32>
    %eq3A = arith.cmpi eq, %select_n3A, %select_n3A_86 : vector<128x128xi32>
    %convert_element_type3A = arith.extui %eq3A : vector<128x128xi1> to vector<128x128xi32>
    %convert_element_type3A_87 = arith.sitofp %convert_element_type3A : vector<128x128xi32> to vector<128x128xf32>
    %dot_general3A = arith.constant dense<0.000000e+00> : vector<1280x128xf32>
    %dot_general3A_88 = tpu.matmul %mul3A, %convert_element_type3A_87, %dot_general3A {dimension_numbers = #tpu.dot_dimension_numbers<[1], [0], [0], [1], [0, 0, 1, 1], [], []>, transpose_lhs_hint = false} : vector<1280x128xf32>, vector<128x128xf32>, vector<1280x128xf32> -> vector<1280x128xf32>
    %sqrt3A = math.sqrt %dot_general3A_88 : vector<1280x128xf32>
    %max3A_89 = arith.constant 9.99999996E-13 : f32
    %max3A_90 = vector.broadcast %max3A_89 : f32 to vector<1280x128xf32>
    %max3A_91 = arith.maximumf %sqrt3A, %max3A_90 : vector<1280x128xf32>
    %div3A_92 = arith.divf %add3A_30, %max3A_91 : vector<1280x128xf32>
    %max3A_93 = arith.constant 0.000000e+00 : f32
    %max3A_94 = vector.broadcast %max3A_93 : f32 to vector<1280x128xf32>
    %max3A_95 = arith.maximumf %div3A_92, %max3A_94 : vector<1280x128xf32>
    %swap3A = arith.constant 0 : index
    %swap3A_96 = arith.constant 0 : index
    %swap3A_97 = vector.load %arg4[%swap3A, %swap3A_96] : memref<1280x128xf32, #tpu.memory_space<vmem>>, vector<1280x128xf32>
    tpu.vector_store %arg4[%swap3A, %swap3A_96], %max3A_95 {strides = array<i32>} : memref<1280x128xf32, #tpu.memory_space<vmem>>, vector<1280x128xf32>,
    return
  }
}

module attributes {stable_mosaic.version = 14 : i64} {
  func.func @_layer2_body(%arg0: memref<2x1280x128xf32, #tpu.memory_space<vmem>>, %arg1: memref<2x1280x128xf32, #tpu.memory_space<vmem>>, %arg2: memref<1280x128xf32, #tpu.memory_space<vmem>>, %arg3: memref<32x64xf32, #tpu.memory_space<vmem>>, %arg4: memref<1x64xf32, #tpu.memory_space<vmem>>, %arg5: memref<10000x64xf32, #tpu.memory_space<vmem>>) attributes {dimension_semantics = [], scalar_prefetch = 0 : i64, scratch_operands = 0 : i64, tpu.core_type = #tpu.core_type<tc>} {
    %get3A = arith.constant 0 : index
    %get3A_0 = arith.constant 0 : index
    %get3A_1 = arith.constant 0 : index
    %get3A_2 = vector.load %arg0[%get3A, %get3A_0, %get3A_1] : memref<2x1280x128xf32, #tpu.memory_space<vmem>>, vector<1x1280x128xf32>
    %get3A_3 = vector.shape_cast %get3A_2 : vector<1x1280x128xf32> to vector<1280x128xf32>
    %get3A_4 = arith.constant 1 : index
    %get3A_5 = arith.constant 0 : index
    %get3A_6 = arith.constant 0 : index
    %get3A_7 = vector.load %arg0[%get3A_4, %get3A_5, %get3A_6] : memref<2x1280x128xf32, #tpu.memory_space<vmem>>, vector<1x1280x128xf32>
    %get3A_8 = vector.shape_cast %get3A_7 : vector<1x1280x128xf32> to vector<1280x128xf32>
    %add3A = arith.addf %get3A_3, %get3A_8 : vector<1280x128xf32>
    %get3A_9 = arith.constant 0 : index
    %get3A_10 = arith.constant 0 : index
    %get3A_11 = arith.constant 0 : index
    %get3A_12 = vector.load %arg1[%get3A_9, %get3A_10, %get3A_11] : memref<2x1280x128xf32, #tpu.memory_space<vmem>>, vector<1x1280x128xf32>
    %get3A_13 = vector.shape_cast %get3A_12 : vector<1x1280x128xf32> to vector<1280x128xf32>
    %get3A_14 = arith.constant 1 : index
    %get3A_15 = arith.constant 0 : index
    %get3A_16 = arith.constant 0 : index
    %get3A_17 = vector.load %arg1[%get3A_14, %get3A_15, %get3A_16] : memref<2x1280x128xf32, #tpu.memory_space<vmem>>, vector<1x1280x128xf32>
    %get3A_18 = vector.shape_cast %get3A_17 : vector<1x1280x128xf32> to vector<1280x128xf32>
    %add3A_19 = arith.addf %get3A_13, %get3A_18 : vector<1280x128xf32>
    %max3A = arith.constant 1.000000e+00 : f32
    %max3A_20 = vector.broadcast %max3A : f32 to vector<1280x128xf32>
    %max3A_21 = arith.maximumf %add3A_19, %max3A_20 : vector<1280x128xf32>
    %div3A = arith.divf %add3A, %max3A_21 : vector<1280x128xf32>
    %get3A_22 = arith.constant 0 : index
    %get3A_23 = arith.constant 0 : index
    %get3A_24 = vector.load %arg2[%get3A_22, %get3A_23] : memref<1280x128xf32, #tpu.memory_space<vmem>>, vector<1280x128xf32>
    %broadcast_in_dim3A = arith.constant 1.000000e+00 : f32
    %broadcast_in_dim3A_25 = vector.broadcast %broadcast_in_dim3A : f32 to vector<64x64xf32>
    %slice3A = vector.extract_strided_slice %div3A {offsets = [0, 0], sizes = [1280, 16], strides = [1, 1]} : vector<1280x128xf32> to vector<1280x16xf32>
    %slice3A_26 = vector.extract_strided_slice %get3A_24 {offsets = [0, 0], sizes = [1280, 16], strides = [1, 1]} : vector<1280x128xf32> to vector<1280x16xf32>
    %concatenate3A = tpu.concatenate %slice3A, %slice3A_26 in 1 : vector<1280x16xf32>, vector<1280x16xf32> -> vector<1280x32xf32>
    %get3A_27 = arith.constant 0 : index
    %get3A_28 = arith.constant 0 : index
    %get3A_29 = vector.load %arg3[%get3A_27, %get3A_28] : memref<32x64xf32, #tpu.memory_space<vmem>>, vector<32x64xf32>
    %dot_general3A = arith.constant dense<0.000000e+00> : vector<1280x64xf32>
    %dot_general3A_30 = tpu.matmul %concatenate3A, %get3A_29, %dot_general3A {dimension_numbers = #tpu.dot_dimension_numbers<[1], [0], [0], [1], [0, 0, 1, 1], [], []>, transpose_lhs_hint = false} : vector<1280x32xf32>, vector<32x64xf32>, vector<1280x64xf32> -> vector<1280x64xf32>
    %get3A_31 = arith.constant 0 : index
    %get3A_32 = arith.constant 0 : index
    %get3A_33 = vector.load %arg4[%get3A_31, %get3A_32] : memref<1x64xf32, #tpu.memory_space<vmem>>, vector<1x64xf32>
    %add3A_34 = vector.broadcast %get3A_33 : vector<1x64xf32> to vector<1280x64xf32>
    %add3A_35 = arith.addf %dot_general3A_30, %add3A_34 : vector<1280x64xf32>
    %mul3A = arith.mulf %add3A_35, %add3A_35 : vector<1280x64xf32>
    %dot_general3A_36 = arith.constant dense<0.000000e+00> : vector<1280x64xf32>
    %dot_general3A_37 = tpu.matmul %mul3A, %broadcast_in_dim3A_25, %dot_general3A_36 {dimension_numbers = #tpu.dot_dimension_numbers<[1], [0], [0], [1], [0, 0, 1, 1], [], []>, transpose_lhs_hint = false} : vector<1280x64xf32>, vector<64x64xf32>, vector<1280x64xf32> -> vector<1280x64xf32>
    %sqrt3A = math.sqrt %dot_general3A_37 : vector<1280x64xf32>
    %max3A_38 = arith.constant 9.99999996E-13 : f32
    %max3A_39 = vector.broadcast %max3A_38 : f32 to vector<1280x64xf32>
    %max3A_40 = arith.maximumf %sqrt3A, %max3A_39 : vector<1280x64xf32>
    %div3A_41 = arith.divf %add3A_35, %max3A_40 : vector<1280x64xf32>
    %sub3A = arith.constant 1.000000e+00 : f32
    %sub3A_42 = vector.broadcast %sub3A : f32 to vector<1280x64xf32>
    %sub3A_43 = arith.subf %div3A_41, %sub3A_42 : vector<1280x64xf32>
    %exp3A = math.exp %sub3A_43 : vector<1280x64xf32>
    %dot_general3A_44 = arith.constant dense<0.000000e+00> : vector<1280x64xf32>
    %dot_general3A_45 = tpu.matmul %exp3A, %broadcast_in_dim3A_25, %dot_general3A_44 {dimension_numbers = #tpu.dot_dimension_numbers<[1], [0], [0], [1], [0, 0, 1, 1], [], []>, transpose_lhs_hint = false} : vector<1280x64xf32>, vector<64x64xf32>, vector<1280x64xf32> -> vector<1280x64xf32>
    %log3A = math.log %dot_general3A_45 : vector<1280x64xf32>
    %add3A_46 = arith.constant 1.000000e+00 : f32
    %add3A_47 = vector.broadcast %add3A_46 : f32 to vector<1280x64xf32>
    %add3A_48 = arith.addf %log3A, %add3A_47 : vector<1280x64xf32>
    %sub3A_49 = arith.subf %div3A_41, %add3A_48 : vector<1280x64xf32>
    %swap3A = arith.constant 0 : index
    %swap3A_50 = arith.constant 0 : index
    %swap3A_51 = vector.load %arg5[%swap3A, %swap3A_50] : memref<10000x64xf32, #tpu.memory_space<vmem>>, vector<1280x64xf32>
    tpu.vector_store %arg5[%swap3A, %swap3A_50], %sub3A_49 {strides = array<i32>} : memref<10000x64xf32, #tpu.memory_space<vmem>>, vector<1280x64xf32>,
    %slice3A_52 = vector.extract_strided_slice %div3A {offsets = [0, 16], sizes = [1280, 16], strides = [1, 1]} : vector<1280x128xf32> to vector<1280x16xf32>
    %slice3A_53 = vector.extract_strided_slice %get3A_24 {offsets = [0, 16], sizes = [1280, 16], strides = [1, 1]} : vector<1280x128xf32> to vector<1280x16xf32>
    %concatenate3A_54 = tpu.concatenate %slice3A_52, %slice3A_53 in 1 : vector<1280x16xf32>, vector<1280x16xf32> -> vector<1280x32xf32>
    %get3A_55 = arith.constant 0 : index
    %get3A_56 = arith.constant 0 : index
    %get3A_57 = vector.load %arg3[%get3A_55, %get3A_56] : memref<32x64xf32, #tpu.memory_space<vmem>>, vector<32x64xf32>
    %dot_general3A_58 = arith.constant dense<0.000000e+00> : vector<1280x64xf32>
    %dot_general3A_59 = tpu.matmul %concatenate3A_54, %get3A_57, %dot_general3A_58 {dimension_numbers = #tpu.dot_dimension_numbers<[1], [0], [0], [1], [0, 0, 1, 1], [], []>, transpose_lhs_hint = false} : vector<1280x32xf32>, vector<32x64xf32>, vector<1280x64xf32> -> vector<1280x64xf32>
    %get3A_60 = arith.constant 0 : index
    %get3A_61 = arith.constant 0 : index
    %get3A_62 = vector.load %arg4[%get3A_60, %get3A_61] : memref<1x64xf32, #tpu.memory_space<vmem>>, vector<1x64xf32>
    %add3A_63 = vector.broadcast %get3A_62 : vector<1x64xf32> to vector<1280x64xf32>
    %add3A_64 = arith.addf %dot_general3A_59, %add3A_63 : vector<1280x64xf32>
    %mul3A_65 = arith.mulf %add3A_64, %add3A_64 : vector<1280x64xf32>
    %dot_general3A_66 = arith.constant dense<0.000000e+00> : vector<1280x64xf32>
    %dot_general3A_67 = tpu.matmul %mul3A_65, %broadcast_in_dim3A_25, %dot_general3A_66 {dimension_numbers = #tpu.dot_dimension_numbers<[1], [0], [0], [1], [0, 0, 1, 1], [], []>, transpose_lhs_hint = false} : vector<1280x64xf32>, vector<64x64xf32>, vector<1280x64xf32> -> vector<1280x64xf32>
    %sqrt3A_68 = math.sqrt %dot_general3A_67 : vector<1280x64xf32>
    %max3A_69 = arith.constant 9.99999996E-13 : f32
    %max3A_70 = vector.broadcast %max3A_69 : f32 to vector<1280x64xf32>
    %max3A_71 = arith.maximumf %sqrt3A_68, %max3A_70 : vector<1280x64xf32>
    %div3A_72 = arith.divf %add3A_64, %max3A_71 : vector<1280x64xf32>
    %sub3A_73 = arith.constant 1.000000e+00 : f32
    %sub3A_74 = vector.broadcast %sub3A_73 : f32 to vector<1280x64xf32>
    %sub3A_75 = arith.subf %div3A_72, %sub3A_74 : vector<1280x64xf32>
    %exp3A_76 = math.exp %sub3A_75 : vector<1280x64xf32>
    %dot_general3A_77 = arith.constant dense<0.000000e+00> : vector<1280x64xf32>
    %dot_general3A_78 = tpu.matmul %exp3A_76, %broadcast_in_dim3A_25, %dot_general3A_77 {dimension_numbers = #tpu.dot_dimension_numbers<[1], [0], [0], [1], [0, 0, 1, 1], [], []>, transpose_lhs_hint = false} : vector<1280x64xf32>, vector<64x64xf32>, vector<1280x64xf32> -> vector<1280x64xf32>
    %log3A_79 = math.log %dot_general3A_78 : vector<1280x64xf32>
    %add3A_80 = arith.constant 1.000000e+00 : f32
    %add3A_81 = vector.broadcast %add3A_80 : f32 to vector<1280x64xf32>
    %add3A_82 = arith.addf %log3A_79, %add3A_81 : vector<1280x64xf32>
    %sub3A_83 = arith.subf %div3A_72, %add3A_82 : vector<1280x64xf32>
    %swap3A_84 = arith.constant 1280 : index
    %swap3A_85 = arith.constant 0 : index
    %swap3A_86 = vector.load %arg5[%swap3A_84, %swap3A_85] : memref<10000x64xf32, #tpu.memory_space<vmem>>, vector<1280x64xf32>
    tpu.vector_store %arg5[%swap3A_84, %swap3A_85], %sub3A_83 {strides = array<i32>} : memref<10000x64xf32, #tpu.memory_space<vmem>>, vector<1280x64xf32>,
    %slice3A_87 = vector.extract_strided_slice %div3A {offsets = [0, 32], sizes = [1280, 16], strides = [1, 1]} : vector<1280x128xf32> to vector<1280x16xf32>
    %slice3A_88 = vector.extract_strided_slice %get3A_24 {offsets = [0, 32], sizes = [1280, 16], strides = [1, 1]} : vector<1280x128xf32> to vector<1280x16xf32>
    %concatenate3A_89 = tpu.concatenate %slice3A_87, %slice3A_88 in 1 : vector<1280x16xf32>, vector<1280x16xf32> -> vector<1280x32xf32>
    %get3A_90 = arith.constant 0 : index
    %get3A_91 = arith.constant 0 : index
    %get3A_92 = vector.load %arg3[%get3A_90, %get3A_91] : memref<32x64xf32, #tpu.memory_space<vmem>>, vector<32x64xf32>
    %dot_general3A_93 = arith.constant dense<0.000000e+00> : vector<1280x64xf32>
    %dot_general3A_94 = tpu.matmul %concatenate3A_89, %get3A_92, %dot_general3A_93 {dimension_numbers = #tpu.dot_dimension_numbers<[1], [0], [0], [1], [0, 0, 1, 1], [], []>, transpose_lhs_hint = false} : vector<1280x32xf32>, vector<32x64xf32>, vector<1280x64xf32> -> vector<1280x64xf32>
    %get3A_95 = arith.constant 0 : index
    %get3A_96 = arith.constant 0 : index
    %get3A_97 = vector.load %arg4[%get3A_95, %get3A_96] : memref<1x64xf32, #tpu.memory_space<vmem>>, vector<1x64xf32>
    %add3A_98 = vector.broadcast %get3A_97 : vector<1x64xf32> to vector<1280x64xf32>
    %add3A_99 = arith.addf %dot_general3A_94, %add3A_98 : vector<1280x64xf32>
    %mul3A_100 = arith.mulf %add3A_99, %add3A_99 : vector<1280x64xf32>
    %dot_general3A_101 = arith.constant dense<0.000000e+00> : vector<1280x64xf32>
    %dot_general3A_102 = tpu.matmul %mul3A_100, %broadcast_in_dim3A_25, %dot_general3A_101 {dimension_numbers = #tpu.dot_dimension_numbers<[1], [0], [0], [1], [0, 0, 1, 1], [], []>, transpose_lhs_hint = false} : vector<1280x64xf32>, vector<64x64xf32>, vector<1280x64xf32> -> vector<1280x64xf32>
    %sqrt3A_103 = math.sqrt %dot_general3A_102 : vector<1280x64xf32>
    %max3A_104 = arith.constant 9.99999996E-13 : f32
    %max3A_105 = vector.broadcast %max3A_104 : f32 to vector<1280x64xf32>
    %max3A_106 = arith.maximumf %sqrt3A_103, %max3A_105 : vector<1280x64xf32>
    %div3A_107 = arith.divf %add3A_99, %max3A_106 : vector<1280x64xf32>
    %sub3A_108 = arith.constant 1.000000e+00 : f32
    %sub3A_109 = vector.broadcast %sub3A_108 : f32 to vector<1280x64xf32>
    %sub3A_110 = arith.subf %div3A_107, %sub3A_109 : vector<1280x64xf32>
    %exp3A_111 = math.exp %sub3A_110 : vector<1280x64xf32>
    %dot_general3A_112 = arith.constant dense<0.000000e+00> : vector<1280x64xf32>
    %dot_general3A_113 = tpu.matmul %exp3A_111, %broadcast_in_dim3A_25, %dot_general3A_112 {dimension_numbers = #tpu.dot_dimension_numbers<[1], [0], [0], [1], [0, 0, 1, 1], [], []>, transpose_lhs_hint = false} : vector<1280x64xf32>, vector<64x64xf32>, vector<1280x64xf32> -> vector<1280x64xf32>
    %log3A_114 = math.log %dot_general3A_113 : vector<1280x64xf32>
    %add3A_115 = arith.constant 1.000000e+00 : f32
    %add3A_116 = vector.broadcast %add3A_115 : f32 to vector<1280x64xf32>
    %add3A_117 = arith.addf %log3A_114, %add3A_116 : vector<1280x64xf32>
    %sub3A_118 = arith.subf %div3A_107, %add3A_117 : vector<1280x64xf32>
    %swap3A_119 = arith.constant 2560 : index
    %swap3A_120 = arith.constant 0 : index
    %swap3A_121 = vector.load %arg5[%swap3A_119, %swap3A_120] : memref<10000x64xf32, #tpu.memory_space<vmem>>, vector<1280x64xf32>
    tpu.vector_store %arg5[%swap3A_119, %swap3A_120], %sub3A_118 {strides = array<i32>} : memref<10000x64xf32, #tpu.memory_space<vmem>>, vector<1280x64xf32>,
    %slice3A_122 = vector.extract_strided_slice %div3A {offsets = [0, 48], sizes = [1280, 16], strides = [1, 1]} : vector<1280x128xf32> to vector<1280x16xf32>
    %slice3A_123 = vector.extract_strided_slice %get3A_24 {offsets = [0, 48], sizes = [1280, 16], strides = [1, 1]} : vector<1280x128xf32> to vector<1280x16xf32>
    %concatenate3A_124 = tpu.concatenate %slice3A_122, %slice3A_123 in 1 : vector<1280x16xf32>, vector<1280x16xf32> -> vector<1280x32xf32>
    %get3A_125 = arith.constant 0 : index
    %get3A_126 = arith.constant 0 : index
    %get3A_127 = vector.load %arg3[%get3A_125, %get3A_126] : memref<32x64xf32, #tpu.memory_space<vmem>>, vector<32x64xf32>
    %dot_general3A_128 = arith.constant dense<0.000000e+00> : vector<1280x64xf32>
    %dot_general3A_129 = tpu.matmul %concatenate3A_124, %get3A_127, %dot_general3A_128 {dimension_numbers = #tpu.dot_dimension_numbers<[1], [0], [0], [1], [0, 0, 1, 1], [], []>, transpose_lhs_hint = false} : vector<1280x32xf32>, vector<32x64xf32>, vector<1280x64xf32> -> vector<1280x64xf32>
    %get3A_130 = arith.constant 0 : index
    %get3A_131 = arith.constant 0 : index
    %get3A_132 = vector.load %arg4[%get3A_130, %get3A_131] : memref<1x64xf32, #tpu.memory_space<vmem>>, vector<1x64xf32>
    %add3A_133 = vector.broadcast %get3A_132 : vector<1x64xf32> to vector<1280x64xf32>
    %add3A_134 = arith.addf %dot_general3A_129, %add3A_133 : vector<1280x64xf32>
    %mul3A_135 = arith.mulf %add3A_134, %add3A_134 : vector<1280x64xf32>
    %dot_general3A_136 = arith.constant dense<0.000000e+00> : vector<1280x64xf32>
    %dot_general3A_137 = tpu.matmul %mul3A_135, %broadcast_in_dim3A_25, %dot_general3A_136 {dimension_numbers = #tpu.dot_dimension_numbers<[1], [0], [0], [1], [0, 0, 1, 1], [], []>, transpose_lhs_hint = false} : vector<1280x64xf32>, vector<64x64xf32>, vector<1280x64xf32> -> vector<1280x64xf32>
    %sqrt3A_138 = math.sqrt %dot_general3A_137 : vector<1280x64xf32>
    %max3A_139 = arith.constant 9.99999996E-13 : f32
    %max3A_140 = vector.broadcast %max3A_139 : f32 to vector<1280x64xf32>
    %max3A_141 = arith.maximumf %sqrt3A_138, %max3A_140 : vector<1280x64xf32>
    %div3A_142 = arith.divf %add3A_134, %max3A_141 : vector<1280x64xf32>
    %sub3A_143 = arith.constant 1.000000e+00 : f32
    %sub3A_144 = vector.broadcast %sub3A_143 : f32 to vector<1280x64xf32>
    %sub3A_145 = arith.subf %div3A_142, %sub3A_144 : vector<1280x64xf32>
    %exp3A_146 = math.exp %sub3A_145 : vector<1280x64xf32>
    %dot_general3A_147 = arith.constant dense<0.000000e+00> : vector<1280x64xf32>
    %dot_general3A_148 = tpu.matmul %exp3A_146, %broadcast_in_dim3A_25, %dot_general3A_147 {dimension_numbers = #tpu.dot_dimension_numbers<[1], [0], [0], [1], [0, 0, 1, 1], [], []>, transpose_lhs_hint = false} : vector<1280x64xf32>, vector<64x64xf32>, vector<1280x64xf32> -> vector<1280x64xf32>
    %log3A_149 = math.log %dot_general3A_148 : vector<1280x64xf32>
    %add3A_150 = arith.constant 1.000000e+00 : f32
    %add3A_151 = vector.broadcast %add3A_150 : f32 to vector<1280x64xf32>
    %add3A_152 = arith.addf %log3A_149, %add3A_151 : vector<1280x64xf32>
    %sub3A_153 = arith.subf %div3A_142, %add3A_152 : vector<1280x64xf32>
    %swap3A_154 = arith.constant 3840 : index
    %swap3A_155 = arith.constant 0 : index
    %swap3A_156 = vector.load %arg5[%swap3A_154, %swap3A_155] : memref<10000x64xf32, #tpu.memory_space<vmem>>, vector<1280x64xf32>
    tpu.vector_store %arg5[%swap3A_154, %swap3A_155], %sub3A_153 {strides = array<i32>} : memref<10000x64xf32, #tpu.memory_space<vmem>>, vector<1280x64xf32>,
    %slice3A_157 = vector.extract_strided_slice %div3A {offsets = [0, 64], sizes = [1280, 16], strides = [1, 1]} : vector<1280x128xf32> to vector<1280x16xf32>
    %slice3A_158 = vector.extract_strided_slice %get3A_24 {offsets = [0, 64], sizes = [1280, 16], strides = [1, 1]} : vector<1280x128xf32> to vector<1280x16xf32>
    %concatenate3A_159 = tpu.concatenate %slice3A_157, %slice3A_158 in 1 : vector<1280x16xf32>, vector<1280x16xf32> -> vector<1280x32xf32>
    %get3A_160 = arith.constant 0 : index
    %get3A_161 = arith.constant 0 : index
    %get3A_162 = vector.load %arg3[%get3A_160, %get3A_161] : memref<32x64xf32, #tpu.memory_space<vmem>>, vector<32x64xf32>
    %dot_general3A_163 = arith.constant dense<0.000000e+00> : vector<1280x64xf32>
    %dot_general3A_164 = tpu.matmul %concatenate3A_159, %get3A_162, %dot_general3A_163 {dimension_numbers = #tpu.dot_dimension_numbers<[1], [0], [0], [1], [0, 0, 1, 1], [], []>, transpose_lhs_hint = false} : vector<1280x32xf32>, vector<32x64xf32>, vector<1280x64xf32> -> vector<1280x64xf32>
    %get3A_165 = arith.constant 0 : index
    %get3A_166 = arith.constant 0 : index
    %get3A_167 = vector.load %arg4[%get3A_165, %get3A_166] : memref<1x64xf32, #tpu.memory_space<vmem>>, vector<1x64xf32>
    %add3A_168 = vector.broadcast %get3A_167 : vector<1x64xf32> to vector<1280x64xf32>
    %add3A_169 = arith.addf %dot_general3A_164, %add3A_168 : vector<1280x64xf32>
    %mul3A_170 = arith.mulf %add3A_169, %add3A_169 : vector<1280x64xf32>
    %dot_general3A_171 = arith.constant dense<0.000000e+00> : vector<1280x64xf32>
    %dot_general3A_172 = tpu.matmul %mul3A_170, %broadcast_in_dim3A_25, %dot_general3A_171 {dimension_numbers = #tpu.dot_dimension_numbers<[1], [0], [0], [1], [0, 0, 1, 1], [], []>, transpose_lhs_hint = false} : vector<1280x64xf32>, vector<64x64xf32>, vector<1280x64xf32> -> vector<1280x64xf32>
    %sqrt3A_173 = math.sqrt %dot_general3A_172 : vector<1280x64xf32>
    %max3A_174 = arith.constant 9.99999996E-13 : f32
    %max3A_175 = vector.broadcast %max3A_174 : f32 to vector<1280x64xf32>
    %max3A_176 = arith.maximumf %sqrt3A_173, %max3A_175 : vector<1280x64xf32>
    %div3A_177 = arith.divf %add3A_169, %max3A_176 : vector<1280x64xf32>
    %sub3A_178 = arith.constant 1.000000e+00 : f32
    %sub3A_179 = vector.broadcast %sub3A_178 : f32 to vector<1280x64xf32>
    %sub3A_180 = arith.subf %div3A_177, %sub3A_179 : vector<1280x64xf32>
    %exp3A_181 = math.exp %sub3A_180 : vector<1280x64xf32>
    %dot_general3A_182 = arith.constant dense<0.000000e+00> : vector<1280x64xf32>
    %dot_general3A_183 = tpu.matmul %exp3A_181, %broadcast_in_dim3A_25, %dot_general3A_182 {dimension_numbers = #tpu.dot_dimension_numbers<[1], [0], [0], [1], [0, 0, 1, 1], [], []>, transpose_lhs_hint = false} : vector<1280x64xf32>, vector<64x64xf32>, vector<1280x64xf32> -> vector<1280x64xf32>
    %log3A_184 = math.log %dot_general3A_183 : vector<1280x64xf32>
    %add3A_185 = arith.constant 1.000000e+00 : f32
    %add3A_186 = vector.broadcast %add3A_185 : f32 to vector<1280x64xf32>
    %add3A_187 = arith.addf %log3A_184, %add3A_186 : vector<1280x64xf32>
    %sub3A_188 = arith.subf %div3A_177, %add3A_187 : vector<1280x64xf32>
    %swap3A_189 = arith.constant 5120 : index
    %swap3A_190 = arith.constant 0 : index
    %swap3A_191 = vector.load %arg5[%swap3A_189, %swap3A_190] : memref<10000x64xf32, #tpu.memory_space<vmem>>, vector<1280x64xf32>
    tpu.vector_store %arg5[%swap3A_189, %swap3A_190], %sub3A_188 {strides = array<i32>} : memref<10000x64xf32, #tpu.memory_space<vmem>>, vector<1280x64xf32>,
    %slice3A_192 = vector.extract_strided_slice %div3A {offsets = [0, 80], sizes = [1280, 16], strides = [1, 1]} : vector<1280x128xf32> to vector<1280x16xf32>
    %slice3A_193 = vector.extract_strided_slice %get3A_24 {offsets = [0, 80], sizes = [1280, 16], strides = [1, 1]} : vector<1280x128xf32> to vector<1280x16xf32>
    %concatenate3A_194 = tpu.concatenate %slice3A_192, %slice3A_193 in 1 : vector<1280x16xf32>, vector<1280x16xf32> -> vector<1280x32xf32>
    %get3A_195 = arith.constant 0 : index
    %get3A_196 = arith.constant 0 : index
    %get3A_197 = vector.load %arg3[%get3A_195, %get3A_196] : memref<32x64xf32, #tpu.memory_space<vmem>>, vector<32x64xf32>
    %dot_general3A_198 = arith.constant dense<0.000000e+00> : vector<1280x64xf32>
    %dot_general3A_199 = tpu.matmul %concatenate3A_194, %get3A_197, %dot_general3A_198 {dimension_numbers = #tpu.dot_dimension_numbers<[1], [0], [0], [1], [0, 0, 1, 1], [], []>, transpose_lhs_hint = false} : vector<1280x32xf32>, vector<32x64xf32>, vector<1280x64xf32> -> vector<1280x64xf32>
    %get3A_200 = arith.constant 0 : index
    %get3A_201 = arith.constant 0 : index
    %get3A_202 = vector.load %arg4[%get3A_200, %get3A_201] : memref<1x64xf32, #tpu.memory_space<vmem>>, vector<1x64xf32>
    %add3A_203 = vector.broadcast %get3A_202 : vector<1x64xf32> to vector<1280x64xf32>
    %add3A_204 = arith.addf %dot_general3A_199, %add3A_203 : vector<1280x64xf32>
    %mul3A_205 = arith.mulf %add3A_204, %add3A_204 : vector<1280x64xf32>
    %dot_general3A_206 = arith.constant dense<0.000000e+00> : vector<1280x64xf32>
    %dot_general3A_207 = tpu.matmul %mul3A_205, %broadcast_in_dim3A_25, %dot_general3A_206 {dimension_numbers = #tpu.dot_dimension_numbers<[1], [0], [0], [1], [0, 0, 1, 1], [], []>, transpose_lhs_hint = false} : vector<1280x64xf32>, vector<64x64xf32>, vector<1280x64xf32> -> vector<1280x64xf32>
    %sqrt3A_208 = math.sqrt %dot_general3A_207 : vector<1280x64xf32>
    %max3A_209 = arith.constant 9.99999996E-13 : f32
    %max3A_210 = vector.broadcast %max3A_209 : f32 to vector<1280x64xf32>
    %max3A_211 = arith.maximumf %sqrt3A_208, %max3A_210 : vector<1280x64xf32>
    %div3A_212 = arith.divf %add3A_204, %max3A_211 : vector<1280x64xf32>
    %sub3A_213 = arith.constant 1.000000e+00 : f32
    %sub3A_214 = vector.broadcast %sub3A_213 : f32 to vector<1280x64xf32>
    %sub3A_215 = arith.subf %div3A_212, %sub3A_214 : vector<1280x64xf32>
    %exp3A_216 = math.exp %sub3A_215 : vector<1280x64xf32>
    %dot_general3A_217 = arith.constant dense<0.000000e+00> : vector<1280x64xf32>
    %dot_general3A_218 = tpu.matmul %exp3A_216, %broadcast_in_dim3A_25, %dot_general3A_217 {dimension_numbers = #tpu.dot_dimension_numbers<[1], [0], [0], [1], [0, 0, 1, 1], [], []>, transpose_lhs_hint = false} : vector<1280x64xf32>, vector<64x64xf32>, vector<1280x64xf32> -> vector<1280x64xf32>
    %log3A_219 = math.log %dot_general3A_218 : vector<1280x64xf32>
    %add3A_220 = arith.constant 1.000000e+00 : f32
    %add3A_221 = vector.broadcast %add3A_220 : f32 to vector<1280x64xf32>
    %add3A_222 = arith.addf %log3A_219, %add3A_221 : vector<1280x64xf32>
    %sub3A_223 = arith.subf %div3A_212, %add3A_222 : vector<1280x64xf32>
    %swap3A_224 = arith.constant 6400 : index
    %swap3A_225 = arith.constant 0 : index
    %swap3A_226 = vector.load %arg5[%swap3A_224, %swap3A_225] : memref<10000x64xf32, #tpu.memory_space<vmem>>, vector<1280x64xf32>
    tpu.vector_store %arg5[%swap3A_224, %swap3A_225], %sub3A_223 {strides = array<i32>} : memref<10000x64xf32, #tpu.memory_space<vmem>>, vector<1280x64xf32>,
    %slice3A_227 = vector.extract_strided_slice %div3A {offsets = [0, 96], sizes = [1280, 16], strides = [1, 1]} : vector<1280x128xf32> to vector<1280x16xf32>
    %slice3A_228 = vector.extract_strided_slice %get3A_24 {offsets = [0, 96], sizes = [1280, 16], strides = [1, 1]} : vector<1280x128xf32> to vector<1280x16xf32>
    %concatenate3A_229 = tpu.concatenate %slice3A_227, %slice3A_228 in 1 : vector<1280x16xf32>, vector<1280x16xf32> -> vector<1280x32xf32>
    %get3A_230 = arith.constant 0 : index
    %get3A_231 = arith.constant 0 : index
    %get3A_232 = vector.load %arg3[%get3A_230, %get3A_231] : memref<32x64xf32, #tpu.memory_space<vmem>>, vector<32x64xf32>
    %dot_general3A_233 = arith.constant dense<0.000000e+00> : vector<1280x64xf32>
    %dot_general3A_234 = tpu.matmul %concatenate3A_229, %get3A_232, %dot_general3A_233 {dimension_numbers = #tpu.dot_dimension_numbers<[1], [0], [0], [1], [0, 0, 1, 1], [], []>, transpose_lhs_hint = false} : vector<1280x32xf32>, vector<32x64xf32>, vector<1280x64xf32> -> vector<1280x64xf32>
    %get3A_235 = arith.constant 0 : index
    %get3A_236 = arith.constant 0 : index
    %get3A_237 = vector.load %arg4[%get3A_235, %get3A_236] : memref<1x64xf32, #tpu.memory_space<vmem>>, vector<1x64xf32>
    %add3A_238 = vector.broadcast %get3A_237 : vector<1x64xf32> to vector<1280x64xf32>
    %add3A_239 = arith.addf %dot_general3A_234, %add3A_238 : vector<1280x64xf32>
    %mul3A_240 = arith.mulf %add3A_239, %add3A_239 : vector<1280x64xf32>
    %dot_general3A_241 = arith.constant dense<0.000000e+00> : vector<1280x64xf32>
    %dot_general3A_242 = tpu.matmul %mul3A_240, %broadcast_in_dim3A_25, %dot_general3A_241 {dimension_numbers = #tpu.dot_dimension_numbers<[1], [0], [0], [1], [0, 0, 1, 1], [], []>, transpose_lhs_hint = false} : vector<1280x64xf32>, vector<64x64xf32>, vector<1280x64xf32> -> vector<1280x64xf32>
    %sqrt3A_243 = math.sqrt %dot_general3A_242 : vector<1280x64xf32>
    %max3A_244 = arith.constant 9.99999996E-13 : f32
    %max3A_245 = vector.broadcast %max3A_244 : f32 to vector<1280x64xf32>
    %max3A_246 = arith.maximumf %sqrt3A_243, %max3A_245 : vector<1280x64xf32>
    %div3A_247 = arith.divf %add3A_239, %max3A_246 : vector<1280x64xf32>
    %sub3A_248 = arith.constant 1.000000e+00 : f32
    %sub3A_249 = vector.broadcast %sub3A_248 : f32 to vector<1280x64xf32>
    %sub3A_250 = arith.subf %div3A_247, %sub3A_249 : vector<1280x64xf32>
    %exp3A_251 = math.exp %sub3A_250 : vector<1280x64xf32>
    %dot_general3A_252 = arith.constant dense<0.000000e+00> : vector<1280x64xf32>
    %dot_general3A_253 = tpu.matmul %exp3A_251, %broadcast_in_dim3A_25, %dot_general3A_252 {dimension_numbers = #tpu.dot_dimension_numbers<[1], [0], [0], [1], [0, 0, 1, 1], [], []>, transpose_lhs_hint = false} : vector<1280x64xf32>, vector<64x64xf32>, vector<1280x64xf32> -> vector<1280x64xf32>
    %log3A_254 = math.log %dot_general3A_253 : vector<1280x64xf32>
    %add3A_255 = arith.constant 1.000000e+00 : f32
    %add3A_256 = vector.broadcast %add3A_255 : f32 to vector<1280x64xf32>
    %add3A_257 = arith.addf %log3A_254, %add3A_256 : vector<1280x64xf32>
    %sub3A_258 = arith.subf %div3A_247, %add3A_257 : vector<1280x64xf32>
    %swap3A_259 = arith.constant 7680 : index
    %swap3A_260 = arith.constant 0 : index
    %swap3A_261 = vector.load %arg5[%swap3A_259, %swap3A_260] : memref<10000x64xf32, #tpu.memory_space<vmem>>, vector<1280x64xf32>
    tpu.vector_store %arg5[%swap3A_259, %swap3A_260], %sub3A_258 {strides = array<i32>} : memref<10000x64xf32, #tpu.memory_space<vmem>>, vector<1280x64xf32>,
    %slice3A_262 = vector.extract_strided_slice %div3A {offsets = [0, 112], sizes = [1280, 16], strides = [1, 1]} : vector<1280x128xf32> to vector<1280x16xf32>
    %slice3A_263 = vector.extract_strided_slice %get3A_24 {offsets = [0, 112], sizes = [1280, 16], strides = [1, 1]} : vector<1280x128xf32> to vector<1280x16xf32>
    %concatenate3A_264 = tpu.concatenate %slice3A_262, %slice3A_263 in 1 : vector<1280x16xf32>, vector<1280x16xf32> -> vector<1280x32xf32>
    %get3A_265 = arith.constant 0 : index
    %get3A_266 = arith.constant 0 : index
    %get3A_267 = vector.load %arg3[%get3A_265, %get3A_266] : memref<32x64xf32, #tpu.memory_space<vmem>>, vector<32x64xf32>
    %dot_general3A_268 = arith.constant dense<0.000000e+00> : vector<1280x64xf32>
    %dot_general3A_269 = tpu.matmul %concatenate3A_264, %get3A_267, %dot_general3A_268 {dimension_numbers = #tpu.dot_dimension_numbers<[1], [0], [0], [1], [0, 0, 1, 1], [], []>, transpose_lhs_hint = false} : vector<1280x32xf32>, vector<32x64xf32>, vector<1280x64xf32> -> vector<1280x64xf32>
    %get3A_270 = arith.constant 0 : index
    %get3A_271 = arith.constant 0 : index
    %get3A_272 = vector.load %arg4[%get3A_270, %get3A_271] : memref<1x64xf32, #tpu.memory_space<vmem>>, vector<1x64xf32>
    %add3A_273 = vector.broadcast %get3A_272 : vector<1x64xf32> to vector<1280x64xf32>
    %add3A_274 = arith.addf %dot_general3A_269, %add3A_273 : vector<1280x64xf32>
    %mul3A_275 = arith.mulf %add3A_274, %add3A_274 : vector<1280x64xf32>
    %dot_general3A_276 = arith.constant dense<0.000000e+00> : vector<1280x64xf32>
    %dot_general3A_277 = tpu.matmul %mul3A_275, %broadcast_in_dim3A_25, %dot_general3A_276 {dimension_numbers = #tpu.dot_dimension_numbers<[1], [0], [0], [1], [0, 0, 1, 1], [], []>, transpose_lhs_hint = false} : vector<1280x64xf32>, vector<64x64xf32>, vector<1280x64xf32> -> vector<1280x64xf32>
    %sqrt3A_278 = math.sqrt %dot_general3A_277 : vector<1280x64xf32>
    %max3A_279 = arith.constant 9.99999996E-13 : f32
    %max3A_280 = vector.broadcast %max3A_279 : f32 to vector<1280x64xf32>
    %max3A_281 = arith.maximumf %sqrt3A_278, %max3A_280 : vector<1280x64xf32>
    %div3A_282 = arith.divf %add3A_274, %max3A_281 : vector<1280x64xf32>
    %sub3A_283 = arith.constant 1.000000e+00 : f32
    %sub3A_284 = vector.broadcast %sub3A_283 : f32 to vector<1280x64xf32>
    %sub3A_285 = arith.subf %div3A_282, %sub3A_284 : vector<1280x64xf32>
    %exp3A_286 = math.exp %sub3A_285 : vector<1280x64xf32>
    %dot_general3A_287 = arith.constant dense<0.000000e+00> : vector<1280x64xf32>
    %dot_general3A_288 = tpu.matmul %exp3A_286, %broadcast_in_dim3A_25, %dot_general3A_287 {dimension_numbers = #tpu.dot_dimension_numbers<[1], [0], [0], [1], [0, 0, 1, 1], [], []>, transpose_lhs_hint = false} : vector<1280x64xf32>, vector<64x64xf32>, vector<1280x64xf32> -> vector<1280x64xf32>
    %log3A_289 = math.log %dot_general3A_288 : vector<1280x64xf32>
    %add3A_290 = arith.constant 1.000000e+00 : f32
    %add3A_291 = vector.broadcast %add3A_290 : f32 to vector<1280x64xf32>
    %add3A_292 = arith.addf %log3A_289, %add3A_291 : vector<1280x64xf32>
    %sub3A_293 = arith.subf %div3A_282, %add3A_292 : vector<1280x64xf32>
    %slice3A_294 = vector.extract_strided_slice %sub3A_293 {offsets = [0, 0], sizes = [1040, 64], strides = [1, 1]} : vector<1280x64xf32> to vector<1040x64xf32>
    %swap3A_295 = arith.constant 8960 : index
    %swap3A_296 = arith.constant 0 : index
    %swap3A_297 = vector.load %arg5[%swap3A_295, %swap3A_296] : memref<10000x64xf32, #tpu.memory_space<vmem>>, vector<1040x64xf32>
    tpu.vector_store %arg5[%swap3A_295, %swap3A_296], %slice3A_294 {strides = array<i32>} : memref<10000x64xf32, #tpu.memory_space<vmem>>, vector<1040x64xf32>,
    return
  }
}

</mosaic_0001>

<sc_bundles>
// kernel: kernel.10.cloned.1.call-start
scs
__scs_entry_jumppad:
0x0: {  	(pc) =	sbr.rel $0x88, $3  }
0x1: {  	(tag) =	ssettag $0x0;
	lr =	simm.s32 $0x1  }
0x2: {  	[smem:$0x3F99] =	sst lr;
	_ =	strace $0xD0000000  }
0x3: {  	_ = 	snop  }
0x4: {  	_ = 	snop  }
0x5: {  	_ = 	snop  }
0x6: {  	_ = 	snop  }
0x7: {  	_ = 	snop  }
__scs_overlays_trampoline_lowered:
0x8: {  	[smem:$0x3FA8] =	sst s0  }
0x9: {  	[smem:$0x3FA9] =	sst s1  }
0xa: {  	[smem:$0x3FAA] =	sst s2  }
0xb: {  	[smem:$0x3FAB] =	sst s3  }
0xc: {  	[smem:$0x3FAC] =	sst s4  }
0xd: {  	[smem:$0x3FAD] =	sst s5  }
0xe: {  	[smem:$0x3FAE] =	sst s6  }
0xf: {  	[smem:$0x3FAF] =	sst s7  }
0x10: {  	[smem:$0x3FB0] =	sst s8  }
0x11: {  	[smem:$0x3FB1] =	sst s9;
	s0 =	simm.s32 @!p0 $0x0  }
0x12: {  	s1 =	sld [smem:$0x3F97];
	s0 =	simm.s32 @p0 $0x1  }
0x13: {  	[smem:$0x3FB2] =	sst s0;
	s0 =	simm.s32 @!p1 $0x0  }
0x14: {  	s2 =	sld [smem:$0x3F96];
	s0 =	simm.s32 @p1 $0x1  }
0x15: {  	[smem:$0x3FB3] =	sst s0;
	s0 =	simm.s32 @!p2 $0x0  }
0x16: {  	s3 =	sld [smem:$0x3FDB];
	s0 =	simm.s32 @p2 $0x1  }
0x17: {  	s4 =	simm.s32 $0x1BF5;
	[smem:$0x3FB5] =	sst s0  }
0x18: {  	s0 =	sld [smem:$0x3F98];
	_ =	swait.ge [sflag:s4], $0x0  }
0x19: {  	s7 =	sld [smem:$0x3F99]  }
0x1a: {  	s8 =	sadd.s32 $0xFFFFE003, lr  }
0x1b: {  	s9 =	sadd.s32 $0xFFFFFEF7, lr;
	s5 =	simm.s32 $0xFFFFFFFF;
	p2 =	slt.u32 s8, $0xFFFFF086  }
0x1c: {  	p1 =	slt.u32 s9, $0xF7A;
	s5 =	simm.s32 @!p2 $0x0  }
0x1d: {  	s5 =	simm.s32 @p1 $0x1;
	p0 =	seq.s32 s7, s2  }
0x1e: {  	s7 =	smul.u32 @!p0 $0xF7A, s2;
	p2 =	seq.s32 @!p0 s5, $0x0  }
0x1f: {  	s9 =	smul.u32 $0xF7A, s1;
	s8 =	simm.s32 @!p0 $0x1BF5;
	p2 =	por !p2, p0  }
0x20: {  	[sflag:s8] =	ssyncset.s32 @!p0 $0xFFFFF086;
	s6 =	sadd.s32 @!p0 s3, s7;
	s7 =	simm.s32 @!p0 $0x108  }
0x21: {  	s3 =	sadd.s32 s3, s9;
	s6 =	sadd.s32 @!p0 $0x88, s6;
	s7 =	simm.s32 @p2 $0x1082  }
0x22: {  	[simem:s7], [sflag:s8] =	dma.local @!p0 [hbm:s6], $0xF7A  }
0x23: {  	s9 =	sor.u32 $0xD0000000, s2;
	s6 =	simm.s32 $0x108;
	_ =	swait.ge @!p0 [sflag:s8], $0x0  }
0x24: {  	s3 =	sadd.s32 $0x88, s3;
	s6 =	simm.s32 @!p1 $0x1082;
	[sflag:s4] =	ssyncset.s32 $0xFFFFF086  }
0x25: {  	[simem:s6], [sflag:s4] =	dma.local [hbm:s3], $0xF7A  }
0x26: {  	[smem:$0x3F99] =	sst s1;
	(tag) =	ssettag s2;
	_ =	strace s9  }
0x27: {  	s1 =	sld [smem:$0x3FA9]  }
0x28: {  	s2 =	sld [smem:$0x3FAA]  }
0x29: {  	s4 =	sld [smem:$0x3FAC]  }
0x2a: {  	p0 =	seq.s32 s5, $0x0;
	s5 =	sld [smem:$0x3FAD]  }
0x2b: {  	s6 =	sld [smem:$0x3FAE]  }
0x2c: {  	s7 =	sld [smem:$0x3FAF]  }
0x2d: {  	s3 =	simm.s32 $0x108;
	s8 =	sld [smem:$0x3FB0]  }
0x2e: {  	s3 =	simm.s32 @!p0 $0x1082;
	s9 =	sld [smem:$0x3FB1]  }
0x2f: {  	lr =	sadd.s32 s0, s3;
	s0 =	sld [smem:$0x3FA8]  }
0x30: {  	s3 =	sld [smem:$0x3FAB]  }
0x31: {  	[smem:$0x3FB4] =	sst s10  }
0x32: {  	s10 =	sld [smem:$0x3FB2];
	_ =	sdelay $0x3  }
0x33: {  	p0 =	seq.s32 s10, $0x1;
	s10 =	sld [smem:$0x3FB4];
	_ =	sdelay $0x3  }
0x34: {  	[smem:$0x3FB4] =	sst s10  }
0x35: {  	s10 =	sld [smem:$0x3FB3];
	_ =	sdelay $0x3  }
0x36: {  	p1 =	seq.s32 s10, $0x1;
	s10 =	sld [smem:$0x3FB4];
	_ =	sdelay $0x3  }
0x37: {  	[smem:$0x3FB4] =	sst s10  }
0x38: {  	s10 =	sld [smem:$0x3FB5]  }
0x39: {  	_ = 	snop;
	(pc) =	sbr.ind lr, $3  }
0x3a: {  	_ = 	snop  }
0x3b: {  	_ = 	snop  }
0x3c: {  	p2 =	seq.s32 s10, $0x1;
	s10 =	sld [smem:$0x3FB4]  }
0x3d: {  	_ =	shalt  }
0x3e: {  	_ =	shalt  }
0x3f: {  	_ =	shalt  }
0x40: {  	_ =	shalt  }
0x41: {  	_ =	shalt  }
0x42: {  	_ =	shalt  }
0x43: {  	_ =	shalt  }
0x44: {  	_ =	shalt  }
0x45: {  	_ =	shalt  }
0x46: {  	_ =	shalt  }
0x47: {  	_ =	shalt  }
0x48: {  	_ =	shalt  }
0x49: {  	_ =	shalt  }
0x4a: {  	_ =	shalt  }
0x4b: {  	_ =	shalt  }
0x4c: {  	_ =	shalt  }
0x4d: {  	_ =	shalt  }
0x4e: {  	_ =	shalt  }
0x4f: {  	_ =	shalt  }
0x50: {  	_ =	shalt  }
0x51: {  	_ =	shalt  }
0x52: {  	_ =	shalt  }
0x53: {  	_ =	shalt  }
0x54: {  	_ =	shalt  }
0x55: {  	_ =	shalt  }
0x56: {  	_ =	shalt  }
0x57: {  	_ =	shalt  }
0x58: {  	_ =	shalt  }
0x59: {  	_ =	shalt  }
0x5a: {  	_ =	shalt  }
0x5b: {  	_ =	shalt  }
0x5c: {  	_ =	shalt  }
0x5d: {  	_ =	shalt  }
0x5e: {  	_ =	shalt  }
0x5f: {  	_ =	shalt  }
0x60: {  	_ =	shalt  }
0x61: {  	_ =	shalt  }
0x62: {  	_ =	shalt  }
0x63: {  	_ =	shalt  }
0x64: {  	_ =	shalt  }
0x65: {  	_ =	shalt  }
0x66: {  	_ =	shalt  }
0x67: {  	_ =	shalt  }
0x68: {  	_ =	shalt  }
0x69: {  	_ =	shalt  }
0x6a: {  	_ =	shalt  }
0x6b: {  	_ =	shalt  }
0x6c: {  	_ =	shalt  }
0x6d: {  	_ =	shalt  }
0x6e: {  	_ =	shalt  }
0x6f: {  	_ =	shalt  }
0x70: {  	_ =	shalt  }
0x71: {  	_ =	shalt  }
0x72: {  	_ =	shalt  }
0x73: {  	_ =	shalt  }
0x74: {  	_ =	shalt  }
0x75: {  	_ =	shalt  }
0x76: {  	_ =	shalt  }
0x77: {  	_ =	shalt  }
0x78: {  	_ =	shalt  }
0x79: {  	_ =	shalt  }
0x7a: {  	_ =	shalt  }
0x7b: {  	_ =	shalt  }
0x7c: {  	_ =	shalt  }
0x7d: {  	_ =	shalt  }
0x7e: {  	_ =	shalt  }
0x7f: {  	_ =	shalt  }
0x80: {  	_ =	shalt  }
0x81: {  	_ =	shalt  }
0x82: {  	_ =	shalt  }
0x83: {  	_ =	shalt  }
0x84: {  	_ =	shalt  }
0x85: {  	_ =	shalt  }
0x86: {  	_ =	shalt  }
0x87: {  	_ =	shalt  }
.Lfunc_end0:
.L_simem_size_0:
called_computation.1_lowered:
.L_overlay_start_0:
0x88: {  	s2 =	sld [smem:$0x3FD9]  }
0x89: {  	s3 =	sld [smem:$0x3FFE];
	_ =	sdelay $0x1  }
0x8a: {  	s1 =	srdreg.scid  }
0x8b: {  	s0 =	sand.u32 $0x1, s1  }
0x8c: {  	s17 =	sshll.u32 s0, $0xA;
	s2 =	sadd.s32 s3, s2  }
0x8d: {  	s2 =	sadd.s32 s2, s17  }
0x8e: {  	[smem:$0x3FC0] =	sst s2  }
0x8f: {  	_ = 	snop  }
0x90: {  	s2 =	sld [smem:$0x3FD0];
	(tm) =	ssettm $0x1  }
0x91: {  	s18 =	sld [smem:$0x3FFB];
	_ =	sdelay $0x3  }
0x92: {  	_ =	strace s18  }
0x93: {  	s3 =	sld [smem:$0x3FFC];
	_ =	sdelay $0x3  }
0x94: {  	_ =	strace s3  }
0x95: {  	s3 =	sld [smem:$0x3FFD];
	_ =	sdelay $0x3  }
0x96: {  	_ =	strace s3  }
0x97: {  	_ =	strace $0x8FFFFFFF  }
0x98: {  	s19 =	sld [smem:$0x3FDB];
	_ =	sdelay $0x1  }
0x99: {  	s4 =	simm.s32 $_scs_section_size  }
0x9a: {  	s5 =	simm.s32 $_size__tile_overlayer_lowered;
	s6 =	simm.s32 $_tile_overlayer_lowered  }
0x9b: {  	s22 =	simm.s32 $0x1BFF;
	s21 =	sshll.u32 s6, $0x1;
	s3 =	sadd.s32 s4, s19  }
0x9c: {  	s7 =	simm.s32 $0x0;
	s20 =	sshll.u32 s5, $0x1;
	s5 =	sadd.s32 s21, s3  }
0x9d: {  	[timem:s7], [sflag:s22] =	dma.local [hbm:s5], s20  }
0x9e: {  	_ =	swait.ge [sflag:s22], s20  }
0x9f: {  	s4 =	ssub.s32 $0x0, s20;
	[sflag:s22] =	ssyncset.done $0x0  }
0xa0: {  	[sflag:s22] =	ssyncadd.s32 s4;
	_ =	sdelay $0x1  }
0xa1: {  	s23 =	simm.s32 $0x1B8B  }
0xa2: {  	_ =	swait.ge [sflag:s23], $0x1  }
0xa3: {  	[sflag:s23] =	ssyncset.done $0x0  }
0xa4: {  	s25 =	simm.s32 $0x1B8E;
	s24 =	sld [smem:$0x3FFE];
	[sflag:s23] =	ssyncadd.s32 $0xFFFFFFFF  }
0xa5: {  	s26 =	simm.s32 $execute0_lowered;
	[smem:$0x3FD2] =	sst s25  }
0xa6: {  	s5 =	sshll.u32 s26, $0x1;
	_ =	strace $0x80000049;
	[dreg:$0x1] =	wrdreg $0xFFFFFFFF  }
0xa7: {  	s28 =	simm.s32 $_size_execute0_lowered;
	s3 =	sadd.s32 s3, s5;
	[dreg:$0x0] =	wrdreg $0x0  }
0xa8: {  	s5 =	sshll.u32 s28, $0x1;
	[dreg:$0x2] =	wrdreg s3  }
0xa9: {  	[dreg:$0x3] =	wrdreg s5  }
0xaa: {  	[dreg:$0x4] =	wrdreg $0xC0  }
0xab: {  	_ =	task [dreg:s7], $0x5FFFF  }
0xac: {  	[dreg:$0x1] =	wrdreg $0xFFFFFFFF  }
0xad: {  	[dreg:$0x0] =	wrdreg $0x60  }
0xae: {  	[dreg:$0x2] =	wrdreg s24  }
0xaf: {  	[dreg:$0x3] =	wrdreg s2  }
0xb0: {  	[dreg:$0x4] =	wrdreg $0x4F000  }
0xb1: {  	[dreg:$0x5] =	wrdreg $0x9  }
0xb2: {  	_ =	task.clear_ibuf [dreg:s7], $0x6FFFF;
	_ =	strace $0x90000049  }
0xb3: {  	s29 =	simm.s32 $0x9;
	_ =	strace $0x8000004B  }
0xb4: {  	_ =	swait.ge [sflag:s29], $0x1  }
0xb5: {  	[sflag:s29] =	ssyncadd.s32 $0xFFFFFFFF  }
0xb6: {  	_ =	strace $0x9000004B  }
0xb7: {  	_ =	sfence  }
0xb8: {  	s30 =	sld [smem:$0x0];
	_ =	sdelay $0x2  }
0xb9: {  	s31 =	sshll.u32 s1, $0xD;
	s1 =	sshrl.u32 s1, $0x2  }
0xba: {  	s3 =	sand.u32 $0x4000, s31;
	s1 =	sadd.s32 s1, s30  }
0xbb: {  	s0 =	sor.u32 s3, s0;
	s1 =	sshll.u32 s1, $0x11  }
0xbc: {  	s0 =	sor.u32 s1, s0  }
0xbd: {  	s0 =	sadd.s32 $0x8F2B, s0  }
0xbe: {  	[sflag:s0] =	ssyncadd.remote.s32 $0x1  }
0xbf: {  	_ =	sfence.sel $0xFFFF  }
0xc0: {  	[dreg:$0x0] =	wrdreg $0xFFFFFFFF;
	(pc) =	sbr.abs _section_cstart, $3  }
0xc1: {  	[dreg:$0x1] =	wrdreg $0xFFFFFFFF  }
0xc2: {  	_ =	task.clear_ibuf [dreg:s7], $0x2FFFF;
	_ =	strace $0x9FFFFFFF  }
0xc3: {  	(tm) =	ssettm $0x7FFFFFFF  }
tec
execute0_lowered:
.L_overlay_start_1:
0x0: {  	(tag) =	ssettag $0x1  }
0x1: {  	s0 =	rddreg [dreg:$0x0]  }
0x2: {  	s1 =	rddreg [dreg:$0x1];
	s3 =	srdreg.scid  }
0x3: {  	s10 =	stileid.u32;
	s2 =	rddreg [dreg:$0x2]  }
0x4: {  	s4 =	simm.s32 $0x0;
	s24 =	simm.s32 $0x7700;
	s25 =	simm.s32 $0x7F00  }
0x5: {  	s26 =	simm.s32 $0x8700;
	s28 =	simm.s32 $0x8F00;
	s29 =	simm.s32 $0x9700  }
0x6: {  	s30 =	simm.s32 $0x9;
	s31 =	simm.s32 $0xA;
	s3 =	sand.u32 $0x1, s3  }
0x7: {  	s5 =	smul.u32 $0x2800, s10;
	[smem:$0x7FF] =	sst s4;
	s4 =	sadd.s32 $0x2800, s0  }
0x8: {  	s7 =	sshll.u32 s10, $0x1;
	_ =	strace $0x8000004A;
	[dreg:$0x4] =	wrdreg s24  }
0x9: {  	s8 =	smul.u32 $0xA000, s10;
	p0 =	sgt.u32 s10, $0x1;
	[dreg:$0x5] =	wrdreg s25  }
0xa: {  	s6 =	smul.u32 $0x28000, s3;
	s16 =	ssub.s32 $0x2, s3;
	[dreg:$0x6] =	wrdreg s26  }
0xb: {  	s3 =	sor.u32 s3, s7;
	[dreg:$0x7] =	wrdreg s28;
	s24 =	simm.s32 $0x4  }
0xc: {  	[dreg:$0x8] =	wrdreg s29;
	s25 =	simm.s32 $0x5;
	s26 =	simm.s32 $0x6  }
0xd: {  	s17 =	sshrl.u32 s16, $0x1;
	s8 =	sshrl.u32 s8, $0x2;
	s9 =	smul.u32 $0x2700, s3  }
0xe: {  	s3 =	sshll.u32 s3, $0x4;
	s6 =	sadd.s32 s5, s6;
	s18 =	sadd.s32 s8, s2  }
0xf: {  	s5 =	sadd.s32 s5, s2;
	s6 =	sshrl.u32 s6, $0x3;
	s8 =	sadd.s32 $0x800, s18  }
0x10: {  	s19 =	sadd.s32 $0x1000, s18;
	s20 =	sshrl.u32 s9, $0x3;
	[dreg:$0x9] =	wrdreg s8  }
0x11: {  	s21 =	sadd.s32 $0x1800, s18;
	s7 =	sadd.s32 $0x2000, s18;
	[dreg:$0xa] =	wrdreg s19  }
0x12: {  	s18 =	simm.s32 $0xC;
	s0 =	sadd.s32 s6, s0;
	[dreg:$0xb] =	wrdreg s21  }
0x13: {  	s6 =	ssub.s32 s16, s17;
	s8 =	sadd.s32 s1, s20;
	[dreg:$0xd] =	wrdreg s7  }
0x14: {  	s1 =	sadd.s32 s3, s1;
	[dreg:$0xc] =	wrdreg s8;
	s22 =	sadd.s32 $0x9C40, s8  }
0x15: {  	s16 =	simm.s32 $0xA700;
	s3 =	sadd.s32 $0x9C00, s1;
	[dreg:$0xe] =	wrdreg s22  }
0x16: {  	s17 =	simm.s32 $0xD;
	s1 =	sadd.s32 $0x13840, s1;
	[dreg:$0xf] =	wrdreg s3  }
0x17: {  	s19 =	simm.s32 $0x80;
	s0 =	sadd.s32 $0x7800, s0;
	[dreg:$0x10] =	wrdreg s1  }
0x18: {  	s20 =	simm.s32 $0x9F00;
	s23 =	smax.u32 s6, $0x1;
	[dreg:$0x11] =	wrdreg s0  }
0x19: {  	s21 =	simm.s32 $0x1;
	[dreg:$0x12] =	wrdreg s23;
	s22 =	simm.s32 $0x2  }
0x1a: {  	v0 =	vimm.f32 $0.0e+00;
	s23 =	simm.s32 $0x3;
	s1 =	simm.s32 $0xB;
	s0 =	simm.s32 $0x0  }
.LBB2_1:
0x1b: {  	s3 =	simm.s32 $0x40;
	s6 =	simm.s32 $0x0  }
.LBB2_2:
0x1c: {  	p1 =	sne.s32 s3, $0x1FC0;
	[tilespmem:s6+$0xA700] =	vst v0;
	s6 =	smov.u32 s3;
	s3 =	sadd.s32 $0x40, s3  }
.Ltmp0:
0x1d: {  	(pc) =	sbr.rel @p1 .LBB2_2-.Ltmp0, $2  }
0x1e: {  	_ =	sdelay $0x2  }
0x1f: {  	s6 =	sshra.s32 s6, $0x2  }
0x20: {  	[tilespmem:s6+$0xA700] =	vst v0  }
0x21: {  	[spmem:s5] =	stream.linear.scatter [tilespmem:s16], [sflag:$0xD], $0x800, $0x38;
	[tilespmem:$0xAF00] =	vst v63  }
0x22: {  	_ =	swait.ge [sflag:s17], $0x800  }
0x23: {  	[sflag:s17] =	ssyncset.done $0x0  }
0x24: {  	s3 =	rddreg [dreg:$0x9];
	[sflag:s17] =	ssyncadd.s32 $0xFFFFF800  }
0x25: {  	[spmem:s3] =	stream.linear.scatter [tilespmem:s16], [sflag:$0xD], $0x800, $0x38;
	[tilespmem:$0xAF00] =	vst v63  }
0x26: {  	_ =	swait.ge [sflag:s17], $0x800  }
0x27: {  	[sflag:s17] =	ssyncset.done $0x0  }
0x28: {  	s29 =	rddreg [dreg:$0xa];
	[sflag:s17] =	ssyncadd.s32 $0xFFFFF800  }
0x29: {  	[spmem:s29] =	stream.linear.scatter [tilespmem:s16], [sflag:$0xD], $0x800, $0x38;
	[tilespmem:$0xAF00] =	vst v63  }
0x2a: {  	_ =	swait.ge [sflag:s17], $0x800  }
0x2b: {  	[sflag:s17] =	ssyncset.done $0x0  }
0x2c: {  	s6 =	rddreg [dreg:$0xb];
	[sflag:s17] =	ssyncadd.s32 $0xFFFFF800  }
0x2d: {  	[spmem:s6] =	stream.linear.scatter [tilespmem:s16], [sflag:$0xD], $0x800, $0x38;
	[tilespmem:$0xAF00] =	vst v63  }
0x2e: {  	_ =	swait.ge [sflag:s17], $0x800  }
0x2f: {  	[sflag:s17] =	ssyncset.done $0x0  }
0x30: {  	s7 =	rddreg [dreg:$0xd];
	[sflag:s17] =	ssyncadd.s32 $0xFFFFF800  }
0x31: {  	[spmem:s7] =	stream.linear.scatter [tilespmem:s16], [sflag:$0xD], $0x800, $0x38;
	[tilespmem:$0xAF00] =	vst v63  }
0x32: {  	_ =	swait.ge [sflag:s17], $0x800  }
0x33: {  	[sflag:s17] =	ssyncset.done $0x0  }
0x34: {  	s8 =	simm.s32 $0x0;
	s9 =	rddreg [dreg:$0xc];
	[sflag:s17] =	ssyncadd.s32 $0xFFFFF800  }
0x35: {  	[tilespmem:s8], [sflag:$0xD] =	stream.linear.gather [hbm4b:s9+s8], $0x2700, $0x38;
	[tilespmem:$0xAF00] =	vst v63  }
0x36: {  	_ =	swait.ge [sflag:s17], $0x2700  }
0x37: {  	[sflag:s17] =	ssyncset.done $0x0  }
0x38: {  	s7 =	simm.s32 $0x2700;
	s10 =	rddreg [dreg:$0xe];
	[sflag:s17] =	ssyncadd.s32 $0xFFFFD900  }
0x39: {  	[tilespmem:s7], [sflag:$0xD] =	stream.linear.gather [hbm4b:s10+s8], $0x2700, $0x38;
	[tilespmem:$0xAF00] =	vst v63  }
0x3a: {  	_ =	swait.ge [sflag:s17], $0x2700  }
0x3b: {  	[sflag:s17] =	ssyncset.done $0x0  }
0x3c: {  	p1 =	por $0x0, $0x0;
	[sflag:s17] =	ssyncadd.s32 $0xFFFFD900  }
0x3d: {  	s3 =	simm.s32 @p1 $0x7;
	[bflag:$0x0] =	sbarrier.arrive $0xFFFF  }
0x3e: {  	_ =	swait.ge @p1 [sflag:s3], $0x800  }
0x3f: {  	s6 =	simm.s32 @p1 $0x0;
	s7 =	simm.s32 @p1 $0x80;
	[sflag:s3] =	ssyncset.done @p1 $0x0  }
0x40: {  	s8 =	simm.s32 @p1 $0x8;
	[sflag:s3] =	ssyncadd.s32 @p1 $0xFFFFF800;
	s3 =	simm.s32 @p1 $0x7700  }
0x41: {  	[tilespmem:s3], [sflag:$0x1] =	stream.indirect.gather @p1 [hbm4b:s4+s7], $0x10, s6, s7, $0xb8;
	[tilespmem:$0xAF00] =	vst v63  }
0x42: {  	_ =	swait.ge @p1 [sflag:s8], $0x800  }
0x43: {  	s3 =	simm.s32 @p1 $0x80;
	[sflag:s8] =	ssyncset.done @p1 $0x0  }
0x44: {  	s6 =	simm.s32 @p1 $0x7F00;
	[sflag:s8] =	ssyncadd.s32 @p1 $0xFFFFF800;
	s8 =	simm.s32 @p1 $0x9  }
0x45: {  	[tilespmem:s6], [sflag:$0x2] =	stream.indirect.gather @p1 [hbm4b:s4+s7], $0x10, s3, s7, $0xb8;
	[tilespmem:$0xAF00] =	vst v63  }
0x46: {  	_ =	swait.ge @p1 [sflag:s8], $0x800  }
0x47: {  	s3 =	simm.s32 @p1 $0x100;
	[sflag:s8] =	ssyncset.done @p1 $0x0  }
0x48: {  	s6 =	simm.s32 @p1 $0x8700;
	[sflag:s8] =	ssyncadd.s32 @p1 $0xFFFFF800;
	s8 =	simm.s32 @p1 $0xA  }
0x49: {  	[tilespmem:s6], [sflag:$0x3] =	stream.indirect.gather @p1 [hbm4b:s4+s7], $0x10, s3, s7, $0xb8;
	[tilespmem:$0xAF00] =	vst v63  }
0x4a: {  	_ =	swait.ge @p1 [sflag:s8], $0x800  }
0x4b: {  	s3 =	simm.s32 @p1 $0x180;
	[sflag:s8] =	ssyncset.done @p1 $0x0  }
0x4c: {  	s6 =	simm.s32 @p1 $0x8F00;
	[sflag:s8] =	ssyncadd.s32 @p1 $0xFFFFF800;
	s8 =	simm.s32 @p1 $0xB  }
0x4d: {  	[tilespmem:s6], [sflag:$0x4] =	stream.indirect.gather @p1 [hbm4b:s4+s7], $0x10, s3, s7, $0xb8;
	[tilespmem:$0xAF00] =	vst v63  }
0x4e: {  	_ =	swait.ge @p1 [sflag:s8], $0x800  }
0x4f: {  	s3 =	simm.s32 $0x200;
	[sflag:s8] =	ssyncset.done @p1 $0x0  }
0x50: {  	s6 =	simm.s32 @p1 $0x9700;
	[sflag:s8] =	ssyncadd.s32 @p1 $0xFFFFF800;
	s8 =	simm.s32 @p1 $0xC  }
0x51: {  	[tilespmem:s6], [sflag:$0x5] =	stream.indirect.gather @p1 [hbm4b:s4+s7], $0x10, s3, s7, $0xb8;
	[tilespmem:$0xAF00] =	vst v63  }
0x52: {  	_ =	swait.ge @p1 [sflag:s8], $0x800  }
0x53: {  	s3 =	simm.s32 @!p1 $0x80;
	[sflag:s8] =	ssyncset.done @p1 $0x0  }
0x54: {  	s6 =	simm.s32 @!p1 $0x0;
	s7 =	simm.s32 @!p1 $0x7700;
	[sflag:s8] =	ssyncadd.s32 @p1 $0xFFFFF800  }
0x55: {  	[tilespmem:s7], [sflag:$0x1] =	stream.indirect.gather @!p1 [hbm4b:s4+s3], $0x10, s6, s3, $0xb8;
	[tilespmem:$0xAF00] =	vst v63  }
0x56: {  	s6 =	simm.s32 @!p1 $0x7F00  }
0x57: {  	[tilespmem:s6], [sflag:$0x2] =	stream.indirect.gather @!p1 [hbm4b:s4+s3], $0x10, s3, s3, $0xb8;
	[tilespmem:$0xAF00] =	vst v63  }
0x58: {  	s7 =	simm.s32 @!p1 $0x8700;
	s6 =	simm.s32 @!p1 $0x100  }
0x59: {  	[tilespmem:s7], [sflag:$0x3] =	stream.indirect.gather @!p1 [hbm4b:s4+s3], $0x10, s6, s3, $0xb8;
	[tilespmem:$0xAF00] =	vst v63  }
0x5a: {  	s8 =	simm.s32 @!p1 $0x8F00;
	s6 =	simm.s32 @p1 $0x0;
	s7 =	simm.s32 @!p1 $0x180  }
0x5b: {  	[tilespmem:s8], [sflag:$0x4] =	stream.indirect.gather @!p1 [hbm4b:s4+s3], $0x10, s7, s3, $0xb8;
	[tilespmem:$0xAF00] =	vst v63  }
0x5c: {  	s6 =	simm.s32 @!p1 $0x0;
	s7 =	simm.s32 @!p1 $0x200;
	s8 =	simm.s32 @!p1 $0x9700  }
0x5d: {  	[tilespmem:s8], [sflag:$0x5] =	stream.indirect.gather @!p1 [hbm4b:s4+s3], $0x10, s7, s3, $0xb8;
	[tilespmem:$0xAF00] =	vst v63  }
0x5e: {  	s11 =	sadd.s32 $0x280, s6  }
0x5f: {  	[tilespmem:s20], [sflag:$0x6] =	stream.indirect.gather [hbm4b:s4+s19], $0x10, s11, s19, $0xb8;
	[tilespmem:$0xAF00] =	vst v63  }
0x60: {  	_ =	swait.ge [sflag:s21], $0x800  }
0x61: {  	[sflag:s21] =	ssyncset.done $0x0  }
0x62: {  	s13 =	sadd.s32 $0x2700, s6;
	s12 =	rddreg [dreg:$0x4];
	[sflag:s21] =	ssyncadd.s32 $0xFFFFF800  }
0x63: {  	[spmem:s2] =	stream.indirect.scatter.add.f32 [tilespmem:s12], [sflag:$0x7], $0x10, s13, s19, $0xb8;
	[tilespmem:$0xAF00] =	vst v63  }
0x64: {  	s3 =	simm.s32 @p1 $0x80;
	_ =	swait.ge [sflag:s22], $0x800  }
0x65: {  	s3 =	simm.s32 @!p1 $0x80;
	[sflag:s22] =	ssyncset.done $0x0  }
0x66: {  	s3 =	sadd.s32 $0x2700, s3;
	s14 =	rddreg [dreg:$0x5];
	[sflag:s22] =	ssyncadd.s32 $0xFFFFF800  }
0x67: {  	[spmem:s2] =	stream.indirect.scatter.add.f32 [tilespmem:s14], [sflag:$0x8], $0x10, s3, s19, $0xb8;
	[tilespmem:$0xAF00] =	vst v63  }
0x68: {  	s3 =	simm.s32 @p1 $0x100;
	_ =	swait.ge [sflag:s23], $0x800  }
0x69: {  	s3 =	simm.s32 @!p1 $0x100;
	[sflag:s23] =	ssyncset.done $0x0  }
0x6a: {  	s15 =	rddreg [dreg:$0x6];
	s3 =	sadd.s32 $0x2700, s3;
	[sflag:s23] =	ssyncadd.s32 $0xFFFFF800  }
0x6b: {  	[spmem:s2] =	stream.indirect.scatter.add.f32 [tilespmem:s15], [sflag:$0x9], $0x10, s3, s19, $0xb8;
	[tilespmem:$0xAF00] =	vst v63  }
0x6c: {  	s3 =	simm.s32 @p1 $0x180;
	_ =	swait.ge [sflag:s24], $0x800  }
0x6d: {  	s3 =	simm.s32 @!p1 $0x180;
	[sflag:s24] =	ssyncset.done $0x0  }
0x6e: {  	s28 =	rddreg [dreg:$0x7];
	s3 =	sadd.s32 $0x2700, s3;
	[sflag:s24] =	ssyncadd.s32 $0xFFFFF800  }
0x6f: {  	[spmem:s2] =	stream.indirect.scatter.add.f32 [tilespmem:s28], [sflag:$0xA], $0x10, s3, s19, $0xb8;
	[tilespmem:$0xAF00] =	vst v63  }
0x70: {  	s7 =	simm.s32 $0x800;
	s3 =	simm.s32 $0x200;
	_ =	swait.ge [sflag:s25], $0x800  }
0x71: {  	s11 =	sadd.s32 $0x2980, s6;
	s3 =	simm.s32 @!p1 $0x200;
	[sflag:s25] =	ssyncset.done $0x0  }
0x72: {  	s29 =	rddreg [dreg:$0x8];
	s3 =	sadd.s32 $0x2700, s3;
	[sflag:s25] =	ssyncadd.s32 $0xFFFFF800  }
0x73: {  	[spmem:s2] =	stream.indirect.scatter.add.f32 [tilespmem:s29], [sflag:$0xB], $0x10, s3, s19, $0xb8;
	[tilespmem:$0xAF00] =	vst v63  }
0x74: {  	s6 =	simm.s32 $0x500;
	p1 =	por $0x1, $0x1;
	s3 =	simm.s32 $0x500  }
.LBB2_4:
0x75: {  	_ =	swait.ge [sflag:s26], $0x800  }
0x76: {  	[sflag:s26] =	ssyncset.done $0x0  }
0x77: {  	s12 =	simm.s32 @p1 $0x7;
	[sflag:s26] =	ssyncadd.s32 $0xFFFFF800  }
0x78: {  	[spmem:s2] =	stream.indirect.scatter.add.f32 [tilespmem:s20], [sflag:$0xC], $0x10, s11, s19, $0xb8;
	[tilespmem:$0xAF00] =	vst v63  }
0x79: {  	s8 =	sadd.s32 @p1 $0xFFFFFE00, s3;
	_ =	swait.ge @p1 [sflag:s12], $0x800  }
0x7a: {  	s15 =	sadd.s32 @p1 $0xFFFFFE00, s6;
	s9 =	simm.s32 @p1 $0x80;
	[sflag:s12] =	ssyncset.done @p1 $0x0  }
0x7b: {  	s28 =	simm.s32 @p1 $0x8;
	[sflag:s12] =	ssyncadd.s32 @p1 $0xFFFFF800;
	s12 =	simm.s32 @p1 $0x7700  }
0x7c: {  	[tilespmem:s12], [sflag:$0x1] =	stream.indirect.gather @p1 [hbm4b:s4+s9], $0x10, s15, s9, $0xb8;
	[tilespmem:$0xAF00] =	vst v63  }
0x7d: {  	s14 =	smov.u32 s7;
	s13 =	sadd.s32 @p1 $0xFFFFFE80, s3;
	_ =	swait.ge @p1 [sflag:s28], $0x800  }
0x7e: {  	s10 =	sadd.s32 @p1 $0xFFFFFF00, s3;
	s29 =	simm.s32 @p1 $0x7F00;
	[sflag:s28] =	ssyncset.done @p1 $0x0  }
0x7f: {  	s15 =	sadd.s32 @p1 $0xFFFFFE80, s6;
	[sflag:s28] =	ssyncadd.s32 @p1 $0xFFFFF800;
	s28 =	simm.s32 @p1 $0x9  }
0x80: {  	[tilespmem:s29], [sflag:$0x2] =	stream.indirect.gather @p1 [hbm4b:s4+s9], $0x10, s15, s9, $0xb8;
	[tilespmem:$0xAF00] =	vst v63  }
0x81: {  	s11 =	sadd.s32 @p1 $0xFFFFFF80, s3;
	s12 =	smov.u32 s3;
	_ =	swait.ge @p1 [sflag:s28], $0x800  }
0x82: {  	s3 =	smov.u32 s14;
	s14 =	simm.s32 @p1 $0xA;
	[sflag:s28] =	ssyncset.done @p1 $0x0  }
0x83: {  	s15 =	sadd.s32 @p1 $0xFFFFFF00, s6;
	s29 =	simm.s32 @p1 $0x8700;
	[sflag:s28] =	ssyncadd.s32 @p1 $0xFFFFF800  }
0x84: {  	[tilespmem:s29], [sflag:$0x3] =	stream.indirect.gather @p1 [hbm4b:s4+s9], $0x10, s15, s9, $0xb8;
	[tilespmem:$0xAF00] =	vst v63  }
0x85: {  	_ =	swait.ge @p1 [sflag:s14], $0x800  }
0x86: {  	s28 =	simm.s32 @p1 $0x8F00;
	[sflag:s14] =	ssyncset.done @p1 $0x0  }
0x87: {  	s15 =	sadd.s32 @p1 $0xFFFFFF80, s6;
	[sflag:s14] =	ssyncadd.s32 @p1 $0xFFFFF800;
	s14 =	simm.s32 @p1 $0xB  }
0x88: {  	[tilespmem:s28], [sflag:$0x4] =	stream.indirect.gather @p1 [hbm4b:s4+s9], $0x10, s15, s9, $0xb8;
	[tilespmem:$0xAF00] =	vst v63  }
0x89: {  	_ =	swait.ge @p1 [sflag:s14], $0x800  }
0x8a: {  	[sflag:s14] =	ssyncset.done @p1 $0x0  }
0x8b: {  	s15 =	simm.s32 @p1 $0x9700;
	s28 =	simm.s32 @p1 $0xC;
	[sflag:s14] =	ssyncadd.s32 @p1 $0xFFFFF800  }
0x8c: {  	[tilespmem:s15], [sflag:$0x5] =	stream.indirect.gather @p1 [hbm4b:s4+s9], $0x10, s6, s9, $0xb8;
	[tilespmem:$0xAF00] =	vst v63  }
0x8d: {  	_ =	swait.ge @p1 [sflag:s28], $0x800  }
0x8e: {  	s14 =	simm.s32 @!p1 $0x0;
	[sflag:s28] =	ssyncset.done @p1 $0x0  }
0x8f: {  	s9 =	simm.s32 @!p1 $0x80;
	s15 =	simm.s32 @!p1 $0x7700;
	[sflag:s28] =	ssyncadd.s32 @p1 $0xFFFFF800  }
0x90: {  	[tilespmem:s15], [sflag:$0x1] =	stream.indirect.gather @!p1 [hbm4b:s4+s9], $0x10, s14, s9, $0xb8;
	[tilespmem:$0xAF00] =	vst v63  }
0x91: {  	s14 =	simm.s32 @!p1 $0x7F00  }
0x92: {  	[tilespmem:s14], [sflag:$0x2] =	stream.indirect.gather @!p1 [hbm4b:s4+s9], $0x10, s9, s9, $0xb8;
	[tilespmem:$0xAF00] =	vst v63  }
0x93: {  	s15 =	simm.s32 @!p1 $0x8700;
	s14 =	simm.s32 @!p1 $0x100  }
0x94: {  	[tilespmem:s15], [sflag:$0x3] =	stream.indirect.gather @!p1 [hbm4b:s4+s9], $0x10, s14, s9, $0xb8;
	[tilespmem:$0xAF00] =	vst v63  }
0x95: {  	s14 =	simm.s32 @!p1 $0x180;
	s15 =	simm.s32 @!p1 $0x8F00  }
0x96: {  	[tilespmem:s15], [sflag:$0x4] =	stream.indirect.gather @!p1 [hbm4b:s4+s9], $0x10, s14, s9, $0xb8;
	[tilespmem:$0xAF00] =	vst v63  }
0x97: {  	s8 =	simm.s32 @!p1 $0x0;
	s14 =	simm.s32 @!p1 $0x200;
	s15 =	simm.s32 @!p1 $0x9700  }
0x98: {  	[tilespmem:s15], [sflag:$0x5] =	stream.indirect.gather @!p1 [hbm4b:s4+s9], $0x10, s14, s9, $0xb8;
	[tilespmem:$0xAF00] =	vst v63  }
0x99: {  	s14 =	sadd.s32 $0x280, s8  }
0x9a: {  	[tilespmem:s20], [sflag:$0x6] =	stream.indirect.gather [hbm4b:s4+s19], $0x10, s14, s19, $0xb8;
	[tilespmem:$0xAF00] =	vst v63  }
0x9b: {  	_ =	swait.ge [sflag:s21], $0x800  }
0x9c: {  	[sflag:s21] =	ssyncset.done $0x0  }
0x9d: {  	s28 =	sadd.s32 $0x2700, s8;
	s15 =	rddreg [dreg:$0x4];
	[sflag:s21] =	ssyncadd.s32 $0xFFFFF800  }
0x9e: {  	[spmem:s2] =	stream.indirect.scatter.add.f32 [tilespmem:s15], [sflag:$0x7], $0x10, s28, s19, $0xb8;
	[tilespmem:$0xAF00] =	vst v63  }
0x9f: {  	_ =	swait.ge [sflag:s22], $0x800  }
0xa0: {  	s13 =	simm.s32 @!p1 $0x80;
	[sflag:s22] =	ssyncset.done $0x0  }
0xa1: {  	s13 =	sadd.s32 $0x2700, s13;
	s29 =	rddreg [dreg:$0x5];
	[sflag:s22] =	ssyncadd.s32 $0xFFFFF800  }
0xa2: {  	[spmem:s2] =	stream.indirect.scatter.add.f32 [tilespmem:s29], [sflag:$0x8], $0x10, s13, s19, $0xb8;
	[tilespmem:$0xAF00] =	vst v63  }
0xa3: {  	_ =	swait.ge [sflag:s23], $0x800  }
0xa4: {  	s10 =	simm.s32 @!p1 $0x100;
	[sflag:s23] =	ssyncset.done $0x0  }
0xa5: {  	s10 =	sadd.s32 $0x2700, s10;
	s13 =	rddreg [dreg:$0x6];
	[sflag:s23] =	ssyncadd.s32 $0xFFFFF800  }
0xa6: {  	[spmem:s2] =	stream.indirect.scatter.add.f32 [tilespmem:s13], [sflag:$0x9], $0x10, s10, s19, $0xb8;
	[tilespmem:$0xAF00] =	vst v63  }
0xa7: {  	s7 =	sadd.s32 $0x300, s7;
	_ =	swait.ge [sflag:s24], $0x800  }
0xa8: {  	p2 =	sne.s32 s7, $0x2900;
	s11 =	simm.s32 @!p1 $0x180;
	[sflag:s24] =	ssyncset.done $0x0  }
0xa9: {  	s15 =	sadd.s32 $0x2700, s11;
	s14 =	rddreg [dreg:$0x7];
	[sflag:s24] =	ssyncadd.s32 $0xFFFFF800  }
0xaa: {  	[spmem:s2] =	stream.indirect.scatter.add.f32 [tilespmem:s14], [sflag:$0xA], $0x10, s15, s19, $0xb8;
	[tilespmem:$0xAF00] =	vst v63  }
.Ltmp1:
0xab: {  	_ = 	snop;
	(pc) =	sbr.rel @p2 .LBB2_4-.Ltmp1, $4  }
0xac: {  	s12 =	simm.s32 @!p1 $0x200;
	s6 =	sadd.s32 $0x300, s6;
	_ =	swait.ge [sflag:s25], $0x800  }
0xad: {  	p1 =	sne.s32 s3, $0x200;
	s11 =	sadd.s32 $0x2980, s8;
	[sflag:s25] =	ssyncset.done $0x0  }
0xae: {  	s29 =	sadd.s32 $0x2700, s12;
	s28 =	rddreg [dreg:$0x8];
	[sflag:s25] =	ssyncadd.s32 $0xFFFFF800  }
0xaf: {  	[spmem:s2] =	stream.indirect.scatter.add.f32 [tilespmem:s28], [sflag:$0xB], $0x10, s29, s19, $0xb8;
	[tilespmem:$0xAF00] =	vst v63  }
0xb0: {  	_ =	swait.ge [sflag:s26], $0x800  }
0xb1: {  	[sflag:s26] =	ssyncset.done $0x0  }
0xb2: {  	s7 =	simm.s32 @p1 $0x7;
	[sflag:s26] =	ssyncadd.s32 $0xFFFFF800  }
0xb3: {  	[spmem:s2] =	stream.indirect.scatter.add.f32 [tilespmem:s20], [sflag:$0xC], $0x10, s11, s19, $0xb8;
	[tilespmem:$0xAF00] =	vst v63  }
0xb4: {  	_ =	swait.ge @p1 [sflag:s7], $0x800  }
0xb5: {  	s8 =	sadd.s32 @p1 $0xFFFFFE00, s6;
	[sflag:s7] =	ssyncset.done @p1 $0x0  }
0xb6: {  	s9 =	simm.s32 @p1 $0x80;
	[sflag:s7] =	ssyncadd.s32 @p1 $0xFFFFF800;
	s7 =	simm.s32 @p1 $0x7700  }
0xb7: {  	[tilespmem:s7], [sflag:$0x1] =	stream.indirect.gather @p1 [hbm4b:s4+s9], $0x10, s8, s9, $0xb8;
	[tilespmem:$0xAF00] =	vst v63  }
0xb8: {  	s7 =	simm.s32 @p1 $0x8  }
0xb9: {  	_ =	swait.ge @p1 [sflag:s7], $0x800  }
0xba: {  	[sflag:s7] =	ssyncset.done @p1 $0x0  }
0xbb: {  	s8 =	sadd.s32 @p1 $0xFFFFFE80, s6;
	[sflag:s7] =	ssyncadd.s32 @p1 $0xFFFFF800;
	s7 =	simm.s32 @p1 $0x7F00  }
0xbc: {  	[tilespmem:s7], [sflag:$0x2] =	stream.indirect.gather @p1 [hbm4b:s4+s9], $0x10, s8, s9, $0xb8;
	[tilespmem:$0xAF00] =	vst v63  }
0xbd: {  	s7 =	simm.s32 @p1 $0x9  }
0xbe: {  	_ =	swait.ge @p1 [sflag:s7], $0x800  }
0xbf: {  	[sflag:s7] =	ssyncset.done @p1 $0x0  }
0xc0: {  	s8 =	sadd.s32 @p1 $0xFFFFFF00, s6;
	[sflag:s7] =	ssyncadd.s32 @p1 $0xFFFFF800;
	s7 =	simm.s32 @p1 $0x8700  }
0xc1: {  	[tilespmem:s7], [sflag:$0x3] =	stream.indirect.gather @p1 [hbm4b:s4+s9], $0x10, s8, s9, $0xb8;
	[tilespmem:$0xAF00] =	vst v63  }
0xc2: {  	s7 =	simm.s32 @p1 $0xA  }
0xc3: {  	_ =	swait.ge @p1 [sflag:s7], $0x800  }
0xc4: {  	[sflag:s7] =	ssyncset.done @p1 $0x0  }
0xc5: {  	s8 =	sadd.s32 @p1 $0xFFFFFF80, s6;
	[sflag:s7] =	ssyncadd.s32 @p1 $0xFFFFF800;
	s7 =	simm.s32 @p1 $0x8F00  }
0xc6: {  	[tilespmem:s7], [sflag:$0x4] =	stream.indirect.gather @p1 [hbm4b:s4+s9], $0x10, s8, s9, $0xb8;
	[tilespmem:$0xAF00] =	vst v63  }
0xc7: {  	s7 =	simm.s32 @p1 $0xB  }
0xc8: {  	_ =	swait.ge @p1 [sflag:s7], $0x800  }
0xc9: {  	[sflag:s7] =	ssyncset.done @p1 $0x0  }
0xca: {  	s8 =	simm.s32 @p1 $0x9700;
	[sflag:s7] =	ssyncadd.s32 @p1 $0xFFFFF800;
	s7 =	simm.s32 @p1 $0xC  }
0xcb: {  	[tilespmem:s8], [sflag:$0x5] =	stream.indirect.gather @p1 [hbm4b:s4+s9], $0x10, s6, s9, $0xb8;
	[tilespmem:$0xAF00] =	vst v63  }
0xcc: {  	_ =	swait.ge @p1 [sflag:s7], $0x800  }
0xcd: {  	s6 =	simm.s32 @!p1 $0x80;
	[sflag:s7] =	ssyncset.done @p1 $0x0  }
0xce: {  	s8 =	simm.s32 @!p1 $0x0;
	[sflag:s7] =	ssyncadd.s32 @p1 $0xFFFFF800;
	s7 =	simm.s32 @!p1 $0x7700  }
0xcf: {  	[tilespmem:s7], [sflag:$0x1] =	stream.indirect.gather @!p1 [hbm4b:s4+s6], $0x10, s8, s6, $0xb8;
	[tilespmem:$0xAF00] =	vst v63  }
0xd0: {  	s7 =	simm.s32 @!p1 $0x7F00  }
0xd1: {  	[tilespmem:s7], [sflag:$0x2] =	stream.indirect.gather @!p1 [hbm4b:s4+s6], $0x10, s6, s6, $0xb8;
	[tilespmem:$0xAF00] =	vst v63  }
0xd2: {  	s8 =	simm.s32 @!p1 $0x8700;
	s7 =	simm.s32 @!p1 $0x100  }
0xd3: {  	[tilespmem:s8], [sflag:$0x3] =	stream.indirect.gather @!p1 [hbm4b:s4+s6], $0x10, s7, s6, $0xb8;
	[tilespmem:$0xAF00] =	vst v63  }
0xd4: {  	s9 =	simm.s32 @!p1 $0x8F00;
	s7 =	sadd.s32 @p1 $0xFFFFFE00, s3;
	s8 =	simm.s32 @!p1 $0x180  }
0xd5: {  	[tilespmem:s9], [sflag:$0x4] =	stream.indirect.gather @!p1 [hbm4b:s4+s6], $0x10, s8, s6, $0xb8;
	[tilespmem:$0xAF00] =	vst v63  }
0xd6: {  	s7 =	simm.s32 @!p1 $0x0;
	s8 =	simm.s32 @!p1 $0x200;
	s9 =	simm.s32 @!p1 $0x9700  }
0xd7: {  	[tilespmem:s9], [sflag:$0x5] =	stream.indirect.gather @!p1 [hbm4b:s4+s6], $0x10, s8, s6, $0xb8;
	[tilespmem:$0xAF00] =	vst v63  }
0xd8: {  	s13 =	sadd.s32 $0x280, s7  }
0xd9: {  	[tilespmem:s20], [sflag:$0x6] =	stream.indirect.gather [hbm4b:s4+s19], $0x10, s13, s19, $0xb8;
	[tilespmem:$0xAF00] =	vst v63  }
0xda: {  	_ =	swait.ge [sflag:s21], $0x800  }
0xdb: {  	[sflag:s21] =	ssyncset.done $0x0  }
0xdc: {  	s15 =	sadd.s32 $0x2700, s7;
	s14 =	rddreg [dreg:$0x4];
	[sflag:s21] =	ssyncadd.s32 $0xFFFFF800  }
0xdd: {  	[spmem:s2] =	stream.indirect.scatter.add.f32 [tilespmem:s14], [sflag:$0x7], $0x10, s15, s19, $0xb8;
	[tilespmem:$0xAF00] =	vst v63  }
0xde: {  	s6 =	sadd.s32 @p1 $0xFFFFFE80, s3;
	_ =	swait.ge [sflag:s22], $0x800  }
0xdf: {  	s6 =	simm.s32 @!p1 $0x80;
	[sflag:s22] =	ssyncset.done $0x0  }
0xe0: {  	s6 =	sadd.s32 $0x2700, s6;
	s28 =	rddreg [dreg:$0x5];
	[sflag:s22] =	ssyncadd.s32 $0xFFFFF800  }
0xe1: {  	[spmem:s2] =	stream.indirect.scatter.add.f32 [tilespmem:s28], [sflag:$0x8], $0x10, s6, s19, $0xb8;
	[tilespmem:$0xAF00] =	vst v63  }
0xe2: {  	s6 =	sadd.s32 @p1 $0xFFFFFF00, s3;
	_ =	swait.ge [sflag:s23], $0x800  }
0xe3: {  	s6 =	simm.s32 @!p1 $0x100;
	[sflag:s23] =	ssyncset.done $0x0  }
0xe4: {  	s29 =	rddreg [dreg:$0x6];
	s6 =	sadd.s32 $0x2700, s6;
	[sflag:s23] =	ssyncadd.s32 $0xFFFFF800  }
0xe5: {  	[spmem:s2] =	stream.indirect.scatter.add.f32 [tilespmem:s29], [sflag:$0x9], $0x10, s6, s19, $0xb8;
	[tilespmem:$0xAF00] =	vst v63  }
0xe6: {  	s6 =	sadd.s32 @p1 $0xFFFFFF80, s3;
	_ =	swait.ge [sflag:s24], $0x800  }
0xe7: {  	s6 =	simm.s32 @!p1 $0x180;
	[sflag:s24] =	ssyncset.done $0x0  }
0xe8: {  	s9 =	rddreg [dreg:$0x7];
	s6 =	sadd.s32 $0x2700, s6;
	[sflag:s24] =	ssyncadd.s32 $0xFFFFF800  }
0xe9: {  	[spmem:s2] =	stream.indirect.scatter.add.f32 [tilespmem:s9], [sflag:$0xA], $0x10, s6, s19, $0xb8;
	[tilespmem:$0xAF00] =	vst v63  }
0xea: {  	_ =	swait.ge [sflag:s25], $0x800  }
0xeb: {  	s3 =	simm.s32 @!p1 $0x200;
	[sflag:s25] =	ssyncset.done $0x0  }
0xec: {  	s3 =	sadd.s32 $0x2700, s3;
	s10 =	rddreg [dreg:$0x8];
	[sflag:s25] =	ssyncadd.s32 $0xFFFFF800  }
0xed: {  	[spmem:s2] =	stream.indirect.scatter.add.f32 [tilespmem:s10], [sflag:$0xB], $0x10, s3, s19, $0xb8;
	[tilespmem:$0xAF00] =	vst v63  }
0xee: {  	_ =	swait.ge [sflag:s26], $0x800  }
0xef: {  	[sflag:s26] =	ssyncset.done $0x0  }
0xf0: {  	s12 =	simm.s32 $0x7;
	s11 =	sadd.s32 $0x2980, s7;
	[sflag:s26] =	ssyncadd.s32 $0xFFFFF800  }
0xf1: {  	[spmem:s2] =	stream.indirect.scatter.add.f32 [tilespmem:s20], [sflag:$0xC], $0x10, s11, s19, $0xb8;
	[tilespmem:$0xAF00] =	vst v63  }
0xf2: {  	_ =	swait.ge [sflag:s12], $0x800  }
0xf3: {  	[sflag:s12] =	ssyncset.done $0x0  }
0xf4: {  	s13 =	simm.s32 $0x8;
	[sflag:s12] =	ssyncadd.s32 $0xFFFFF800  }
0xf5: {  	_ =	swait.ge [sflag:s13], $0x800  }
0xf6: {  	[sflag:s13] =	ssyncset.done $0x0  }
0xf7: {  	[sflag:s13] =	ssyncadd.s32 $0xFFFFF800  }
0xf8: {  	_ =	swait.ge [sflag:s30], $0x800  }
0xf9: {  	[sflag:s30] =	ssyncset.done $0x0  }
0xfa: {  	[sflag:s30] =	ssyncadd.s32 $0xFFFFF800  }
0xfb: {  	_ =	swait.ge [sflag:s31], $0x800  }
0xfc: {  	[sflag:s31] =	ssyncset.done $0x0  }
0xfd: {  	[sflag:s31] =	ssyncadd.s32 $0xFFFFF800  }
0xfe: {  	_ =	swait.ge [sflag:s1], $0x800  }
0xff: {  	[sflag:s1] =	ssyncset.done $0x0  }
0x100: {  	[sflag:s1] =	ssyncadd.s32 $0xFFFFF800  }
0x101: {  	_ =	swait.ge [sflag:s18], $0x800  }
0x102: {  	s6 =	simm.s32 @!p0 $0x4E00;
	[sflag:s18] =	ssyncset.done $0x0  }
0x103: {  	s3 =	simm.s32 @!p0 $0x0;
	s7 =	rddreg [dreg:$0xf];
	[sflag:s18] =	ssyncadd.s32 $0xFFFFF800  }
0x104: {  	[tilespmem:s6], [sflag:$0xD] =	stream.linear.gather @!p0 [hbm4b:s7+s3], $0x80, $0x38;
	[tilespmem:$0xAF00] =	vst v63  }
0x105: {  	s7 =	simm.s32 @!p0 $0xD  }
0x106: {  	_ =	swait.ge @!p0 [sflag:s7], $0x80  }
0x107: {  	[sflag:s7] =	ssyncset.done @!p0 $0x0  }
0x108: {  	s8 =	simm.s32 @!p0 $0x4E80;
	s9 =	rddreg [dreg:$0x10];
	[sflag:s7] =	ssyncadd.s32 @!p0 $0xFFFFFF80  }
0x109: {  	[tilespmem:s8], [sflag:$0xD] =	stream.linear.gather @!p0 [hbm4b:s9+s3], $0x80, $0x38;
	[tilespmem:$0xAF00] =	vst v63  }
0x10a: {  	_ =	swait.ge @!p0 [sflag:s7], $0x80  }
0x10b: {  	[sflag:s7] =	ssyncset.done @!p0 $0x0  }
0x10c: {  	s3 =	simm.s32 @!p0 $0x80;
	s9 =	simm.s32 @!p0 $0x7700;
	[sflag:s7] =	ssyncadd.s32 @!p0 $0xFFFFFF80  }
0x10d: {  	[tilespmem:s9], [sflag:$0xD] =	stream.indirect.gather @!p0 [hbm4b:s4+s3], $0x10, s6, s3, $0xb8;
	[tilespmem:$0xAF00] =	vst v63  }
0x10e: {  	_ =	swait.ge @!p0 [sflag:s7], $0x800  }
0x10f: {  	[sflag:s7] =	ssyncset.done @!p0 $0x0  }
0x110: {  	[sflag:s7] =	ssyncadd.s32 @!p0 $0xFFFFF800  }
0x111: {  	[spmem:s2] =	stream.indirect.scatter.add.f32 @!p0 [tilespmem:s9], [sflag:$0xD], $0x10, s8, s3, $0xb8;
	[tilespmem:$0xAF00] =	vst v63  }
0x112: {  	_ =	swait.ge @!p0 [sflag:s7], $0x800  }
0x113: {  	[sflag:s7] =	ssyncset.done @!p0 $0x0  }
0x114: {  	s14 =	stileid.u32;
	[sflag:s7] =	ssyncadd.s32 @!p0 $0xFFFFF800  }
0x115: {  	s3 =	sshll.u32 s14, $0x6;
	[bflag:$0x0] =	sbarrier.arrive $0xFFFF  }
0x116: {  	s15 =	sshrl.u32 s5, $0x3;
	s3 =	sor.u32 $0x1C0D, s3;
	s28 =	rddreg [dreg:$0x11]  }
0x117: {  	[hbm:s28], [sflag:s3] =	dma.local [spmem:s15], $0x500  }
0x118: {  	_ =	swait.ge [sflag:s17], $0x500  }
0x119: {  	s0 =	sadd.s32 $0x1, s0;
	s29 =	rddreg [dreg:$0x12]  }
0x11a: {  	p1 =	sne.s32 s0, s29  }
.Ltmp2:
0x11b: {  	_ = 	snop;
	(pc) =	sbr.rel @p1 .LBB2_1-.Ltmp2, $3  }
0x11c: {  	_ =	sdelay $0x1  }
0x11d: {  	[sflag:s17] =	ssyncset.done $0x0  }
0x11e: {  	[sflag:s17] =	ssyncadd.s32 $0xFFFFFB00  }
0x11f: {  	_ =	sfence.sel $0x180000  }
0x120: {  	[bflag:$0x0] =	sbarrier.arrive $0xFFFF  }
0x121: {  	_ =	strace $0x9000004A  }
0x122: {  	s0 =	stileid.u32;
	[bflag:$0x2] =	sbarrier.arrive $0xFFFF  }
0x123: {  	p0 =	sne.s32 s0, $0x0;
	s0 =	rddreg [dreg:$0x3]  }
0x124: {  	s0 =	sadd.s32 @!p0 $0x100000, s0  }
0x125: {  	[sflag:s0] =	ssyncadd.tile.s32 @!p0 $0x1;
	_ =	shalt  }
.Lfunc_end2:
_tile_overlayer_lowered:
.L_overlay_start_2:
0x126: {  	(tag) =	ssettag $0x2  }
0x127: {  	s0 =	rddreg [dreg:$0x0];
	s2 =	stileid.u32  }
0x128: {  	s1 =	rddreg [dreg:$0x1];
	p0 =	sne.s32 s2, $0x0  }
0x129: {  	s3 =	rddreg [dreg:$0x2];
	[bflag:$0x3] =	sbarrier.arrive $0xFFFF;
	s2 =	simm.s32 @!p0 $0x1C0D  }
0x12a: {  	[timem:s3], [sflag:s2] =	dma.local @!p0 [hbm:s0], s1  }
0x12b: {  	s0 =	simm.s32 @!p0 $0xD  }
0x12c: {  	_ =	swait.ge @!p0 [sflag:s0], s1  }
0x12d: {  	s1 =	ssub.s32 @!p0 $0x0, s1;
	[sflag:s0] =	ssyncset.done @!p0 $0x0  }
0x12e: {  	[sflag:s0] =	ssyncadd.s32 @!p0 s1  }
0x12f: {  	[bflag:$0x3] =	sbarrier.arrive $0xFFFF  }
0x130: {  	_ =	shalt  }

// kernel: kernel.7.cloned.1.call-start
scs
__scs_entry_jumppad:
0x0: {  	(pc) =	sbr.rel $0x88, $3  }
0x1: {  	(tag) =	ssettag $0x0;
	lr =	simm.s32 $0x1  }
0x2: {  	[smem:$0x3F99] =	sst lr;
	_ =	strace $0xD0000000  }
0x3: {  	_ = 	snop  }
0x4: {  	_ = 	snop  }
0x5: {  	_ = 	snop  }
0x6: {  	_ = 	snop  }
0x7: {  	_ = 	snop  }
__scs_overlays_trampoline_lowered:
0x8: {  	[smem:$0x3FA8] =	sst s0  }
0x9: {  	[smem:$0x3FA9] =	sst s1  }
0xa: {  	[smem:$0x3FAA] =	sst s2  }
0xb: {  	[smem:$0x3FAB] =	sst s3  }
0xc: {  	[smem:$0x3FAC] =	sst s4  }
0xd: {  	[smem:$0x3FAD] =	sst s5  }
0xe: {  	[smem:$0x3FAE] =	sst s6  }
0xf: {  	[smem:$0x3FAF] =	sst s7  }
0x10: {  	[smem:$0x3FB0] =	sst s8  }
0x11: {  	[smem:$0x3FB1] =	sst s9;
	s0 =	simm.s32 @!p0 $0x0  }
0x12: {  	s1 =	sld [smem:$0x3F97];
	s0 =	simm.s32 @p0 $0x1  }
0x13: {  	[smem:$0x3FB2] =	sst s0;
	s0 =	simm.s32 @!p1 $0x0  }
0x14: {  	s2 =	sld [smem:$0x3F96];
	s0 =	simm.s32 @p1 $0x1  }
0x15: {  	[smem:$0x3FB3] =	sst s0;
	s0 =	simm.s32 @!p2 $0x0  }
0x16: {  	s3 =	sld [smem:$0x3FDB];
	s0 =	simm.s32 @p2 $0x1  }
0x17: {  	s4 =	simm.s32 $0x1BF5;
	[smem:$0x3FB5] =	sst s0  }
0x18: {  	s0 =	sld [smem:$0x3F98];
	_ =	swait.ge [sflag:s4], $0x0  }
0x19: {  	s7 =	sld [smem:$0x3F99]  }
0x1a: {  	s8 =	sadd.s32 $0xFFFFE003, lr  }
0x1b: {  	s9 =	sadd.s32 $0xFFFFFEF7, lr;
	s5 =	simm.s32 $0xFFFFFFFF;
	p2 =	slt.u32 s8, $0xFFFFF086  }
0x1c: {  	p1 =	slt.u32 s9, $0xF7A;
	s5 =	simm.s32 @!p2 $0x0  }
0x1d: {  	s5 =	simm.s32 @p1 $0x1;
	p0 =	seq.s32 s7, s2  }
0x1e: {  	s7 =	smul.u32 @!p0 $0xF7A, s2;
	p2 =	seq.s32 @!p0 s5, $0x0  }
0x1f: {  	s9 =	smul.u32 $0xF7A, s1;
	s8 =	simm.s32 @!p0 $0x1BF5;
	p2 =	por !p2, p0  }
0x20: {  	[sflag:s8] =	ssyncset.s32 @!p0 $0xFFFFF086;
	s6 =	sadd.s32 @!p0 s3, s7;
	s7 =	simm.s32 @!p0 $0x108  }
0x21: {  	s3 =	sadd.s32 s3, s9;
	s6 =	sadd.s32 @!p0 $0x88, s6;
	s7 =	simm.s32 @p2 $0x1082  }
0x22: {  	[simem:s7], [sflag:s8] =	dma.local @!p0 [hbm:s6], $0xF7A  }
0x23: {  	s9 =	sor.u32 $0xD0000000, s2;
	s6 =	simm.s32 $0x108;
	_ =	swait.ge @!p0 [sflag:s8], $0x0  }
0x24: {  	s3 =	sadd.s32 $0x88, s3;
	s6 =	simm.s32 @!p1 $0x1082;
	[sflag:s4] =	ssyncset.s32 $0xFFFFF086  }
0x25: {  	[simem:s6], [sflag:s4] =	dma.local [hbm:s3], $0xF7A  }
0x26: {  	[smem:$0x3F99] =	sst s1;
	(tag) =	ssettag s2;
	_ =	strace s9  }
0x27: {  	s1 =	sld [smem:$0x3FA9]  }
0x28: {  	s2 =	sld [smem:$0x3FAA]  }
0x29: {  	s4 =	sld [smem:$0x3FAC]  }
0x2a: {  	p0 =	seq.s32 s5, $0x0;
	s5 =	sld [smem:$0x3FAD]  }
0x2b: {  	s6 =	sld [smem:$0x3FAE]  }
0x2c: {  	s7 =	sld [smem:$0x3FAF]  }
0x2d: {  	s3 =	simm.s32 $0x108;
	s8 =	sld [smem:$0x3FB0]  }
0x2e: {  	s3 =	simm.s32 @!p0 $0x1082;
	s9 =	sld [smem:$0x3FB1]  }
0x2f: {  	lr =	sadd.s32 s0, s3;
	s0 =	sld [smem:$0x3FA8]  }
0x30: {  	s3 =	sld [smem:$0x3FAB]  }
0x31: {  	[smem:$0x3FB4] =	sst s10  }
0x32: {  	s10 =	sld [smem:$0x3FB2];
	_ =	sdelay $0x3  }
0x33: {  	p0 =	seq.s32 s10, $0x1;
	s10 =	sld [smem:$0x3FB4];
	_ =	sdelay $0x3  }
0x34: {  	[smem:$0x3FB4] =	sst s10  }
0x35: {  	s10 =	sld [smem:$0x3FB3];
	_ =	sdelay $0x3  }
0x36: {  	p1 =	seq.s32 s10, $0x1;
	s10 =	sld [smem:$0x3FB4];
	_ =	sdelay $0x3  }
0x37: {  	[smem:$0x3FB4] =	sst s10  }
0x38: {  	s10 =	sld [smem:$0x3FB5]  }
0x39: {  	_ = 	snop;
	(pc) =	sbr.ind lr, $3  }
0x3a: {  	_ = 	snop  }
0x3b: {  	_ = 	snop  }
0x3c: {  	p2 =	seq.s32 s10, $0x1;
	s10 =	sld [smem:$0x3FB4]  }
0x3d: {  	_ =	shalt  }
0x3e: {  	_ =	shalt  }
0x3f: {  	_ =	shalt  }
0x40: {  	_ =	shalt  }
0x41: {  	_ =	shalt  }
0x42: {  	_ =	shalt  }
0x43: {  	_ =	shalt  }
0x44: {  	_ =	shalt  }
0x45: {  	_ =	shalt  }
0x46: {  	_ =	shalt  }
0x47: {  	_ =	shalt  }
0x48: {  	_ =	shalt  }
0x49: {  	_ =	shalt  }
0x4a: {  	_ =	shalt  }
0x4b: {  	_ =	shalt  }
0x4c: {  	_ =	shalt  }
0x4d: {  	_ =	shalt  }
0x4e: {  	_ =	shalt  }
0x4f: {  	_ =	shalt  }
0x50: {  	_ =	shalt  }
0x51: {  	_ =	shalt  }
0x52: {  	_ =	shalt  }
0x53: {  	_ =	shalt  }
0x54: {  	_ =	shalt  }
0x55: {  	_ =	shalt  }
0x56: {  	_ =	shalt  }
0x57: {  	_ =	shalt  }
0x58: {  	_ =	shalt  }
0x59: {  	_ =	shalt  }
0x5a: {  	_ =	shalt  }
0x5b: {  	_ =	shalt  }
0x5c: {  	_ =	shalt  }
0x5d: {  	_ =	shalt  }
0x5e: {  	_ =	shalt  }
0x5f: {  	_ =	shalt  }
0x60: {  	_ =	shalt  }
0x61: {  	_ =	shalt  }
0x62: {  	_ =	shalt  }
0x63: {  	_ =	shalt  }
0x64: {  	_ =	shalt  }
0x65: {  	_ =	shalt  }
0x66: {  	_ =	shalt  }
0x67: {  	_ =	shalt  }
0x68: {  	_ =	shalt  }
0x69: {  	_ =	shalt  }
0x6a: {  	_ =	shalt  }
0x6b: {  	_ =	shalt  }
0x6c: {  	_ =	shalt  }
0x6d: {  	_ =	shalt  }
0x6e: {  	_ =	shalt  }
0x6f: {  	_ =	shalt  }
0x70: {  	_ =	shalt  }
0x71: {  	_ =	shalt  }
0x72: {  	_ =	shalt  }
0x73: {  	_ =	shalt  }
0x74: {  	_ =	shalt  }
0x75: {  	_ =	shalt  }
0x76: {  	_ =	shalt  }
0x77: {  	_ =	shalt  }
0x78: {  	_ =	shalt  }
0x79: {  	_ =	shalt  }
0x7a: {  	_ =	shalt  }
0x7b: {  	_ =	shalt  }
0x7c: {  	_ =	shalt  }
0x7d: {  	_ =	shalt  }
0x7e: {  	_ =	shalt  }
0x7f: {  	_ =	shalt  }
0x80: {  	_ =	shalt  }
0x81: {  	_ =	shalt  }
0x82: {  	_ =	shalt  }
0x83: {  	_ =	shalt  }
0x84: {  	_ =	shalt  }
0x85: {  	_ =	shalt  }
0x86: {  	_ =	shalt  }
0x87: {  	_ =	shalt  }
.Lfunc_end0:
.L_simem_size_0:
called_computation_lowered:
.L_overlay_start_0:
0x88: {  	s2 =	sld [smem:$0x3FD9]  }
0x89: {  	s3 =	sld [smem:$0x3FFE];
	_ =	sdelay $0x1  }
0x8a: {  	s1 =	srdreg.scid  }
0x8b: {  	s0 =	sand.u32 $0x1, s1  }
0x8c: {  	s17 =	sshll.u32 s0, $0xA;
	s2 =	sadd.s32 s3, s2  }
0x8d: {  	s2 =	sadd.s32 s2, s17  }
0x8e: {  	[smem:$0x3FC0] =	sst s2  }
0x8f: {  	_ = 	snop  }
0x90: {  	s2 =	sld [smem:$0x3FD0];
	(tm) =	ssettm $0x1  }
0x91: {  	s18 =	sld [smem:$0x3FFB];
	_ =	sdelay $0x3  }
0x92: {  	_ =	strace s18  }
0x93: {  	s3 =	sld [smem:$0x3FFC];
	_ =	sdelay $0x3  }
0x94: {  	_ =	strace s3  }
0x95: {  	s3 =	sld [smem:$0x3FFD];
	_ =	sdelay $0x3  }
0x96: {  	_ =	strace s3  }
0x97: {  	_ =	strace $0x8FFFFFFF  }
0x98: {  	s19 =	sld [smem:$0x3FDB];
	_ =	sdelay $0x1  }
0x99: {  	s4 =	simm.s32 $_scs_section_size  }
0x9a: {  	s5 =	simm.s32 $_size__tile_overlayer_lowered;
	s6 =	simm.s32 $_tile_overlayer_lowered  }
0x9b: {  	s22 =	simm.s32 $0x1BFF;
	s21 =	sshll.u32 s6, $0x1;
	s3 =	sadd.s32 s4, s19  }
0x9c: {  	s7 =	simm.s32 $0x0;
	s20 =	sshll.u32 s5, $0x1;
	s5 =	sadd.s32 s21, s3  }
0x9d: {  	[timem:s7], [sflag:s22] =	dma.local [hbm:s5], s20  }
0x9e: {  	_ =	swait.ge [sflag:s22], s20  }
0x9f: {  	s4 =	ssub.s32 $0x0, s20;
	[sflag:s22] =	ssyncset.done $0x0  }
0xa0: {  	[sflag:s22] =	ssyncadd.s32 s4;
	_ =	sdelay $0x1  }
0xa1: {  	s23 =	simm.s32 $0x1B8B  }
0xa2: {  	_ =	swait.ge [sflag:s23], $0x1  }
0xa3: {  	[sflag:s23] =	ssyncset.done $0x0  }
0xa4: {  	s25 =	simm.s32 $0x1B8E;
	s24 =	sld [smem:$0x3FFE];
	[sflag:s23] =	ssyncadd.s32 $0xFFFFFFFF  }
0xa5: {  	s26 =	simm.s32 $execute0_lowered;
	[smem:$0x3FD2] =	sst s25  }
0xa6: {  	s5 =	sshll.u32 s26, $0x1;
	_ =	strace $0x80000046;
	[dreg:$0x1] =	wrdreg $0xFFFFFFFF  }
0xa7: {  	s28 =	simm.s32 $_size_execute0_lowered;
	s3 =	sadd.s32 s3, s5;
	[dreg:$0x0] =	wrdreg $0x0  }
0xa8: {  	s5 =	sshll.u32 s28, $0x1;
	[dreg:$0x2] =	wrdreg s3  }
0xa9: {  	[dreg:$0x3] =	wrdreg s5  }
0xaa: {  	[dreg:$0x4] =	wrdreg $0xC0  }
0xab: {  	_ =	task [dreg:s7], $0x5FFFF  }
0xac: {  	[dreg:$0x1] =	wrdreg $0xFFFFFFFF  }
0xad: {  	[dreg:$0x0] =	wrdreg $0x60  }
0xae: {  	[dreg:$0x2] =	wrdreg s24  }
0xaf: {  	[dreg:$0x3] =	wrdreg s2  }
0xb0: {  	[dreg:$0x4] =	wrdreg $0x4F000  }
0xb1: {  	[dreg:$0x5] =	wrdreg $0xB7000  }
0xb2: {  	[dreg:$0x6] =	wrdreg $0x9  }
0xb3: {  	_ =	task.clear_ibuf [dreg:s7], $0x7FFFF;
	_ =	strace $0x90000046  }
0xb4: {  	s29 =	simm.s32 $0x9;
	_ =	strace $0x80000048  }
0xb5: {  	_ =	swait.ge [sflag:s29], $0x1  }
0xb6: {  	[sflag:s29] =	ssyncadd.s32 $0xFFFFFFFF  }
0xb7: {  	_ =	strace $0x90000048  }
0xb8: {  	_ =	sfence  }
0xb9: {  	s30 =	sld [smem:$0x0];
	_ =	sdelay $0x2  }
0xba: {  	s31 =	sshll.u32 s1, $0xD;
	s1 =	sshrl.u32 s1, $0x2  }
0xbb: {  	s3 =	sand.u32 $0x4000, s31;
	s1 =	sadd.s32 s1, s30  }
0xbc: {  	s0 =	sor.u32 s3, s0;
	s1 =	sshll.u32 s1, $0x11  }
0xbd: {  	s0 =	sor.u32 s1, s0  }
0xbe: {  	s0 =	sadd.s32 $0x8F2B, s0  }
0xbf: {  	[sflag:s0] =	ssyncadd.remote.s32 $0x1  }
0xc0: {  	_ =	sfence.sel $0xFFFF  }
0xc1: {  	[dreg:$0x0] =	wrdreg $0xFFFFFFFF;
	(pc) =	sbr.abs _section_cstart, $3  }
0xc2: {  	[dreg:$0x1] =	wrdreg $0xFFFFFFFF  }
0xc3: {  	_ =	task.clear_ibuf [dreg:s7], $0x2FFFF;
	_ =	strace $0x9FFFFFFF  }
0xc4: {  	(tm) =	ssettm $0x7FFFFFFF  }
0xc5: {  	_ =	shalt  }
tec
execute0_lowered:
.L_overlay_start_1:
0x0: {  	(tag) =	ssettag $0x1  }
0x1: {  	s0 =	rddreg [dreg:$0x0]  }
0x2: {  	s1 =	rddreg [dreg:$0x1]  }
0x3: {  	s2 =	rddreg [dreg:$0x2];
	s4 =	srdreg.scid  }
0x4: {  	s11 =	stileid.u32;
	s3 =	rddreg [dreg:$0x3]  }
0x5: {  	s7 =	simm.s32 $0x0;
	s28 =	simm.s32 $0x7F00;
	s29 =	simm.s32 $0x8700  }
0x6: {  	s30 =	simm.s32 $0x8F00;
	s31 =	simm.s32 $0x9700;
	s4 =	sand.u32 $0x1, s4  }
0x7: {  	s6 =	smul.u32 $0x2800, s11;
	[smem:$0x7FF] =	sst s7;
	s13 =	sshll.u32 s11, $0x1  }
0x8: {  	p0 =	sgt.u32 s11, $0x1;
	s11 =	simm.s32 $0x5;
	s5 =	smul.u32 $0x28000, s4  }
0x9: {  	_ =	strace $0x80000047;
	s8 =	ssub.s32 $0x2, s4;
	s4 =	sor.u32 s4, s13  }
0xa: {  	s9 =	sshrl.u32 s8, $0x1;
	s17 =	sadd.s32 s6, s2;
	s14 =	sadd.s32 $0x800, s6  }
0xb: {  	s18 =	sadd.s32 s6, s3;
	s16 =	sadd.s32 $0x1000, s6;
	s19 =	sadd.s32 $0x1800, s6  }
0xc: {  	s10 =	smul.u32 $0x2700, s4;
	s4 =	sshll.u32 s4, $0x4;
	s25 =	sadd.s32 s6, s5  }
0xd: {  	s5 =	sadd.s32 $0x2800, s0;
	s26 =	ssub.s32 s8, s9;
	[dreg:$0x5] =	wrdreg s17  }
0xe: {  	s15 =	sadd.s32 s14, s2;
	s8 =	sadd.s32 s14, s3;
	[dreg:$0x6] =	wrdreg s18  }
0xf: {  	s12 =	sadd.s32 s16, s2;
	s20 =	sadd.s32 s19, s2;
	[dreg:$0x7] =	wrdreg s15  }
0x10: {  	s21 =	sadd.s32 s19, s3;
	s6 =	sadd.s32 $0x2000, s6;
	[dreg:$0x8] =	wrdreg s8  }
0x11: {  	s19 =	simm.s32 $0x13;
	s9 =	simm.s32 $0x3;
	[dreg:$0x9] =	wrdreg s12  }
0x12: {  	s14 =	simm.s32 $0x0;
	s7 =	sshrl.u32 s25, $0x3;
	[dreg:$0xb] =	wrdreg s20  }
0x13: {  	s8 =	sadd.s32 s16, s3;
	[dreg:$0xc] =	wrdreg s21;
	s22 =	sshrl.u32 s10, $0x3  }
0x14: {  	s23 =	sadd.s32 s6, s2;
	s6 =	sadd.s32 s6, s3;
	s26 =	smax.u32 s26, $0x1  }
0x15: {  	s10 =	simm.s32 $0x4;
	s12 =	simm.s32 $0x6;
	[dreg:$0xa] =	wrdreg s8  }
0x16: {  	s20 =	simm.s32 $0xA;
	s21 =	simm.s32 $0x10;
	[dreg:$0xd] =	wrdreg s23  }
0x17: {  	s15 =	simm.s32 $0x11;
	s0 =	sadd.s32 s7, s0;
	[dreg:$0xf] =	wrdreg s6  }
0x18: {  	s8 =	sadd.s32 s1, s22;
	s1 =	sadd.s32 s4, s1;
	[dreg:$0x15] =	wrdreg s26  }
0x19: {  	s26 =	simm.s32 $0x7700;
	[dreg:$0xe] =	wrdreg s8;
	s24 =	sadd.s32 $0x9C40, s8  }
0x1a: {  	s22 =	simm.s32 $0xB;
	s4 =	sadd.s32 $0x9C00, s1;
	[dreg:$0x10] =	wrdreg s24  }
.Ltmp0:
0x1b: {  	s1 =	sadd.s32 $0x13840, s1;
	[dreg:$0x11] =	wrdreg s4;
	(pc) =	sbr.rel .LBB2_1-.Ltmp0, $4  }
0x1c: {  	s6 =	simm.s32 $0xC;
	s25 =	sadd.s32 $0x7800, s0;
	[dreg:$0x12] =	wrdreg s1  }
0x1d: {  	s7 =	simm.s32 $0x12;
	s0 =	sadd.s32 $0x11800, s0;
	[dreg:$0x13] =	wrdreg s25  }
0x1e: {  	s8 =	simm.s32 $0x2;
	[dreg:$0x14] =	wrdreg s0;
	s1 =	simm.s32 $0x80  }
0x1f: {  	v0 =	vimm.f32 $0.0e+00;
	v1 =	vimm.f32 $1.000000000e+00;
	s0 =	simm.s32 $0x9F00;
	s25 =	simm.s32 $0x1;
	s4 =	simm.s32 $0xAF00  }
.LBB2_8:
0x20: {  	s13 =	simm.s32 $0x7  }
0x21: {  	_ =	swait.ge [sflag:s13], $0x800  }
0x22: {  	[sflag:s13] =	ssyncset.done $0x0  }
0x23: {  	s19 =	simm.s32 $0xD;
	[sflag:s13] =	ssyncadd.s32 $0xFFFFF800  }
0x24: {  	_ =	swait.ge [sflag:s19], $0x800  }
0x25: {  	[sflag:s19] =	ssyncset.done $0x0  }
0x26: {  	s23 =	simm.s32 $0x8;
	[sflag:s19] =	ssyncadd.s32 $0xFFFFF800  }
0x27: {  	_ =	swait.ge [sflag:s23], $0x800  }
0x28: {  	[sflag:s23] =	ssyncset.done $0x0  }
0x29: {  	s24 =	simm.s32 $0xE;
	[sflag:s23] =	ssyncadd.s32 $0xFFFFF800  }
0x2a: {  	_ =	swait.ge [sflag:s24], $0x800  }
0x2b: {  	[sflag:s24] =	ssyncset.done $0x0  }
0x2c: {  	s14 =	simm.s32 $0x9;
	[sflag:s24] =	ssyncadd.s32 $0xFFFFF800  }
0x2d: {  	_ =	swait.ge [sflag:s14], $0x800  }
0x2e: {  	[sflag:s14] =	ssyncset.done $0x0  }
0x2f: {  	s16 =	simm.s32 $0xF;
	[sflag:s14] =	ssyncadd.s32 $0xFFFFF800  }
0x30: {  	_ =	swait.ge [sflag:s16], $0x800  }
0x31: {  	[sflag:s16] =	ssyncset.done $0x0  }
0x32: {  	[sflag:s16] =	ssyncadd.s32 $0xFFFFF800  }
0x33: {  	_ =	swait.ge [sflag:s20], $0x800  }
0x34: {  	[sflag:s20] =	ssyncset.done $0x0  }
0x35: {  	[sflag:s20] =	ssyncadd.s32 $0xFFFFF800  }
0x36: {  	_ =	swait.ge [sflag:s21], $0x800  }
0x37: {  	[sflag:s21] =	ssyncset.done $0x0  }
0x38: {  	[sflag:s21] =	ssyncadd.s32 $0xFFFFF800  }
0x39: {  	_ =	swait.ge [sflag:s22], $0x800  }
0x3a: {  	[sflag:s22] =	ssyncset.done $0x0  }
0x3b: {  	[sflag:s22] =	ssyncadd.s32 $0xFFFFF800  }
0x3c: {  	_ =	swait.ge [sflag:s15], $0x800  }
0x3d: {  	[sflag:s15] =	ssyncset.done $0x0  }
0x3e: {  	[sflag:s15] =	ssyncadd.s32 $0xFFFFF800  }
0x3f: {  	_ =	swait.ge [sflag:s6], $0x800  }
0x40: {  	[sflag:s6] =	ssyncset.done $0x0  }
0x41: {  	[sflag:s6] =	ssyncadd.s32 $0xFFFFF800  }
0x42: {  	_ =	swait.ge [sflag:s7], $0x800  }
0x43: {  	s13 =	simm.s32 @!p0 $0x0;
	[sflag:s7] =	ssyncset.done $0x0  }
0x44: {  	s14 =	simm.s32 @!p0 $0x4E00;
	s16 =	rddreg [dreg:$0x11];
	[sflag:s7] =	ssyncadd.s32 $0xFFFFF800  }
0x45: {  	[tilespmem:s14], [sflag:$0x13] =	stream.linear.gather @!p0 [hbm4b:s16+s13], $0x80, $0x38;
	[tilespmem:$0xDF00] =	vst v63  }
0x46: {  	s16 =	simm.s32 @!p0 $0x13  }
0x47: {  	_ =	swait.ge @!p0 [sflag:s16], $0x80  }
0x48: {  	[sflag:s16] =	ssyncset.done @!p0 $0x0  }
0x49: {  	s17 =	simm.s32 @!p0 $0x4E80;
	s18 =	rddreg [dreg:$0x12];
	[sflag:s16] =	ssyncadd.s32 @!p0 $0xFFFFFF80  }
0x4a: {  	[tilespmem:s17], [sflag:$0x13] =	stream.linear.gather @!p0 [hbm4b:s18+s13], $0x80, $0x38;
	[tilespmem:$0xDF00] =	vst v63  }
0x4b: {  	_ =	swait.ge @!p0 [sflag:s16], $0x80  }
0x4c: {  	[sflag:s16] =	ssyncset.done @!p0 $0x0  }
0x4d: {  	s13 =	simm.s32 @!p0 $0x80;
	s18 =	simm.s32 @!p0 $0x7700;
	[sflag:s16] =	ssyncadd.s32 @!p0 $0xFFFFFF80  }
0x4e: {  	[tilespmem:s18], [sflag:$0x13] =	stream.indirect.gather @!p0 [hbm4b:s5+s13], $0x10, s14, s13, $0xb8;
	[tilespmem:$0xDF00] =	vst v63  }
0x4f: {  	_ =	swait.ge @!p0 [sflag:s16], $0x800  }
0x50: {  	[sflag:s16] =	ssyncset.done @!p0 $0x0  }
0x51: {  	[sflag:s16] =	ssyncadd.s32 @!p0 $0xFFFFF800  }
0x52: {  	[spmem:s2] =	stream.indirect.scatter.add.f32 @!p0 [tilespmem:s18], [sflag:$0x13], $0x10, s17, s13, $0xb8;
	[tilespmem:$0xDF00] =	vst v63  }
0x53: {  	_ =	swait.ge @!p0 [sflag:s16], $0x800  }
0x54: {  	[sflag:s16] =	ssyncset.done @!p0 $0x0  }
0x55: {  	s14 =	simm.s32 @!p0 $0xAF00;
	[sflag:s16] =	ssyncadd.s32 @!p0 $0xFFFFF800  }
0x56: {  	[spmem:s3] =	stream.indirect.scatter.add.f32 @!p0 [tilespmem:s14], [sflag:$0x13], $0x10, s17, s13, $0xb8;
	[tilespmem:$0xDF00] =	vst v63  }
0x57: {  	_ =	swait.ge @!p0 [sflag:s16], $0x800  }
0x58: {  	[sflag:s16] =	ssyncset.done @!p0 $0x0  }
0x59: {  	[sflag:s16] =	ssyncadd.s32 @!p0 $0xFFFFF800  }
0x5a: {  	s17 =	stileid.u32;
	[bflag:$0x0] =	sbarrier.arrive $0xFFFF  }
0x5b: {  	s13 =	sshll.u32 s17, $0x6;
	s17 =	rddreg [dreg:$0x5]  }
0x5c: {  	s13 =	sor.u32 $0x1C13, s13;
	s19 =	rddreg [dreg:$0x13];
	s18 =	sshrl.u32 s17, $0x3  }
0x5d: {  	[hbm:s19], [sflag:s13] =	dma.local [spmem:s18], $0x500  }
0x5e: {  	s19 =	simm.s32 $0x13  }
0x5f: {  	_ =	swait.ge [sflag:s19], $0x500  }
0x60: {  	[sflag:s19] =	ssyncset.done $0x0;
	s18 =	rddreg [dreg:$0x6]  }
0x61: {  	s24 =	rddreg [dreg:$0x14];
	[sflag:s19] =	ssyncadd.s32 $0xFFFFFB00;
	s23 =	sshrl.u32 s18, $0x3  }
0x62: {  	[hbm:s24], [sflag:s13] =	dma.local [spmem:s23], $0x500  }
0x63: {  	_ =	swait.ge [sflag:s19], $0x500  }
0x64: {  	s23 =	rddreg [dreg:$0x16]  }
0x65: {  	s24 =	rddreg [dreg:$0x15];
	s14 =	sadd.s32 $0x1, s23  }
0x66: {  	p1 =	sne.s32 s14, s24  }
.Ltmp1:
0x67: {  	_ = 	snop;
	(pc) =	sbr.rel @!p1 .LBB2_9-.Ltmp1, $3  }
0x68: {  	_ =	sdelay $0x1  }
0x69: {  	[sflag:s19] =	ssyncset.done $0x0  }
0x6a: {  	[sflag:s19] =	ssyncadd.s32 $0xFFFFFB00  }
.LBB2_1:
0x6b: {  	[dreg:$0x16] =	wrdreg s14;
	s13 =	simm.s32 $0x40;
	s14 =	simm.s32 $0x0  }
.LBB2_2:
0x6c: {  	p1 =	sne.s32 s13, $0x1FC0;
	[tilespmem:s14+$0xA700] =	vst v0;
	s16 =	smov.u32 s13;
	s13 =	sadd.s32 $0x40, s13  }
.Ltmp2:
0x6d: {  	[tilespmem:s14+$0xAF00] =	vst v1;
	(pc) =	sbr.rel @p1 .LBB2_2-.Ltmp2, $2  }
0x6e: {  	_ =	sdelay $0x2  }
0x6f: {  	s14 =	sshra.s32 s16, $0x2  }
0x70: {  	[tilespmem:s14+$0xA700] =	vst v0  }
0x71: {  	[tilespmem:s14+$0xAF00] =	vst v1;
	s14 =	simm.s32 $0xA700  }
0x72: {  	[spmem:s17] =	stream.linear.scatter [tilespmem:s14], [sflag:$0x13], $0x800, $0x38;
	[tilespmem:$0xDF00] =	vst v63  }
0x73: {  	_ =	swait.ge [sflag:s19], $0x800  }
0x74: {  	[sflag:s19] =	ssyncset.done $0x0  }
0x75: {  	[sflag:s19] =	ssyncadd.s32 $0xFFFFF800  }
0x76: {  	[spmem:s18] =	stream.linear.scatter [tilespmem:s14], [sflag:$0x13], $0x800, $0x38;
	[tilespmem:$0xDF00] =	vst v63  }
0x77: {  	_ =	swait.ge [sflag:s19], $0x800  }
0x78: {  	[sflag:s19] =	ssyncset.done $0x0  }
0x79: {  	s13 =	rddreg [dreg:$0x7];
	[sflag:s19] =	ssyncadd.s32 $0xFFFFF800  }
0x7a: {  	[spmem:s13] =	stream.linear.scatter [tilespmem:s14], [sflag:$0x13], $0x800, $0x38;
	[tilespmem:$0xDF00] =	vst v63  }
0x7b: {  	_ =	swait.ge [sflag:s19], $0x800  }
0x7c: {  	[sflag:s19] =	ssyncset.done $0x0  }
0x7d: {  	s16 =	rddreg [dreg:$0x8];
	[sflag:s19] =	ssyncadd.s32 $0xFFFFF800  }
0x7e: {  	[spmem:s16] =	stream.linear.scatter [tilespmem:s14], [sflag:$0x13], $0x800, $0x38;
	[tilespmem:$0xDF00] =	vst v63  }
0x7f: {  	_ =	swait.ge [sflag:s19], $0x800  }
0x80: {  	[sflag:s19] =	ssyncset.done $0x0  }
0x81: {  	s17 =	rddreg [dreg:$0x9];
	[sflag:s19] =	ssyncadd.s32 $0xFFFFF800  }
0x82: {  	[spmem:s17] =	stream.linear.scatter [tilespmem:s14], [sflag:$0x13], $0x800, $0x38;
	[tilespmem:$0xDF00] =	vst v63  }
0x83: {  	_ =	swait.ge [sflag:s19], $0x800  }
0x84: {  	[sflag:s19] =	ssyncset.done $0x0  }
0x85: {  	s18 =	rddreg [dreg:$0xa];
	[sflag:s19] =	ssyncadd.s32 $0xFFFFF800  }
0x86: {  	[spmem:s18] =	stream.linear.scatter [tilespmem:s14], [sflag:$0x13], $0x800, $0x38;
	[tilespmem:$0xDF00] =	vst v63  }
0x87: {  	_ =	swait.ge [sflag:s19], $0x800  }
0x88: {  	[sflag:s19] =	ssyncset.done $0x0  }
0x89: {  	s23 =	rddreg [dreg:$0xb];
	[sflag:s19] =	ssyncadd.s32 $0xFFFFF800  }
0x8a: {  	[spmem:s23] =	stream.linear.scatter [tilespmem:s14], [sflag:$0x13], $0x800, $0x38;
	[tilespmem:$0xDF00] =	vst v63  }
0x8b: {  	_ =	swait.ge [sflag:s19], $0x800  }
0x8c: {  	[sflag:s19] =	ssyncset.done $0x0  }
0x8d: {  	s24 =	rddreg [dreg:$0xc];
	[sflag:s19] =	ssyncadd.s32 $0xFFFFF800  }
0x8e: {  	[spmem:s24] =	stream.linear.scatter [tilespmem:s14], [sflag:$0x13], $0x800, $0x38;
	[tilespmem:$0xDF00] =	vst v63  }
0x8f: {  	_ =	swait.ge [sflag:s19], $0x800  }
0x90: {  	[sflag:s19] =	ssyncset.done $0x0  }
0x91: {  	s16 =	rddreg [dreg:$0xd];
	[sflag:s19] =	ssyncadd.s32 $0xFFFFF800  }
0x92: {  	[spmem:s16] =	stream.linear.scatter [tilespmem:s14], [sflag:$0x13], $0x800, $0x38;
	[tilespmem:$0xDF00] =	vst v63  }
0x93: {  	_ =	swait.ge [sflag:s19], $0x800  }
0x94: {  	[sflag:s19] =	ssyncset.done $0x0  }
0x95: {  	s17 =	rddreg [dreg:$0xf];
	[sflag:s19] =	ssyncadd.s32 $0xFFFFF800  }
0x96: {  	[spmem:s17] =	stream.linear.scatter [tilespmem:s14], [sflag:$0x13], $0x800, $0x38;
	[tilespmem:$0xDF00] =	vst v63  }
0x97: {  	_ =	swait.ge [sflag:s19], $0x800  }
0x98: {  	[sflag:s19] =	ssyncset.done $0x0  }
0x99: {  	s18 =	simm.s32 $0x0;
	s23 =	rddreg [dreg:$0xe];
	[sflag:s19] =	ssyncadd.s32 $0xFFFFF800  }
0x9a: {  	[tilespmem:s18], [sflag:$0x13] =	stream.linear.gather [hbm4b:s23+s18], $0x2700, $0x38;
	[tilespmem:$0xDF00] =	vst v63  }
0x9b: {  	_ =	swait.ge [sflag:s19], $0x2700  }
0x9c: {  	[sflag:s19] =	ssyncset.done $0x0  }
0x9d: {  	s16 =	simm.s32 $0x2700;
	s24 =	rddreg [dreg:$0x10];
	[sflag:s19] =	ssyncadd.s32 $0xFFFFD900  }
0x9e: {  	[tilespmem:s16], [sflag:$0x13] =	stream.linear.gather [hbm4b:s24+s18], $0x2700, $0x38;
	[tilespmem:$0xDF00] =	vst v63  }
.Ltmp3:
0x9f: {  	_ =	swait.ge [sflag:s19], $0x2700;
	(pc) =	sbr.rel .LBB2_4-.Ltmp3, $4  }
0xa0: {  	[sflag:s19] =	ssyncset.done $0x0  }
0xa1: {  	[sflag:s19] =	ssyncadd.s32 $0xFFFFD900  }
0xa2: {  	[bflag:$0x0] =	sbarrier.arrive $0xFFFF  }
0xa3: {  	s23 =	simm.s32 $0x200;
	s24 =	simm.s32 $0x200  }
.LBB2_6:
0xa4: {  	s13 =	simm.s32 $0x7  }
0xa5: {  	_ =	swait.ge [sflag:s13], $0x800  }
0xa6: {  	[sflag:s13] =	ssyncset.done $0x0  }
0xa7: {  	s16 =	simm.s32 $0xD;
	[sflag:s13] =	ssyncadd.s32 $0xFFFFF800  }
0xa8: {  	_ =	swait.ge [sflag:s16], $0x800  }
0xa9: {  	[sflag:s16] =	ssyncset.done $0x0  }
0xaa: {  	s17 =	sadd.s32 $0xFFFFFE00, s24;
	s18 =	simm.s32 $0x8;
	[sflag:s16] =	ssyncadd.s32 $0xFFFFF800  }
0xab: {  	[tilespmem:s26], [sflag:$0x1] =	stream.indirect.gather [hbm4b:s5+s1], $0x10, s17, s1, $0xb8;
	[tilespmem:$0xDF00] =	vst v63  }
0xac: {  	_ =	swait.ge [sflag:s18], $0x800  }
0xad: {  	[sflag:s18] =	ssyncset.done $0x0  }
0xae: {  	s19 =	simm.s32 $0xE;
	[sflag:s18] =	ssyncadd.s32 $0xFFFFF800  }
0xaf: {  	_ =	swait.ge [sflag:s19], $0x800  }
0xb0: {  	[sflag:s19] =	ssyncset.done $0x0  }
0xb1: {  	s14 =	sadd.s32 $0xFFFFFE80, s24;
	s16 =	simm.s32 $0x9;
	[sflag:s19] =	ssyncadd.s32 $0xFFFFF800  }
0xb2: {  	[tilespmem:s28], [sflag:$0x2] =	stream.indirect.gather [hbm4b:s5+s1], $0x10, s14, s1, $0xb8;
	[tilespmem:$0xDF00] =	vst v63  }
0xb3: {  	_ =	swait.ge [sflag:s16], $0x800  }
0xb4: {  	[sflag:s16] =	ssyncset.done $0x0  }
0xb5: {  	s17 =	simm.s32 $0xF;
	[sflag:s16] =	ssyncadd.s32 $0xFFFFF800  }
0xb6: {  	_ =	swait.ge [sflag:s17], $0x800  }
0xb7: {  	[sflag:s17] =	ssyncset.done $0x0  }
0xb8: {  	s18 =	sadd.s32 $0xFFFFFF00, s24;
	[sflag:s17] =	ssyncadd.s32 $0xFFFFF800  }
0xb9: {  	[tilespmem:s29], [sflag:$0x3] =	stream.indirect.gather [hbm4b:s5+s1], $0x10, s18, s1, $0xb8;
	[tilespmem:$0xDF00] =	vst v63  }
0xba: {  	_ =	swait.ge [sflag:s20], $0x800  }
0xbb: {  	[sflag:s20] =	ssyncset.done $0x0  }
0xbc: {  	[sflag:s20] =	ssyncadd.s32 $0xFFFFF800  }
0xbd: {  	_ =	swait.ge [sflag:s21], $0x800  }
0xbe: {  	[sflag:s21] =	ssyncset.done $0x0  }
0xbf: {  	s19 =	sadd.s32 $0xFFFFFF80, s24;
	[sflag:s21] =	ssyncadd.s32 $0xFFFFF800  }
0xc0: {  	[tilespmem:s30], [sflag:$0x4] =	stream.indirect.gather [hbm4b:s5+s1], $0x10, s19, s1, $0xb8;
	[tilespmem:$0xDF00] =	vst v63  }
0xc1: {  	_ =	swait.ge [sflag:s22], $0x800  }
0xc2: {  	[sflag:s22] =	ssyncset.done $0x0  }
0xc3: {  	[sflag:s22] =	ssyncadd.s32 $0xFFFFF800  }
0xc4: {  	_ =	swait.ge [sflag:s15], $0x800  }
0xc5: {  	[sflag:s15] =	ssyncset.done $0x0  }
0xc6: {  	[sflag:s15] =	ssyncadd.s32 $0xFFFFF800  }
0xc7: {  	[tilespmem:s31], [sflag:$0x5] =	stream.indirect.gather [hbm4b:s5+s1], $0x10, s24, s1, $0xb8;
	[tilespmem:$0xDF00] =	vst v63  }
0xc8: {  	_ =	swait.ge [sflag:s6], $0x800  }
0xc9: {  	[sflag:s6] =	ssyncset.done $0x0  }
0xca: {  	[sflag:s6] =	ssyncadd.s32 $0xFFFFF800  }
0xcb: {  	s13 =	sadd.s32 $0xFFFFFE00, s23;
	_ =	swait.ge [sflag:s7], $0x800  }
0xcc: {  	s14 =	smov.u32 s23;
	s16 =	sadd.s32 $0xFFFFFF80, s23;
	[sflag:s7] =	ssyncset.done $0x0  }
0xcd: {  	s17 =	sadd.s32 $0xFFFFFF00, s23;
	s18 =	sadd.s32 $0xFFFFFE80, s23;
	[sflag:s7] =	ssyncadd.s32 $0xFFFFF800  }
.LBB2_7:
0xce: {  	s19 =	sadd.s32 $0x280, s13  }
0xcf: {  	[tilespmem:s0], [sflag:$0x6] =	stream.indirect.gather [hbm4b:s5+s1], $0x10, s19, s1, $0xb8;
	[tilespmem:$0xDF00] =	vst v63  }
0xd0: {  	_ =	swait.ge [sflag:s25], $0x800  }
0xd1: {  	[sflag:s25] =	ssyncset.done $0x0  }
0xd2: {  	s19 =	sadd.s32 $0x2700, s13;
	[sflag:s25] =	ssyncadd.s32 $0xFFFFF800  }
0xd3: {  	[spmem:s2] =	stream.indirect.scatter.add.f32 [tilespmem:s26], [sflag:$0x7], $0x10, s19, s1, $0xb8;
	[tilespmem:$0xDF00] =	vst v63  }
0xd4: {  	_ = 	snop  }
0xd5: {  	[spmem:s3] =	stream.indirect.scatter.add.f32 [tilespmem:s4], [sflag:$0xD], $0x10, s19, s1, $0xb8;
	[tilespmem:$0xDF00] =	vst v63  }
0xd6: {  	_ =	swait.ge [sflag:s8], $0x800  }
0xd7: {  	[sflag:s8] =	ssyncset.done $0x0  }
0xd8: {  	s18 =	sadd.s32 $0x2700, s18;
	[sflag:s8] =	ssyncadd.s32 $0xFFFFF800  }
0xd9: {  	[spmem:s2] =	stream.indirect.scatter.add.f32 [tilespmem:s28], [sflag:$0x8], $0x10, s18, s1, $0xb8;
	[tilespmem:$0xDF00] =	vst v63  }
0xda: {  	_ = 	snop  }
0xdb: {  	[spmem:s3] =	stream.indirect.scatter.add.f32 [tilespmem:s4], [sflag:$0xE], $0x10, s18, s1, $0xb8;
	[tilespmem:$0xDF00] =	vst v63  }
0xdc: {  	_ =	swait.ge [sflag:s9], $0x800  }
0xdd: {  	[sflag:s9] =	ssyncset.done $0x0  }
0xde: {  	s17 =	sadd.s32 $0x2700, s17;
	[sflag:s9] =	ssyncadd.s32 $0xFFFFF800  }
0xdf: {  	[spmem:s2] =	stream.indirect.scatter.add.f32 [tilespmem:s29], [sflag:$0x9], $0x10, s17, s1, $0xb8;
	[tilespmem:$0xDF00] =	vst v63  }
0xe0: {  	_ = 	snop  }
0xe1: {  	[spmem:s3] =	stream.indirect.scatter.add.f32 [tilespmem:s4], [sflag:$0xF], $0x10, s17, s1, $0xb8;
	[tilespmem:$0xDF00] =	vst v63  }
0xe2: {  	_ =	swait.ge [sflag:s10], $0x800  }
0xe3: {  	[sflag:s10] =	ssyncset.done $0x0  }
0xe4: {  	s16 =	sadd.s32 $0x2700, s16;
	[sflag:s10] =	ssyncadd.s32 $0xFFFFF800  }
0xe5: {  	[spmem:s2] =	stream.indirect.scatter.add.f32 [tilespmem:s30], [sflag:$0xA], $0x10, s16, s1, $0xb8;
	[tilespmem:$0xDF00] =	vst v63  }
0xe6: {  	_ = 	snop  }
0xe7: {  	[spmem:s3] =	stream.indirect.scatter.add.f32 [tilespmem:s4], [sflag:$0x10], $0x10, s16, s1, $0xb8;
	[tilespmem:$0xDF00] =	vst v63  }
0xe8: {  	_ =	swait.ge [sflag:s11], $0x800  }
0xe9: {  	[sflag:s11] =	ssyncset.done $0x0  }
0xea: {  	s14 =	sadd.s32 $0x2700, s14;
	[sflag:s11] =	ssyncadd.s32 $0xFFFFF800  }
0xeb: {  	[spmem:s2] =	stream.indirect.scatter.add.f32 [tilespmem:s31], [sflag:$0xB], $0x10, s14, s1, $0xb8;
	[tilespmem:$0xDF00] =	vst v63  }
0xec: {  	s23 =	sadd.s32 $0x300, s23  }
0xed: {  	[spmem:s3] =	stream.indirect.scatter.add.f32 [tilespmem:s4], [sflag:$0x11], $0x10, s14, s1, $0xb8;
	[tilespmem:$0xDF00] =	vst v63  }
0xee: {  	p1 =	sne.s32 s23, $0x2900;
	_ =	swait.ge [sflag:s12], $0x800  }
.Ltmp4:
0xef: {  	[sflag:s12] =	ssyncset.done $0x0;
	(pc) =	sbr.rel @!p1 .LBB2_8-.Ltmp4, $4  }
0xf0: {  	s19 =	sadd.s32 $0x2980, s13;
	[sflag:s12] =	ssyncadd.s32 $0xFFFFF800  }
0xf1: {  	[spmem:s2] =	stream.indirect.scatter.add.f32 [tilespmem:s0], [sflag:$0xC], $0x10, s19, s1, $0xb8;
	[tilespmem:$0xDF00] =	vst v63  }
0xf2: {  	s24 =	sadd.s32 $0x300, s24  }
0xf3: {  	[spmem:s3] =	stream.indirect.scatter.add.f32 [tilespmem:s4], [sflag:$0x12], $0x10, s19, s1, $0xb8;
	[tilespmem:$0xDF00] =	vst v63  }
.LBB2_4:
0xf4: {  	p1 =	sne.s32 s23, $0x200  }
.Ltmp5:
0xf5: {  	_ = 	snop;
	(pc) =	sbr.rel @p1 .LBB2_6-.Ltmp5, $1  }
0xf6: {  	_ =	sdelay $0x3  }
0xf7: {  	s18 =	simm.s32 $0x80;
	s13 =	simm.s32 $0x0  }
0xf8: {  	[tilespmem:s26], [sflag:$0x1] =	stream.indirect.gather [hbm4b:s5+s18], $0x10, s13, s18, $0xb8;
	[tilespmem:$0xDF00] =	vst v63  }
0xf9: {  	_ = 	snop  }
0xfa: {  	[tilespmem:s28], [sflag:$0x2] =	stream.indirect.gather [hbm4b:s5+s18], $0x10, s18, s18, $0xb8;
	[tilespmem:$0xDF00] =	vst v63  }
0xfb: {  	s17 =	simm.s32 $0x100  }
0xfc: {  	[tilespmem:s29], [sflag:$0x3] =	stream.indirect.gather [hbm4b:s5+s18], $0x10, s17, s18, $0xb8;
	[tilespmem:$0xDF00] =	vst v63  }
.Ltmp6:
0xfd: {  	_ = 	snop;
	(pc) =	sbr.rel .LBB2_7-.Ltmp6, $4  }
0xfe: {  	s16 =	simm.s32 $0x180  }
0xff: {  	[tilespmem:s30], [sflag:$0x4] =	stream.indirect.gather [hbm4b:s5+s18], $0x10, s16, s18, $0xb8;
	[tilespmem:$0xDF00] =	vst v63  }
0x100: {  	s14 =	simm.s32 $0x200  }
0x101: {  	[tilespmem:s31], [sflag:$0x5] =	stream.indirect.gather [hbm4b:s5+s18], $0x10, s14, s18, $0xb8;
	[tilespmem:$0xDF00] =	vst v63  }
.LBB2_9:
0x102: {  	_ =	sfence.sel $0x180000  }
0x103: {  	[bflag:$0x0] =	sbarrier.arrive $0xFFFF  }
0x104: {  	_ =	strace $0x90000047  }
0x105: {  	s0 =	stileid.u32;
	[bflag:$0x2] =	sbarrier.arrive $0xFFFF  }
0x106: {  	p0 =	sne.s32 s0, $0x0;
	s0 =	rddreg [dreg:$0x4]  }
0x107: {  	s0 =	sadd.s32 @!p0 $0x100000, s0  }
0x108: {  	[sflag:s0] =	ssyncadd.tile.s32 @!p0 $0x1;
	_ =	shalt  }
.Lfunc_end2:
_tile_overlayer_lowered:
.L_overlay_start_2:
0x109: {  	(tag) =	ssettag $0x2  }
0x10a: {  	s0 =	rddreg [dreg:$0x0];
	s2 =	stileid.u32  }
0x10b: {  	s1 =	rddreg [dreg:$0x1];
	p0 =	sne.s32 s2, $0x0  }
0x10c: {  	s3 =	rddreg [dreg:$0x2];
	[bflag:$0x3] =	sbarrier.arrive $0xFFFF;
	s2 =	simm.s32 @!p0 $0x1C13  }
0x10d: {  	[timem:s3], [sflag:s2] =	dma.local @!p0 [hbm:s0], s1  }
0x10e: {  	s0 =	simm.s32 @!p0 $0x13  }
0x10f: {  	_ =	swait.ge @!p0 [sflag:s0], s1  }
0x110: {  	s1 =	ssub.s32 @!p0 $0x0, s1;
	[sflag:s0] =	ssyncset.done @!p0 $0x0  }
0x111: {  	[sflag:s0] =	ssyncadd.s32 @!p0 s1  }
0x112: {  	[bflag:$0x3] =	sbarrier.arrive $0xFFFF  }
0x113: {  	_ =	shalt  }

</sc_bundles>
